<compile_context>
chip_gen: v7x
topology: tpu7x:2x2x1
jax: 0.10.2.dev20260603
libtpu: 0.0.44.dev20260713+nightly
codegen_flags: <defaults>
</compile_context>

<pallas_src>
import functools

import jax
import jax.numpy as jnp
from jax import lax
from jax.experimental import pallas as pl
from jax.experimental.pallas import tpu as pltpu
from jax.experimental.pallas import tpu_sc as plsc

EMBED_DIM = 128
VOCAB = 11
BATCH = 16384
_VPAD = 16
_NPAIR = 128
_PAIR_DIM = 2 * EMBED_DIM
_LROW = 128

_NC = 2
_NS = 16
_NW = _NC * _NS
_NPAIRS = BATCH // 2
_P_PER_W = _NPAIRS // _NW
_LANES = 16
_NCHUNK = 4
_CPAIR = _P_PER_W // _NCHUNK


def _prep_body(tpad_ref, gamma_ref, beta_ref, lab_ref, pairs_ref, pidx_ref):
    x = tpad_ref[...]
    mean = jnp.mean(x, axis=1, keepdims=True)
    d = x - mean
    var = jnp.mean(d * d, axis=1, keepdims=True)
    norm = d * lax.rsqrt(var + 1e-5) * gamma_ref[...] + beta_ref[...]

    k = lax.broadcasted_iota(jnp.int32, (_NPAIR, 1), 0)
    cols = lax.broadcasted_iota(jnp.int32, (_NPAIR, _VPAD), 1)
    oh_i = jnp.where(cols == k // VOCAB, 1.0, 0.0)
    oh_j = jnp.where(cols == k % VOCAB, 1.0, 0.0)
    pairs_ref[:, :EMBED_DIM] = jnp.dot(
        oh_i, norm, preferred_element_type=jnp.float32,
        precision=lax.Precision.HIGHEST)
    pairs_ref[:, EMBED_DIM:] = jnp.dot(
        oh_j, norm, preferred_element_type=jnp.float32,
        precision=lax.Precision.HIGHEST)

    r = lax.broadcasted_iota(jnp.int32, (_LROW, _LROW // 2), 0)
    t = lax.broadcasted_iota(jnp.int32, (_LROW, _LROW // 2), 1)
    w = jnp.where(r == 2 * t, float(VOCAB), 0.0) + jnp.where(
        r == 2 * t + 1, 1.0, 0.0)
    labf = lab_ref[...].astype(jnp.float32)
    pidx_ref[...] = jnp.dot(
        labf, w, preferred_element_type=jnp.float32,
        precision=lax.Precision.HIGHEST).astype(jnp.int32)


_tc_prep = pl.pallas_call(
    _prep_body,
    out_shape=(
        jax.ShapeDtypeStruct((_NPAIR, _PAIR_DIM), jnp.float32),
        jax.ShapeDtypeStruct((_LROW, _LROW // 2), jnp.int32),
    ),
)


_sc_mesh = plsc.VectorSubcoreMesh(core_axis_name="c", subcore_axis_name="s")


@functools.partial(
    pl.kernel,
    mesh=_sc_mesh,
    out_type=jax.ShapeDtypeStruct((_NPAIRS, _PAIR_DIM), jnp.float32),
    scratch_types=[
        pltpu.VMEM((_NPAIR, _PAIR_DIM), jnp.float32),
        pltpu.VMEM((_P_PER_W,), jnp.int32),
        pltpu.VMEM((_P_PER_W, _PAIR_DIM), jnp.float32),
        pltpu.SemaphoreType.DMA,
    ],
)
def _sc_build(pairs_hbm, pidx_hbm, out_hbm, table_v, pidx_v, rows_v, sem):
    wid = lax.axis_index("s") * _NC + lax.axis_index("c")
    base = wid * _P_PER_W
    pltpu.sync_copy(pairs_hbm, table_v)
    pltpu.sync_copy(pidx_hbm.at[pl.ds(base, _P_PER_W)], pidx_v)

    copies = []
    for ch in range(_NCHUNK):
        def body(c, _, ch=ch):
            g = ch * _CPAIR + c * _LANES
            pv = pidx_v[pl.ds(g, _LANES)]
            for l in range(_LANES):
                rows_v[g + l, :] = table_v[pv[l], :]
            return _

        lax.fori_loop(0, _CPAIR // _LANES, body, None)
        copies.append(pltpu.async_copy(
            rows_v.at[pl.ds(ch * _CPAIR, _CPAIR)],
            out_hbm.at[pl.ds(base + ch * _CPAIR, _CPAIR)],
            sem,
        ))
    for cp in copies:
        cp.wait()


def kernel(labels, table, gamma, beta):
    tpad = jnp.zeros((_VPAD, EMBED_DIM), jnp.float32).at[:VOCAB].set(table)
    lab2d = labels.astype(jnp.int32).reshape(_LROW, _LROW)
    pairs, pidx = _tc_prep(
        tpad, gamma.reshape(1, EMBED_DIM), beta.reshape(1, EMBED_DIM), lab2d
    )
    out = _sc_build(pairs, pidx.reshape(_NPAIRS))
    return out.reshape(BATCH, 1, EMBED_DIM)

# --- scband reference (transcript-rebuilt; emitter-appended) ---
"""Pipeline reference for scband-digit-text-encoder-26328149524975 (READ-ONLY COPY).

The authoritative reference and input builder live on the scoring server;
editing this copy changes nothing except your own understanding.
"""

import jax, jax.numpy as jnp
import numpy as np

EMBED_DIM = 128
VOCAB = 11
BATCH = 16384


def setup_inputs(seed: int = 0) -> dict:
    key = jax.random.key(seed)
    k1, k2 = jax.random.split(key)
    labels = jax.random.randint(k1, (BATCH,), 0, VOCAB, dtype=jnp.int64 if jax.config.jax_enable_x64 else jnp.int32)
    table = jax.random.normal(k2, (VOCAB, EMBED_DIM), dtype=jnp.float32)
    gamma = jnp.ones((EMBED_DIM,), dtype=jnp.float32)
    beta = jnp.zeros((EMBED_DIM,), dtype=jnp.float32)
    return {"labels": labels, "table": table, "gamma": gamma, "beta": beta}


def _layer_norm(x, gamma, beta, eps=1e-5):
    mean = jnp.mean(x, axis=-1, keepdims=True)
    var = jnp.mean((x - mean) ** 2, axis=-1, keepdims=True)
    xhat = (x - mean) * jax.lax.rsqrt(var + eps)
    return xhat * gamma + beta


def reference(labels, table, gamma, beta):
    # embedding lookup -> unsqueeze(1) -> LayerNorm over last dim
    x = jnp.take(table, labels, axis=0)          # [B, D]
    x = x[:, None, :]                             # [B, 1, D]
    x = _layer_norm(x, gamma, beta)
    return x

if __name__ == "__main__":
    import jax
    _d = setup_inputs()
    print(jax.jit(kernel)(*tuple(_d.values())))

</pallas_src>

<mosaic_0001>
#map = affine_map<(d0, d1) -> (0, 0)>
#map1 = affine_map<(d0, d1) -> (0)>
module attributes {stable_mosaic.version = 14 : i64} {
  func.func @_sc_build(%arg0: i32, %arg1: i32, %arg2: memref<128x256xf32, #tpu.memory_space<hbm>>, %arg3: memref<8192xi32, #tpu.memory_space<hbm>>, %arg4: memref<8192x256xf32, #tpu.memory_space<hbm>>, %arg5: memref<128x256xf32, #tpu.memory_space<vmem>>, %arg6: memref<256xi32, #tpu.memory_space<vmem>>, %arg7: memref<256x256xf32, #tpu.memory_space<vmem>>, %arg8: memref<!tpu.dma_semaphore, #tpu.memory_space<semaphore_mem>>) attributes {dimension_semantics = [#tpu.dimension_semantics<core_parallel>, #tpu.dimension_semantics<subcore_parallel>], iteration_bounds = array<i64: 2, 16>, scalar_prefetch = 0 : i64, scratch_operands = 4 : i64, tpu.core_type = #tpu.core_type<sc_vector_subcore>, window_params = [{transform_indices = #map}, {transform_indices = #map1}, {transform_indices = #map}]} {
    %mul3A = arith.constant 2 : i32
    %mul3A_0 = arith.muli %arg1, %mul3A : i32
    %add3A = arith.addi %mul3A_0, %arg0 : i32
    %mul3A_1 = arith.constant 256 : i32
    %mul3A_2 = arith.muli %add3A, %mul3A_1 : i32
    "tpu.region"() ({
      %run_scoped3A = tpu.sem_alloc : memref<!tpu.dma_semaphore, #tpu.memory_space<semaphore_mem>>
      tpu.enqueue_dma source(%arg2 : memref<128x256xf32, #tpu.memory_space<hbm>>) target(%arg5 : memref<128x256xf32, #tpu.memory_space<vmem>>) target_semaphore(%run_scoped3A : memref<!tpu.dma_semaphore, #tpu.memory_space<semaphore_mem>>)
      tpu.wait_dma2 semaphore(%run_scoped3A : memref<!tpu.dma_semaphore, #tpu.memory_space<semaphore_mem>>) src(%arg2 : memref<128x256xf32, #tpu.memory_space<hbm>>) dst(%arg5 : memref<128x256xf32, #tpu.memory_space<vmem>>)
      tpu.yield
    }) : () -> ()
    "tpu.region"() ({
      %run_scoped3A = tpu.sem_alloc : memref<!tpu.dma_semaphore, #tpu.memory_space<semaphore_mem>>
      %dma_start3A_108 = tpu.memref_slice %arg3[%mul3A_2] : memref<8192xi32, #tpu.memory_space<hbm>> -> memref<256xi32, #tpu.memory_space<hbm>>
      %dma_start3A_109 = tpu.memref_slice %arg3[%mul3A_2] : memref<8192xi32, #tpu.memory_space<hbm>> -> memref<256xi32, #tpu.memory_space<hbm>>
      tpu.enqueue_dma source(%dma_start3A_109 : memref<256xi32, #tpu.memory_space<hbm>>) target(%arg6 : memref<256xi32, #tpu.memory_space<vmem>>) target_semaphore(%run_scoped3A : memref<!tpu.dma_semaphore, #tpu.memory_space<semaphore_mem>>)
      %dma_wait3A_110 = tpu.memref_slice %arg3[%mul3A_2] : memref<8192xi32, #tpu.memory_space<hbm>> -> memref<256xi32, #tpu.memory_space<hbm>>
      %dma_wait3A_111 = tpu.memref_slice %arg3[%mul3A_2] : memref<8192xi32, #tpu.memory_space<hbm>> -> memref<256xi32, #tpu.memory_space<hbm>>
      tpu.wait_dma2 semaphore(%run_scoped3A : memref<!tpu.dma_semaphore, #tpu.memory_space<semaphore_mem>>) src(%dma_wait3A_111 : memref<256xi32, #tpu.memory_space<hbm>>) dst(%arg6 : memref<256xi32, #tpu.memory_space<vmem>>)
      tpu.yield
    }) : () -> ()
    %scan3A = arith.constant 0 : i32
    %scan3A_3 = arith.constant 4 : i32
    %scan3A_4 = arith.addi %scan3A, %scan3A_3 : i32
    %scan3A_5 = arith.constant 1 : i32
    scf.for %scan3A_108 = %scan3A to %scan3A_4 step %scan3A_5  : i32 {
      %mul3A_109 = arith.constant 16 : i32
      %mul3A_110 = arith.muli %scan3A_108, %mul3A_109 : i32
      %add3A_111 = arith.constant 0 : i32
      %add3A_112 = arith.addi %add3A_111, %mul3A_110 : i32
      %get3A = arith.index_cast %add3A_112 : i32 to index
      %get3A_113 = tpu.vector_load %arg6[%get3A] {strides = array<i32>} : memref<256xi32, #tpu.memory_space<vmem>>, vector<16xi32>,
      %get3A_114 = vector.shape_cast %get3A_113 : vector<16xi32> to vector<16xi32>
      %slice3A = vector.extract_strided_slice %get3A_114 {offsets = [0], sizes = [1], strides = [1]} : vector<16xi32> to vector<1xi32>
      %squeeze3A = vector.extract %slice3A[0] : i32 from vector<1xi32>
      %get3A_115 = arith.index_cast %squeeze3A : i32 to index
      %get3A_116 = arith.constant 0 : index
      %get3A_117 = tpu.vector_load %arg5[%get3A_115, %get3A_116] {strides = array<i32>} : memref<128x256xf32, #tpu.memory_space<vmem>>, vector<1x256xf32>,
      %get3A_118 = vector.shape_cast %get3A_117 : vector<1x256xf32> to vector<256xf32>
      %add3A_119 = arith.constant 0 : i32
      %add3A_120 = arith.addi %add3A_112, %add3A_119 : i32
      %swap3A = arith.index_cast %add3A_120 : i32 to index
      %swap3A_121 = arith.constant 0 : index
      %swap3A_122 = tpu.vector_load %arg7[%swap3A, %swap3A_121] {strides = array<i32>} : memref<256x256xf32, #tpu.memory_space<vmem>>, vector<1x256xf32>,
      %swap3A_123 = vector.shape_cast %swap3A_122 : vector<1x256xf32> to vector<256xf32>
      %swap3A_124 = vector.shape_cast %get3A_118 : vector<256xf32> to vector<1x256xf32>
      tpu.vector_store %arg7[%swap3A, %swap3A_121], %swap3A_124 {strides = array<i32>} : memref<256x256xf32, #tpu.memory_space<vmem>>, vector<1x256xf32>,
      %slice3A_125 = vector.extract_strided_slice %get3A_114 {offsets = [1], sizes = [1], strides = [1]} : vector<16xi32> to vector<1xi32>
      %squeeze3A_126 = vector.extract %slice3A_125[0] : i32 from vector<1xi32>
      %get3A_127 = arith.index_cast %squeeze3A_126 : i32 to index
      %get3A_128 = arith.constant 0 : index
      %get3A_129 = tpu.vector_load %arg5[%get3A_127, %get3A_128] {strides = array<i32>} : memref<128x256xf32, #tpu.memory_space<vmem>>, vector<1x256xf32>,
      %get3A_130 = vector.shape_cast %get3A_129 : vector<1x256xf32> to vector<256xf32>
      %add3A_131 = arith.constant 1 : i32
      %add3A_132 = arith.addi %add3A_112, %add3A_131 : i32
      %swap3A_133 = arith.index_cast %add3A_132 : i32 to index
      %swap3A_134 = arith.constant 0 : index
      %swap3A_135 = tpu.vector_load %arg7[%swap3A_133, %swap3A_134] {strides = array<i32>} : memref<256x256xf32, #tpu.memory_space<vmem>>, vector<1x256xf32>,
      %swap3A_136 = vector.shape_cast %swap3A_135 : vector<1x256xf32> to vector<256xf32>
      %swap3A_137 = vector.shape_cast %get3A_130 : vector<256xf32> to vector<1x256xf32>
      tpu.vector_store %arg7[%swap3A_133, %swap3A_134], %swap3A_137 {strides = array<i32>} : memref<256x256xf32, #tpu.memory_space<vmem>>, vector<1x256xf32>,
      %slice3A_138 = vector.extract_strided_slice %get3A_114 {offsets = [2], sizes = [1], strides = [1]} : vector<16xi32> to vector<1xi32>
      %squeeze3A_139 = vector.extract %slice3A_138[0] : i32 from vector<1xi32>
      %get3A_140 = arith.index_cast %squeeze3A_139 : i32 to index
      %get3A_141 = arith.constant 0 : index
      %get3A_142 = tpu.vector_load %arg5[%get3A_140, %get3A_141] {strides = array<i32>} : memref<128x256xf32, #tpu.memory_space<vmem>>, vector<1x256xf32>,
      %get3A_143 = vector.shape_cast %get3A_142 : vector<1x256xf32> to vector<256xf32>
      %add3A_144 = arith.constant 2 : i32
      %add3A_145 = arith.addi %add3A_112, %add3A_144 : i32
      %swap3A_146 = arith.index_cast %add3A_145 : i32 to index
      %swap3A_147 = arith.constant 0 : index
      %swap3A_148 = tpu.vector_load %arg7[%swap3A_146, %swap3A_147] {strides = array<i32>} : memref<256x256xf32, #tpu.memory_space<vmem>>, vector<1x256xf32>,
      %swap3A_149 = vector.shape_cast %swap3A_148 : vector<1x256xf32> to vector<256xf32>
      %swap3A_150 = vector.shape_cast %get3A_143 : vector<256xf32> to vector<1x256xf32>
      tpu.vector_store %arg7[%swap3A_146, %swap3A_147], %swap3A_150 {strides = array<i32>} : memref<256x256xf32, #tpu.memory_space<vmem>>, vector<1x256xf32>,
      %slice3A_151 = vector.extract_strided_slice %get3A_114 {offsets = [3], sizes = [1], strides = [1]} : vector<16xi32> to vector<1xi32>
      %squeeze3A_152 = vector.extract %slice3A_151[0] : i32 from vector<1xi32>
      %get3A_153 = arith.index_cast %squeeze3A_152 : i32 to index
      %get3A_154 = arith.constant 0 : index
      %get3A_155 = tpu.vector_load %arg5[%get3A_153, %get3A_154] {strides = array<i32>} : memref<128x256xf32, #tpu.memory_space<vmem>>, vector<1x256xf32>,
      %get3A_156 = vector.shape_cast %get3A_155 : vector<1x256xf32> to vector<256xf32>
      %add3A_157 = arith.constant 3 : i32
      %add3A_158 = arith.addi %add3A_112, %add3A_157 : i32
      %swap3A_159 = arith.index_cast %add3A_158 : i32 to index
      %swap3A_160 = arith.constant 0 : index
      %swap3A_161 = tpu.vector_load %arg7[%swap3A_159, %swap3A_160] {strides = array<i32>} : memref<256x256xf32, #tpu.memory_space<vmem>>, vector<1x256xf32>,
      %swap3A_162 = vector.shape_cast %swap3A_161 : vector<1x256xf32> to vector<256xf32>
      %swap3A_163 = vector.shape_cast %get3A_156 : vector<256xf32> to vector<1x256xf32>
      tpu.vector_store %arg7[%swap3A_159, %swap3A_160], %swap3A_163 {strides = array<i32>} : memref<256x256xf32, #tpu.memory_space<vmem>>, vector<1x256xf32>,
      %slice3A_164 = vector.extract_strided_slice %get3A_114 {offsets = [4], sizes = [1], strides = [1]} : vector<16xi32> to vector<1xi32>
      %squeeze3A_165 = vector.extract %slice3A_164[0] : i32 from vector<1xi32>
      %get3A_166 = arith.index_cast %squeeze3A_165 : i32 to index
      %get3A_167 = arith.constant 0 : index
      %get3A_168 = tpu.vector_load %arg5[%get3A_166, %get3A_167] {strides = array<i32>} : memref<128x256xf32, #tpu.memory_space<vmem>>, vector<1x256xf32>,
      %get3A_169 = vector.shape_cast %get3A_168 : vector<1x256xf32> to vector<256xf32>
      %add3A_170 = arith.constant 4 : i32
      %add3A_171 = arith.addi %add3A_112, %add3A_170 : i32
      %swap3A_172 = arith.index_cast %add3A_171 : i32 to index
      %swap3A_173 = arith.constant 0 : index
      %swap3A_174 = tpu.vector_load %arg7[%swap3A_172, %swap3A_173] {strides = array<i32>} : memref<256x256xf32, #tpu.memory_space<vmem>>, vector<1x256xf32>,
      %swap3A_175 = vector.shape_cast %swap3A_174 : vector<1x256xf32> to vector<256xf32>
      %swap3A_176 = vector.shape_cast %get3A_169 : vector<256xf32> to vector<1x256xf32>
      tpu.vector_store %arg7[%swap3A_172, %swap3A_173], %swap3A_176 {strides = array<i32>} : memref<256x256xf32, #tpu.memory_space<vmem>>, vector<1x256xf32>,
      %slice3A_177 = vector.extract_strided_slice %get3A_114 {offsets = [5], sizes = [1], strides = [1]} : vector<16xi32> to vector<1xi32>
      %squeeze3A_178 = vector.extract %slice3A_177[0] : i32 from vector<1xi32>
      %get3A_179 = arith.index_cast %squeeze3A_178 : i32 to index
      %get3A_180 = arith.constant 0 : index
      %get3A_181 = tpu.vector_load %arg5[%get3A_179, %get3A_180] {strides = array<i32>} : memref<128x256xf32, #tpu.memory_space<vmem>>, vector<1x256xf32>,
      %get3A_182 = vector.shape_cast %get3A_181 : vector<1x256xf32> to vector<256xf32>
      %add3A_183 = arith.constant 5 : i32
      %add3A_184 = arith.addi %add3A_112, %add3A_183 : i32
      %swap3A_185 = arith.index_cast %add3A_184 : i32 to index
      %swap3A_186 = arith.constant 0 : index
      %swap3A_187 = tpu.vector_load %arg7[%swap3A_185, %swap3A_186] {strides = array<i32>} : memref<256x256xf32, #tpu.memory_space<vmem>>, vector<1x256xf32>,
      %swap3A_188 = vector.shape_cast %swap3A_187 : vector<1x256xf32> to vector<256xf32>
      %swap3A_189 = vector.shape_cast %get3A_182 : vector<256xf32> to vector<1x256xf32>
      tpu.vector_store %arg7[%swap3A_185, %swap3A_186], %swap3A_189 {strides = array<i32>} : memref<256x256xf32, #tpu.memory_space<vmem>>, vector<1x256xf32>,
      %slice3A_190 = vector.extract_strided_slice %get3A_114 {offsets = [6], sizes = [1], strides = [1]} : vector<16xi32> to vector<1xi32>
      %squeeze3A_191 = vector.extract %slice3A_190[0] : i32 from vector<1xi32>
      %get3A_192 = arith.index_cast %squeeze3A_191 : i32 to index
      %get3A_193 = arith.constant 0 : index
      %get3A_194 = tpu.vector_load %arg5[%get3A_192, %get3A_193] {strides = array<i32>} : memref<128x256xf32, #tpu.memory_space<vmem>>, vector<1x256xf32>,
      %get3A_195 = vector.shape_cast %get3A_194 : vector<1x256xf32> to vector<256xf32>
      %add3A_196 = arith.constant 6 : i32
      %add3A_197 = arith.addi %add3A_112, %add3A_196 : i32
      %swap3A_198 = arith.index_cast %add3A_197 : i32 to index
      %swap3A_199 = arith.constant 0 : index
      %swap3A_200 = tpu.vector_load %arg7[%swap3A_198, %swap3A_199] {strides = array<i32>} : memref<256x256xf32, #tpu.memory_space<vmem>>, vector<1x256xf32>,
      %swap3A_201 = vector.shape_cast %swap3A_200 : vector<1x256xf32> to vector<256xf32>
      %swap3A_202 = vector.shape_cast %get3A_195 : vector<256xf32> to vector<1x256xf32>
      tpu.vector_store %arg7[%swap3A_198, %swap3A_199], %swap3A_202 {strides = array<i32>} : memref<256x256xf32, #tpu.memory_space<vmem>>, vector<1x256xf32>,
      %slice3A_203 = vector.extract_strided_slice %get3A_114 {offsets = [7], sizes = [1], strides = [1]} : vector<16xi32> to vector<1xi32>
      %squeeze3A_204 = vector.extract %slice3A_203[0] : i32 from vector<1xi32>
      %get3A_205 = arith.index_cast %squeeze3A_204 : i32 to index
      %get3A_206 = arith.constant 0 : index
      %get3A_207 = tpu.vector_load %arg5[%get3A_205, %get3A_206] {strides = array<i32>} : memref<128x256xf32, #tpu.memory_space<vmem>>, vector<1x256xf32>,
      %get3A_208 = vector.shape_cast %get3A_207 : vector<1x256xf32> to vector<256xf32>
      %add3A_209 = arith.constant 7 : i32
      %add3A_210 = arith.addi %add3A_112, %add3A_209 : i32
      %swap3A_211 = arith.index_cast %add3A_210 : i32 to index
      %swap3A_212 = arith.constant 0 : index
      %swap3A_213 = tpu.vector_load %arg7[%swap3A_211, %swap3A_212] {strides = array<i32>} : memref<256x256xf32, #tpu.memory_space<vmem>>, vector<1x256xf32>,
      %swap3A_214 = vector.shape_cast %swap3A_213 : vector<1x256xf32> to vector<256xf32>
      %swap3A_215 = vector.shape_cast %get3A_208 : vector<256xf32> to vector<1x256xf32>
      tpu.vector_store %arg7[%swap3A_211, %swap3A_212], %swap3A_215 {strides = array<i32>} : memref<256x256xf32, #tpu.memory_space<vmem>>, vector<1x256xf32>,
      %slice3A_216 = vector.extract_strided_slice %get3A_114 {offsets = [8], sizes = [1], strides = [1]} : vector<16xi32> to vector<1xi32>
      %squeeze3A_217 = vector.extract %slice3A_216[0] : i32 from vector<1xi32>
      %get3A_218 = arith.index_cast %squeeze3A_217 : i32 to index
      %get3A_219 = arith.constant 0 : index
      %get3A_220 = tpu.vector_load %arg5[%get3A_218, %get3A_219] {strides = array<i32>} : memref<128x256xf32, #tpu.memory_space<vmem>>, vector<1x256xf32>,
      %get3A_221 = vector.shape_cast %get3A_220 : vector<1x256xf32> to vector<256xf32>
      %add3A_222 = arith.constant 8 : i32
      %add3A_223 = arith.addi %add3A_112, %add3A_222 : i32
      %swap3A_224 = arith.index_cast %add3A_223 : i32 to index
      %swap3A_225 = arith.constant 0 : index
      %swap3A_226 = tpu.vector_load %arg7[%swap3A_224, %swap3A_225] {strides = array<i32>} : memref<256x256xf32, #tpu.memory_space<vmem>>, vector<1x256xf32>,
      %swap3A_227 = vector.shape_cast %swap3A_226 : vector<1x256xf32> to vector<256xf32>
      %swap3A_228 = vector.shape_cast %get3A_221 : vector<256xf32> to vector<1x256xf32>
      tpu.vector_store %arg7[%swap3A_224, %swap3A_225], %swap3A_228 {strides = array<i32>} : memref<256x256xf32, #tpu.memory_space<vmem>>, vector<1x256xf32>,
      %slice3A_229 = vector.extract_strided_slice %get3A_114 {offsets = [9], sizes = [1], strides = [1]} : vector<16xi32> to vector<1xi32>
      %squeeze3A_230 = vector.extract %slice3A_229[0] : i32 from vector<1xi32>
      %get3A_231 = arith.index_cast %squeeze3A_230 : i32 to index
      %get3A_232 = arith.constant 0 : index
      %get3A_233 = tpu.vector_load %arg5[%get3A_231, %get3A_232] {strides = array<i32>} : memref<128x256xf32, #tpu.memory_space<vmem>>, vector<1x256xf32>,
      %get3A_234 = vector.shape_cast %get3A_233 : vector<1x256xf32> to vector<256xf32>
      %add3A_235 = arith.constant 9 : i32
      %add3A_236 = arith.addi %add3A_112, %add3A_235 : i32
      %swap3A_237 = arith.index_cast %add3A_236 : i32 to index
      %swap3A_238 = arith.constant 0 : index
      %swap3A_239 = tpu.vector_load %arg7[%swap3A_237, %swap3A_238] {strides = array<i32>} : memref<256x256xf32, #tpu.memory_space<vmem>>, vector<1x256xf32>,
      %swap3A_240 = vector.shape_cast %swap3A_239 : vector<1x256xf32> to vector<256xf32>
      %swap3A_241 = vector.shape_cast %get3A_234 : vector<256xf32> to vector<1x256xf32>
      tpu.vector_store %arg7[%swap3A_237, %swap3A_238], %swap3A_241 {strides = array<i32>} : memref<256x256xf32, #tpu.memory_space<vmem>>, vector<1x256xf32>,
      %slice3A_242 = vector.extract_strided_slice %get3A_114 {offsets = [10], sizes = [1], strides = [1]} : vector<16xi32> to vector<1xi32>
      %squeeze3A_243 = vector.extract %slice3A_242[0] : i32 from vector<1xi32>
      %get3A_244 = arith.index_cast %squeeze3A_243 : i32 to index
      %get3A_245 = arith.constant 0 : index
      %get3A_246 = tpu.vector_load %arg5[%get3A_244, %get3A_245] {strides = array<i32>} : memref<128x256xf32, #tpu.memory_space<vmem>>, vector<1x256xf32>,
      %get3A_247 = vector.shape_cast %get3A_246 : vector<1x256xf32> to vector<256xf32>
      %add3A_248 = arith.constant 10 : i32
      %add3A_249 = arith.addi %add3A_112, %add3A_248 : i32
      %swap3A_250 = arith.index_cast %add3A_249 : i32 to index
      %swap3A_251 = arith.constant 0 : index
      %swap3A_252 = tpu.vector_load %arg7[%swap3A_250, %swap3A_251] {strides = array<i32>} : memref<256x256xf32, #tpu.memory_space<vmem>>, vector<1x256xf32>,
      %swap3A_253 = vector.shape_cast %swap3A_252 : vector<1x256xf32> to vector<256xf32>
      %swap3A_254 = vector.shape_cast %get3A_247 : vector<256xf32> to vector<1x256xf32>
      tpu.vector_store %arg7[%swap3A_250, %swap3A_251], %swap3A_254 {strides = array<i32>} : memref<256x256xf32, #tpu.memory_space<vmem>>, vector<1x256xf32>,
      %slice3A_255 = vector.extract_strided_slice %get3A_114 {offsets = [11], sizes = [1], strides = [1]} : vector<16xi32> to vector<1xi32>
      %squeeze3A_256 = vector.extract %slice3A_255[0] : i32 from vector<1xi32>
      %get3A_257 = arith.index_cast %squeeze3A_256 : i32 to index
      %get3A_258 = arith.constant 0 : index
      %get3A_259 = tpu.vector_load %arg5[%get3A_257, %get3A_258] {strides = array<i32>} : memref<128x256xf32, #tpu.memory_space<vmem>>, vector<1x256xf32>,
      %get3A_260 = vector.shape_cast %get3A_259 : vector<1x256xf32> to vector<256xf32>
      %add3A_261 = arith.constant 11 : i32
      %add3A_262 = arith.addi %add3A_112, %add3A_261 : i32
      %swap3A_263 = arith.index_cast %add3A_262 : i32 to index
      %swap3A_264 = arith.constant 0 : index
      %swap3A_265 = tpu.vector_load %arg7[%swap3A_263, %swap3A_264] {strides = array<i32>} : memref<256x256xf32, #tpu.memory_space<vmem>>, vector<1x256xf32>,
      %swap3A_266 = vector.shape_cast %swap3A_265 : vector<1x256xf32> to vector<256xf32>
      %swap3A_267 = vector.shape_cast %get3A_260 : vector<256xf32> to vector<1x256xf32>
      tpu.vector_store %arg7[%swap3A_263, %swap3A_264], %swap3A_267 {strides = array<i32>} : memref<256x256xf32, #tpu.memory_space<vmem>>, vector<1x256xf32>,
      %slice3A_268 = vector.extract_strided_slice %get3A_114 {offsets = [12], sizes = [1], strides = [1]} : vector<16xi32> to vector<1xi32>
      %squeeze3A_269 = vector.extract %slice3A_268[0] : i32 from vector<1xi32>
      %get3A_270 = arith.index_cast %squeeze3A_269 : i32 to index
      %get3A_271 = arith.constant 0 : index
      %get3A_272 = tpu.vector_load %arg5[%get3A_270, %get3A_271] {strides = array<i32>} : memref<128x256xf32, #tpu.memory_space<vmem>>, vector<1x256xf32>,
      %get3A_273 = vector.shape_cast %get3A_272 : vector<1x256xf32> to vector<256xf32>
      %add3A_274 = arith.constant 12 : i32
      %add3A_275 = arith.addi %add3A_112, %add3A_274 : i32
      %swap3A_276 = arith.index_cast %add3A_275 : i32 to index
      %swap3A_277 = arith.constant 0 : index
      %swap3A_278 = tpu.vector_load %arg7[%swap3A_276, %swap3A_277] {strides = array<i32>} : memref<256x256xf32, #tpu.memory_space<vmem>>, vector<1x256xf32>,
      %swap3A_279 = vector.shape_cast %swap3A_278 : vector<1x256xf32> to vector<256xf32>
      %swap3A_280 = vector.shape_cast %get3A_273 : vector<256xf32> to vector<1x256xf32>
      tpu.vector_store %arg7[%swap3A_276, %swap3A_277], %swap3A_280 {strides = array<i32>} : memref<256x256xf32, #tpu.memory_space<vmem>>, vector<1x256xf32>,
      %slice3A_281 = vector.extract_strided_slice %get3A_114 {offsets = [13], sizes = [1], strides = [1]} : vector<16xi32> to vector<1xi32>
      %squeeze3A_282 = vector.extract %slice3A_281[0] : i32 from vector<1xi32>
      %get3A_283 = arith.index_cast %squeeze3A_282 : i32 to index
      %get3A_284 = arith.constant 0 : index
      %get3A_285 = tpu.vector_load %arg5[%get3A_283, %get3A_284] {strides = array<i32>} : memref<128x256xf32, #tpu.memory_space<vmem>>, vector<1x256xf32>,
      %get3A_286 = vector.shape_cast %get3A_285 : vector<1x256xf32> to vector<256xf32>
      %add3A_287 = arith.constant 13 : i32
      %add3A_288 = arith.addi %add3A_112, %add3A_287 : i32
      %swap3A_289 = arith.index_cast %add3A_288 : i32 to index
      %swap3A_290 = arith.constant 0 : index
      %swap3A_291 = tpu.vector_load %arg7[%swap3A_289, %swap3A_290] {strides = array<i32>} : memref<256x256xf32, #tpu.memory_space<vmem>>, vector<1x256xf32>,
      %swap3A_292 = vector.shape_cast %swap3A_291 : vector<1x256xf32> to vector<256xf32>
      %swap3A_293 = vector.shape_cast %get3A_286 : vector<256xf32> to vector<1x256xf32>
      tpu.vector_store %arg7[%swap3A_289, %swap3A_290], %swap3A_293 {strides = array<i32>} : memref<256x256xf32, #tpu.memory_space<vmem>>, vector<1x256xf32>,
      %slice3A_294 = vector.extract_strided_slice %get3A_114 {offsets = [14], sizes = [1], strides = [1]} : vector<16xi32> to vector<1xi32>
      %squeeze3A_295 = vector.extract %slice3A_294[0] : i32 from vector<1xi32>
      %get3A_296 = arith.index_cast %squeeze3A_295 : i32 to index
      %get3A_297 = arith.constant 0 : index
      %get3A_298 = tpu.vector_load %arg5[%get3A_296, %get3A_297] {strides = array<i32>} : memref<128x256xf32, #tpu.memory_space<vmem>>, vector<1x256xf32>,
      %get3A_299 = vector.shape_cast %get3A_298 : vector<1x256xf32> to vector<256xf32>
      %add3A_300 = arith.constant 14 : i32
      %add3A_301 = arith.addi %add3A_112, %add3A_300 : i32
      %swap3A_302 = arith.index_cast %add3A_301 : i32 to index
      %swap3A_303 = arith.constant 0 : index
      %swap3A_304 = tpu.vector_load %arg7[%swap3A_302, %swap3A_303] {strides = array<i32>} : memref<256x256xf32, #tpu.memory_space<vmem>>, vector<1x256xf32>,
      %swap3A_305 = vector.shape_cast %swap3A_304 : vector<1x256xf32> to vector<256xf32>
      %swap3A_306 = vector.shape_cast %get3A_299 : vector<256xf32> to vector<1x256xf32>
      tpu.vector_store %arg7[%swap3A_302, %swap3A_303], %swap3A_306 {strides = array<i32>} : memref<256x256xf32, #tpu.memory_space<vmem>>, vector<1x256xf32>,
      %slice3A_307 = vector.extract_strided_slice %get3A_114 {offsets = [15], sizes = [1], strides = [1]} : vector<16xi32> to vector<1xi32>
      %squeeze3A_308 = vector.extract %slice3A_307[0] : i32 from vector<1xi32>
      %get3A_309 = arith.index_cast %squeeze3A_308 : i32 to index
      %get3A_310 = arith.constant 0 : index
      %get3A_311 = tpu.vector_load %arg5[%get3A_309, %get3A_310] {strides = array<i32>} : memref<128x256xf32, #tpu.memory_space<vmem>>, vector<1x256xf32>,
      %get3A_312 = vector.shape_cast %get3A_311 : vector<1x256xf32> to vector<256xf32>
      %add3A_313 = arith.constant 15 : i32
      %add3A_314 = arith.addi %add3A_112, %add3A_313 : i32
      %swap3A_315 = arith.index_cast %add3A_314 : i32 to index
      %swap3A_316 = arith.constant 0 : index
      %swap3A_317 = tpu.vector_load %arg7[%swap3A_315, %swap3A_316] {strides = array<i32>} : memref<256x256xf32, #tpu.memory_space<vmem>>, vector<1x256xf32>,
      %swap3A_318 = vector.shape_cast %swap3A_317 : vector<1x256xf32> to vector<256xf32>
      %swap3A_319 = vector.shape_cast %get3A_312 : vector<256xf32> to vector<1x256xf32>
      tpu.vector_store %arg7[%swap3A_315, %swap3A_316], %swap3A_319 {strides = array<i32>} : memref<256x256xf32, #tpu.memory_space<vmem>>, vector<1x256xf32>,
    }
    %scan3A_6 = arith.constant 4 : i32
    %add3A_7 = arith.constant 0 : i32
    %add3A_8 = arith.addi %mul3A_2, %add3A_7 : i32
    %dma_start3A = arith.constant 0 : i32
    %dma_start3A_9 = arith.constant 0 : i32
    %dma_start3A_10 = tpu.memref_slice %arg7[%dma_start3A, %dma_start3A_9] : memref<256x256xf32, #tpu.memory_space<vmem>> -> memref<64x256xf32, #tpu.memory_space<vmem>>
    %dma_start3A_11 = arith.constant 0 : i32
    %dma_start3A_12 = tpu.memref_slice %arg4[%add3A_8, %dma_start3A_11] : memref<8192x256xf32, #tpu.memory_space<hbm>> -> memref<64x256xf32, #tpu.memory_space<hbm>>
    %dma_start3A_13 = arith.constant 0 : i32
    %dma_start3A_14 = tpu.memref_slice %arg4[%add3A_8, %dma_start3A_13] : memref<8192x256xf32, #tpu.memory_space<hbm>> -> memref<64x256xf32, #tpu.memory_space<hbm>>
    %dma_start3A_15 = arith.constant 0 : i32
    %dma_start3A_16 = arith.constant 0 : i32
    %dma_start3A_17 = tpu.memref_slice %arg7[%dma_start3A_15, %dma_start3A_16] : memref<256x256xf32, #tpu.memory_space<vmem>> -> memref<64x256xf32, #tpu.memory_space<vmem>>
    tpu.enqueue_dma source(%dma_start3A_17 : memref<64x256xf32, #tpu.memory_space<vmem>>) target(%dma_start3A_14 : memref<64x256xf32, #tpu.memory_space<hbm>>) target_semaphore(%arg8 : memref<!tpu.dma_semaphore, #tpu.memory_space<semaphore_mem>>)
    %scan3A_18 = arith.constant 0 : i32
    %scan3A_19 = arith.constant 4 : i32
    %scan3A_20 = arith.addi %scan3A_18, %scan3A_19 : i32
    %scan3A_21 = arith.constant 1 : i32
    scf.for %scan3A_108 = %scan3A_18 to %scan3A_20 step %scan3A_21  : i32 {
      %mul3A_109 = arith.constant 16 : i32
      %mul3A_110 = arith.muli %scan3A_108, %mul3A_109 : i32
      %add3A_111 = arith.constant 64 : i32
      %add3A_112 = arith.addi %add3A_111, %mul3A_110 : i32
      %get3A = arith.index_cast %add3A_112 : i32 to index
      %get3A_113 = tpu.vector_load %arg6[%get3A] {strides = array<i32>} : memref<256xi32, #tpu.memory_space<vmem>>, vector<16xi32>,
      %get3A_114 = vector.shape_cast %get3A_113 : vector<16xi32> to vector<16xi32>
      %slice3A = vector.extract_strided_slice %get3A_114 {offsets = [0], sizes = [1], strides = [1]} : vector<16xi32> to vector<1xi32>
      %squeeze3A = vector.extract %slice3A[0] : i32 from vector<1xi32>
      %get3A_115 = arith.index_cast %squeeze3A : i32 to index
      %get3A_116 = arith.constant 0 : index
      %get3A_117 = tpu.vector_load %arg5[%get3A_115, %get3A_116] {strides = array<i32>} : memref<128x256xf32, #tpu.memory_space<vmem>>, vector<1x256xf32>,
      %get3A_118 = vector.shape_cast %get3A_117 : vector<1x256xf32> to vector<256xf32>
      %add3A_119 = arith.constant 0 : i32
      %add3A_120 = arith.addi %add3A_112, %add3A_119 : i32
      %swap3A = arith.index_cast %add3A_120 : i32 to index
      %swap3A_121 = arith.constant 0 : index
      %swap3A_122 = tpu.vector_load %arg7[%swap3A, %swap3A_121] {strides = array<i32>} : memref<256x256xf32, #tpu.memory_space<vmem>>, vector<1x256xf32>,
      %swap3A_123 = vector.shape_cast %swap3A_122 : vector<1x256xf32> to vector<256xf32>
      %swap3A_124 = vector.shape_cast %get3A_118 : vector<256xf32> to vector<1x256xf32>
      tpu.vector_store %arg7[%swap3A, %swap3A_121], %swap3A_124 {strides = array<i32>} : memref<256x256xf32, #tpu.memory_space<vmem>>, vector<1x256xf32>,
      %slice3A_125 = vector.extract_strided_slice %get3A_114 {offsets = [1], sizes = [1], strides = [1]} : vector<16xi32> to vector<1xi32>
      %squeeze3A_126 = vector.extract %slice3A_125[0] : i32 from vector<1xi32>
      %get3A_127 = arith.index_cast %squeeze3A_126 : i32 to index
      %get3A_128 = arith.constant 0 : index
      %get3A_129 = tpu.vector_load %arg5[%get3A_127, %get3A_128] {strides = array<i32>} : memref<128x256xf32, #tpu.memory_space<vmem>>, vector<1x256xf32>,
      %get3A_130 = vector.shape_cast %get3A_129 : vector<1x256xf32> to vector<256xf32>
      %add3A_131 = arith.constant 1 : i32
      %add3A_132 = arith.addi %add3A_112, %add3A_131 : i32
      %swap3A_133 = arith.index_cast %add3A_132 : i32 to index
      %swap3A_134 = arith.constant 0 : index
      %swap3A_135 = tpu.vector_load %arg7[%swap3A_133, %swap3A_134] {strides = array<i32>} : memref<256x256xf32, #tpu.memory_space<vmem>>, vector<1x256xf32>,
      %swap3A_136 = vector.shape_cast %swap3A_135 : vector<1x256xf32> to vector<256xf32>
      %swap3A_137 = vector.shape_cast %get3A_130 : vector<256xf32> to vector<1x256xf32>
      tpu.vector_store %arg7[%swap3A_133, %swap3A_134], %swap3A_137 {strides = array<i32>} : memref<256x256xf32, #tpu.memory_space<vmem>>, vector<1x256xf32>,
      %slice3A_138 = vector.extract_strided_slice %get3A_114 {offsets = [2], sizes = [1], strides = [1]} : vector<16xi32> to vector<1xi32>
      %squeeze3A_139 = vector.extract %slice3A_138[0] : i32 from vector<1xi32>
      %get3A_140 = arith.index_cast %squeeze3A_139 : i32 to index
      %get3A_141 = arith.constant 0 : index
      %get3A_142 = tpu.vector_load %arg5[%get3A_140, %get3A_141] {strides = array<i32>} : memref<128x256xf32, #tpu.memory_space<vmem>>, vector<1x256xf32>,
      %get3A_143 = vector.shape_cast %get3A_142 : vector<1x256xf32> to vector<256xf32>
      %add3A_144 = arith.constant 2 : i32
      %add3A_145 = arith.addi %add3A_112, %add3A_144 : i32
      %swap3A_146 = arith.index_cast %add3A_145 : i32 to index
      %swap3A_147 = arith.constant 0 : index
      %swap3A_148 = tpu.vector_load %arg7[%swap3A_146, %swap3A_147] {strides = array<i32>} : memref<256x256xf32, #tpu.memory_space<vmem>>, vector<1x256xf32>,
      %swap3A_149 = vector.shape_cast %swap3A_148 : vector<1x256xf32> to vector<256xf32>
      %swap3A_150 = vector.shape_cast %get3A_143 : vector<256xf32> to vector<1x256xf32>
      tpu.vector_store %arg7[%swap3A_146, %swap3A_147], %swap3A_150 {strides = array<i32>} : memref<256x256xf32, #tpu.memory_space<vmem>>, vector<1x256xf32>,
      %slice3A_151 = vector.extract_strided_slice %get3A_114 {offsets = [3], sizes = [1], strides = [1]} : vector<16xi32> to vector<1xi32>
      %squeeze3A_152 = vector.extract %slice3A_151[0] : i32 from vector<1xi32>
      %get3A_153 = arith.index_cast %squeeze3A_152 : i32 to index
      %get3A_154 = arith.constant 0 : index
      %get3A_155 = tpu.vector_load %arg5[%get3A_153, %get3A_154] {strides = array<i32>} : memref<128x256xf32, #tpu.memory_space<vmem>>, vector<1x256xf32>,
      %get3A_156 = vector.shape_cast %get3A_155 : vector<1x256xf32> to vector<256xf32>
      %add3A_157 = arith.constant 3 : i32
      %add3A_158 = arith.addi %add3A_112, %add3A_157 : i32
      %swap3A_159 = arith.index_cast %add3A_158 : i32 to index
      %swap3A_160 = arith.constant 0 : index
      %swap3A_161 = tpu.vector_load %arg7[%swap3A_159, %swap3A_160] {strides = array<i32>} : memref<256x256xf32, #tpu.memory_space<vmem>>, vector<1x256xf32>,
      %swap3A_162 = vector.shape_cast %swap3A_161 : vector<1x256xf32> to vector<256xf32>
      %swap3A_163 = vector.shape_cast %get3A_156 : vector<256xf32> to vector<1x256xf32>
      tpu.vector_store %arg7[%swap3A_159, %swap3A_160], %swap3A_163 {strides = array<i32>} : memref<256x256xf32, #tpu.memory_space<vmem>>, vector<1x256xf32>,
      %slice3A_164 = vector.extract_strided_slice %get3A_114 {offsets = [4], sizes = [1], strides = [1]} : vector<16xi32> to vector<1xi32>
      %squeeze3A_165 = vector.extract %slice3A_164[0] : i32 from vector<1xi32>
      %get3A_166 = arith.index_cast %squeeze3A_165 : i32 to index
      %get3A_167 = arith.constant 0 : index
      %get3A_168 = tpu.vector_load %arg5[%get3A_166, %get3A_167] {strides = array<i32>} : memref<128x256xf32, #tpu.memory_space<vmem>>, vector<1x256xf32>,
      %get3A_169 = vector.shape_cast %get3A_168 : vector<1x256xf32> to vector<256xf32>
      %add3A_170 = arith.constant 4 : i32
      %add3A_171 = arith.addi %add3A_112, %add3A_170 : i32
      %swap3A_172 = arith.index_cast %add3A_171 : i32 to index
      %swap3A_173 = arith.constant 0 : index
      %swap3A_174 = tpu.vector_load %arg7[%swap3A_172, %swap3A_173] {strides = array<i32>} : memref<256x256xf32, #tpu.memory_space<vmem>>, vector<1x256xf32>,
      %swap3A_175 = vector.shape_cast %swap3A_174 : vector<1x256xf32> to vector<256xf32>
      %swap3A_176 = vector.shape_cast %get3A_169 : vector<256xf32> to vector<1x256xf32>
      tpu.vector_store %arg7[%swap3A_172, %swap3A_173], %swap3A_176 {strides = array<i32>} : memref<256x256xf32, #tpu.memory_space<vmem>>, vector<1x256xf32>,
      %slice3A_177 = vector.extract_strided_slice %get3A_114 {offsets = [5], sizes = [1], strides = [1]} : vector<16xi32> to vector<1xi32>
      %squeeze3A_178 = vector.extract %slice3A_177[0] : i32 from vector<1xi32>
      %get3A_179 = arith.index_cast %squeeze3A_178 : i32 to index
      %get3A_180 = arith.constant 0 : index
      %get3A_181 = tpu.vector_load %arg5[%get3A_179, %get3A_180] {strides = array<i32>} : memref<128x256xf32, #tpu.memory_space<vmem>>, vector<1x256xf32>,
      %get3A_182 = vector.shape_cast %get3A_181 : vector<1x256xf32> to vector<256xf32>
      %add3A_183 = arith.constant 5 : i32
      %add3A_184 = arith.addi %add3A_112, %add3A_183 : i32
      %swap3A_185 = arith.index_cast %add3A_184 : i32 to index
      %swap3A_186 = arith.constant 0 : index
      %swap3A_187 = tpu.vector_load %arg7[%swap3A_185, %swap3A_186] {strides = array<i32>} : memref<256x256xf32, #tpu.memory_space<vmem>>, vector<1x256xf32>,
      %swap3A_188 = vector.shape_cast %swap3A_187 : vector<1x256xf32> to vector<256xf32>
      %swap3A_189 = vector.shape_cast %get3A_182 : vector<256xf32> to vector<1x256xf32>
      tpu.vector_store %arg7[%swap3A_185, %swap3A_186], %swap3A_189 {strides = array<i32>} : memref<256x256xf32, #tpu.memory_space<vmem>>, vector<1x256xf32>,
      %slice3A_190 = vector.extract_strided_slice %get3A_114 {offsets = [6], sizes = [1], strides = [1]} : vector<16xi32> to vector<1xi32>
      %squeeze3A_191 = vector.extract %slice3A_190[0] : i32 from vector<1xi32>
      %get3A_192 = arith.index_cast %squeeze3A_191 : i32 to index
      %get3A_193 = arith.constant 0 : index
      %get3A_194 = tpu.vector_load %arg5[%get3A_192, %get3A_193] {strides = array<i32>} : memref<128x256xf32, #tpu.memory_space<vmem>>, vector<1x256xf32>,
      %get3A_195 = vector.shape_cast %get3A_194 : vector<1x256xf32> to vector<256xf32>
      %add3A_196 = arith.constant 6 : i32
      %add3A_197 = arith.addi %add3A_112, %add3A_196 : i32
      %swap3A_198 = arith.index_cast %add3A_197 : i32 to index
      %swap3A_199 = arith.constant 0 : index
      %swap3A_200 = tpu.vector_load %arg7[%swap3A_198, %swap3A_199] {strides = array<i32>} : memref<256x256xf32, #tpu.memory_space<vmem>>, vector<1x256xf32>,
      %swap3A_201 = vector.shape_cast %swap3A_200 : vector<1x256xf32> to vector<256xf32>
      %swap3A_202 = vector.shape_cast %get3A_195 : vector<256xf32> to vector<1x256xf32>
      tpu.vector_store %arg7[%swap3A_198, %swap3A_199], %swap3A_202 {strides = array<i32>} : memref<256x256xf32, #tpu.memory_space<vmem>>, vector<1x256xf32>,
      %slice3A_203 = vector.extract_strided_slice %get3A_114 {offsets = [7], sizes = [1], strides = [1]} : vector<16xi32> to vector<1xi32>
      %squeeze3A_204 = vector.extract %slice3A_203[0] : i32 from vector<1xi32>
      %get3A_205 = arith.index_cast %squeeze3A_204 : i32 to index
      %get3A_206 = arith.constant 0 : index
      %get3A_207 = tpu.vector_load %arg5[%get3A_205, %get3A_206] {strides = array<i32>} : memref<128x256xf32, #tpu.memory_space<vmem>>, vector<1x256xf32>,
      %get3A_208 = vector.shape_cast %get3A_207 : vector<1x256xf32> to vector<256xf32>
      %add3A_209 = arith.constant 7 : i32
      %add3A_210 = arith.addi %add3A_112, %add3A_209 : i32
      %swap3A_211 = arith.index_cast %add3A_210 : i32 to index
      %swap3A_212 = arith.constant 0 : index
      %swap3A_213 = tpu.vector_load %arg7[%swap3A_211, %swap3A_212] {strides = array<i32>} : memref<256x256xf32, #tpu.memory_space<vmem>>, vector<1x256xf32>,
      %swap3A_214 = vector.shape_cast %swap3A_213 : vector<1x256xf32> to vector<256xf32>
      %swap3A_215 = vector.shape_cast %get3A_208 : vector<256xf32> to vector<1x256xf32>
      tpu.vector_store %arg7[%swap3A_211, %swap3A_212], %swap3A_215 {strides = array<i32>} : memref<256x256xf32, #tpu.memory_space<vmem>>, vector<1x256xf32>,
      %slice3A_216 = vector.extract_strided_slice %get3A_114 {offsets = [8], sizes = [1], strides = [1]} : vector<16xi32> to vector<1xi32>
      %squeeze3A_217 = vector.extract %slice3A_216[0] : i32 from vector<1xi32>
      %get3A_218 = arith.index_cast %squeeze3A_217 : i32 to index
      %get3A_219 = arith.constant 0 : index
      %get3A_220 = tpu.vector_load %arg5[%get3A_218, %get3A_219] {strides = array<i32>} : memref<128x256xf32, #tpu.memory_space<vmem>>, vector<1x256xf32>,
      %get3A_221 = vector.shape_cast %get3A_220 : vector<1x256xf32> to vector<256xf32>
      %add3A_222 = arith.constant 8 : i32
      %add3A_223 = arith.addi %add3A_112, %add3A_222 : i32
      %swap3A_224 = arith.index_cast %add3A_223 : i32 to index
      %swap3A_225 = arith.constant 0 : index
      %swap3A_226 = tpu.vector_load %arg7[%swap3A_224, %swap3A_225] {strides = array<i32>} : memref<256x256xf32, #tpu.memory_space<vmem>>, vector<1x256xf32>,
      %swap3A_227 = vector.shape_cast %swap3A_226 : vector<1x256xf32> to vector<256xf32>
      %swap3A_228 = vector.shape_cast %get3A_221 : vector<256xf32> to vector<1x256xf32>
      tpu.vector_store %arg7[%swap3A_224, %swap3A_225], %swap3A_228 {strides = array<i32>} : memref<256x256xf32, #tpu.memory_space<vmem>>, vector<1x256xf32>,
      %slice3A_229 = vector.extract_strided_slice %get3A_114 {offsets = [9], sizes = [1], strides = [1]} : vector<16xi32> to vector<1xi32>
      %squeeze3A_230 = vector.extract %slice3A_229[0] : i32 from vector<1xi32>
      %get3A_231 = arith.index_cast %squeeze3A_230 : i32 to index
      %get3A_232 = arith.constant 0 : index
      %get3A_233 = tpu.vector_load %arg5[%get3A_231, %get3A_232] {strides = array<i32>} : memref<128x256xf32, #tpu.memory_space<vmem>>, vector<1x256xf32>,
      %get3A_234 = vector.shape_cast %get3A_233 : vector<1x256xf32> to vector<256xf32>
      %add3A_235 = arith.constant 9 : i32
      %add3A_236 = arith.addi %add3A_112, %add3A_235 : i32
      %swap3A_237 = arith.index_cast %add3A_236 : i32 to index
      %swap3A_238 = arith.constant 0 : index
      %swap3A_239 = tpu.vector_load %arg7[%swap3A_237, %swap3A_238] {strides = array<i32>} : memref<256x256xf32, #tpu.memory_space<vmem>>, vector<1x256xf32>,
      %swap3A_240 = vector.shape_cast %swap3A_239 : vector<1x256xf32> to vector<256xf32>
      %swap3A_241 = vector.shape_cast %get3A_234 : vector<256xf32> to vector<1x256xf32>
      tpu.vector_store %arg7[%swap3A_237, %swap3A_238], %swap3A_241 {strides = array<i32>} : memref<256x256xf32, #tpu.memory_space<vmem>>, vector<1x256xf32>,
      %slice3A_242 = vector.extract_strided_slice %get3A_114 {offsets = [10], sizes = [1], strides = [1]} : vector<16xi32> to vector<1xi32>
      %squeeze3A_243 = vector.extract %slice3A_242[0] : i32 from vector<1xi32>
      %get3A_244 = arith.index_cast %squeeze3A_243 : i32 to index
      %get3A_245 = arith.constant 0 : index
      %get3A_246 = tpu.vector_load %arg5[%get3A_244, %get3A_245] {strides = array<i32>} : memref<128x256xf32, #tpu.memory_space<vmem>>, vector<1x256xf32>,
      %get3A_247 = vector.shape_cast %get3A_246 : vector<1x256xf32> to vector<256xf32>
      %add3A_248 = arith.constant 10 : i32
      %add3A_249 = arith.addi %add3A_112, %add3A_248 : i32
      %swap3A_250 = arith.index_cast %add3A_249 : i32 to index
      %swap3A_251 = arith.constant 0 : index
      %swap3A_252 = tpu.vector_load %arg7[%swap3A_250, %swap3A_251] {strides = array<i32>} : memref<256x256xf32, #tpu.memory_space<vmem>>, vector<1x256xf32>,
      %swap3A_253 = vector.shape_cast %swap3A_252 : vector<1x256xf32> to vector<256xf32>
      %swap3A_254 = vector.shape_cast %get3A_247 : vector<256xf32> to vector<1x256xf32>
      tpu.vector_store %arg7[%swap3A_250, %swap3A_251], %swap3A_254 {strides = array<i32>} : memref<256x256xf32, #tpu.memory_space<vmem>>, vector<1x256xf32>,
      %slice3A_255 = vector.extract_strided_slice %get3A_114 {offsets = [11], sizes = [1], strides = [1]} : vector<16xi32> to vector<1xi32>
      %squeeze3A_256 = vector.extract %slice3A_255[0] : i32 from vector<1xi32>
      %get3A_257 = arith.index_cast %squeeze3A_256 : i32 to index
      %get3A_258 = arith.constant 0 : index
      %get3A_259 = tpu.vector_load %arg5[%get3A_257, %get3A_258] {strides = array<i32>} : memref<128x256xf32, #tpu.memory_space<vmem>>, vector<1x256xf32>,
      %get3A_260 = vector.shape_cast %get3A_259 : vector<1x256xf32> to vector<256xf32>
      %add3A_261 = arith.constant 11 : i32
      %add3A_262 = arith.addi %add3A_112, %add3A_261 : i32
      %swap3A_263 = arith.index_cast %add3A_262 : i32 to index
      %swap3A_264 = arith.constant 0 : index
      %swap3A_265 = tpu.vector_load %arg7[%swap3A_263, %swap3A_264] {strides = array<i32>} : memref<256x256xf32, #tpu.memory_space<vmem>>, vector<1x256xf32>,
      %swap3A_266 = vector.shape_cast %swap3A_265 : vector<1x256xf32> to vector<256xf32>
      %swap3A_267 = vector.shape_cast %get3A_260 : vector<256xf32> to vector<1x256xf32>
      tpu.vector_store %arg7[%swap3A_263, %swap3A_264], %swap3A_267 {strides = array<i32>} : memref<256x256xf32, #tpu.memory_space<vmem>>, vector<1x256xf32>,
      %slice3A_268 = vector.extract_strided_slice %get3A_114 {offsets = [12], sizes = [1], strides = [1]} : vector<16xi32> to vector<1xi32>
      %squeeze3A_269 = vector.extract %slice3A_268[0] : i32 from vector<1xi32>
      %get3A_270 = arith.index_cast %squeeze3A_269 : i32 to index
      %get3A_271 = arith.constant 0 : index
      %get3A_272 = tpu.vector_load %arg5[%get3A_270, %get3A_271] {strides = array<i32>} : memref<128x256xf32, #tpu.memory_space<vmem>>, vector<1x256xf32>,
      %get3A_273 = vector.shape_cast %get3A_272 : vector<1x256xf32> to vector<256xf32>
      %add3A_274 = arith.constant 12 : i32
      %add3A_275 = arith.addi %add3A_112, %add3A_274 : i32
      %swap3A_276 = arith.index_cast %add3A_275 : i32 to index
      %swap3A_277 = arith.constant 0 : index
      %swap3A_278 = tpu.vector_load %arg7[%swap3A_276, %swap3A_277] {strides = array<i32>} : memref<256x256xf32, #tpu.memory_space<vmem>>, vector<1x256xf32>,
      %swap3A_279 = vector.shape_cast %swap3A_278 : vector<1x256xf32> to vector<256xf32>
      %swap3A_280 = vector.shape_cast %get3A_273 : vector<256xf32> to vector<1x256xf32>
      tpu.vector_store %arg7[%swap3A_276, %swap3A_277], %swap3A_280 {strides = array<i32>} : memref<256x256xf32, #tpu.memory_space<vmem>>, vector<1x256xf32>,
      %slice3A_281 = vector.extract_strided_slice %get3A_114 {offsets = [13], sizes = [1], strides = [1]} : vector<16xi32> to vector<1xi32>
      %squeeze3A_282 = vector.extract %slice3A_281[0] : i32 from vector<1xi32>
      %get3A_283 = arith.index_cast %squeeze3A_282 : i32 to index
      %get3A_284 = arith.constant 0 : index
      %get3A_285 = tpu.vector_load %arg5[%get3A_283, %get3A_284] {strides = array<i32>} : memref<128x256xf32, #tpu.memory_space<vmem>>, vector<1x256xf32>,
      %get3A_286 = vector.shape_cast %get3A_285 : vector<1x256xf32> to vector<256xf32>
      %add3A_287 = arith.constant 13 : i32
      %add3A_288 = arith.addi %add3A_112, %add3A_287 : i32
      %swap3A_289 = arith.index_cast %add3A_288 : i32 to index
      %swap3A_290 = arith.constant 0 : index
      %swap3A_291 = tpu.vector_load %arg7[%swap3A_289, %swap3A_290] {strides = array<i32>} : memref<256x256xf32, #tpu.memory_space<vmem>>, vector<1x256xf32>,
      %swap3A_292 = vector.shape_cast %swap3A_291 : vector<1x256xf32> to vector<256xf32>
      %swap3A_293 = vector.shape_cast %get3A_286 : vector<256xf32> to vector<1x256xf32>
      tpu.vector_store %arg7[%swap3A_289, %swap3A_290], %swap3A_293 {strides = array<i32>} : memref<256x256xf32, #tpu.memory_space<vmem>>, vector<1x256xf32>,
      %slice3A_294 = vector.extract_strided_slice %get3A_114 {offsets = [14], sizes = [1], strides = [1]} : vector<16xi32> to vector<1xi32>
      %squeeze3A_295 = vector.extract %slice3A_294[0] : i32 from vector<1xi32>
      %get3A_296 = arith.index_cast %squeeze3A_295 : i32 to index
      %get3A_297 = arith.constant 0 : index
      %get3A_298 = tpu.vector_load %arg5[%get3A_296, %get3A_297] {strides = array<i32>} : memref<128x256xf32, #tpu.memory_space<vmem>>, vector<1x256xf32>,
      %get3A_299 = vector.shape_cast %get3A_298 : vector<1x256xf32> to vector<256xf32>
      %add3A_300 = arith.constant 14 : i32
      %add3A_301 = arith.addi %add3A_112, %add3A_300 : i32
      %swap3A_302 = arith.index_cast %add3A_301 : i32 to index
      %swap3A_303 = arith.constant 0 : index
      %swap3A_304 = tpu.vector_load %arg7[%swap3A_302, %swap3A_303] {strides = array<i32>} : memref<256x256xf32, #tpu.memory_space<vmem>>, vector<1x256xf32>,
      %swap3A_305 = vector.shape_cast %swap3A_304 : vector<1x256xf32> to vector<256xf32>
      %swap3A_306 = vector.shape_cast %get3A_299 : vector<256xf32> to vector<1x256xf32>
      tpu.vector_store %arg7[%swap3A_302, %swap3A_303], %swap3A_306 {strides = array<i32>} : memref<256x256xf32, #tpu.memory_space<vmem>>, vector<1x256xf32>,
      %slice3A_307 = vector.extract_strided_slice %get3A_114 {offsets = [15], sizes = [1], strides = [1]} : vector<16xi32> to vector<1xi32>
      %squeeze3A_308 = vector.extract %slice3A_307[0] : i32 from vector<1xi32>
      %get3A_309 = arith.index_cast %squeeze3A_308 : i32 to index
      %get3A_310 = arith.constant 0 : index
      %get3A_311 = tpu.vector_load %arg5[%get3A_309, %get3A_310] {strides = array<i32>} : memref<128x256xf32, #tpu.memory_space<vmem>>, vector<1x256xf32>,
      %get3A_312 = vector.shape_cast %get3A_311 : vector<1x256xf32> to vector<256xf32>
      %add3A_313 = arith.constant 15 : i32
      %add3A_314 = arith.addi %add3A_112, %add3A_313 : i32
      %swap3A_315 = arith.index_cast %add3A_314 : i32 to index
      %swap3A_316 = arith.constant 0 : index
      %swap3A_317 = tpu.vector_load %arg7[%swap3A_315, %swap3A_316] {strides = array<i32>} : memref<256x256xf32, #tpu.memory_space<vmem>>, vector<1x256xf32>,
      %swap3A_318 = vector.shape_cast %swap3A_317 : vector<1x256xf32> to vector<256xf32>
      %swap3A_319 = vector.shape_cast %get3A_312 : vector<256xf32> to vector<1x256xf32>
      tpu.vector_store %arg7[%swap3A_315, %swap3A_316], %swap3A_319 {strides = array<i32>} : memref<256x256xf32, #tpu.memory_space<vmem>>, vector<1x256xf32>,
    }
    %scan3A_22 = arith.constant 4 : i32
    %add3A_23 = arith.constant 64 : i32
    %add3A_24 = arith.addi %mul3A_2, %add3A_23 : i32
    %dma_start3A_25 = arith.constant 64 : i32
    %dma_start3A_26 = arith.constant 0 : i32
    %dma_start3A_27 = tpu.memref_slice %arg7[%dma_start3A_25, %dma_start3A_26] : memref<256x256xf32, #tpu.memory_space<vmem>> -> memref<64x256xf32, #tpu.memory_space<vmem>>
    %dma_start3A_28 = arith.constant 0 : i32
    %dma_start3A_29 = tpu.memref_slice %arg4[%add3A_24, %dma_start3A_28] : memref<8192x256xf32, #tpu.memory_space<hbm>> -> memref<64x256xf32, #tpu.memory_space<hbm>>
    %dma_start3A_30 = arith.constant 0 : i32
    %dma_start3A_31 = tpu.memref_slice %arg4[%add3A_24, %dma_start3A_30] : memref<8192x256xf32, #tpu.memory_space<hbm>> -> memref<64x256xf32, #tpu.memory_space<hbm>>
    %dma_start3A_32 = arith.constant 64 : i32
    %dma_start3A_33 = arith.constant 0 : i32
    %dma_start3A_34 = tpu.memref_slice %arg7[%dma_start3A_32, %dma_start3A_33] : memref<256x256xf32, #tpu.memory_space<vmem>> -> memref<64x256xf32, #tpu.memory_space<vmem>>
    tpu.enqueue_dma source(%dma_start3A_34 : memref<64x256xf32, #tpu.memory_space<vmem>>) target(%dma_start3A_31 : memref<64x256xf32, #tpu.memory_space<hbm>>) target_semaphore(%arg8 : memref<!tpu.dma_semaphore, #tpu.memory_space<semaphore_mem>>)
    %scan3A_35 = arith.constant 0 : i32
    %scan3A_36 = arith.constant 4 : i32
    %scan3A_37 = arith.addi %scan3A_35, %scan3A_36 : i32
    %scan3A_38 = arith.constant 1 : i32
    scf.for %scan3A_108 = %scan3A_35 to %scan3A_37 step %scan3A_38  : i32 {
      %mul3A_109 = arith.constant 16 : i32
      %mul3A_110 = arith.muli %scan3A_108, %mul3A_109 : i32
      %add3A_111 = arith.constant 128 : i32
      %add3A_112 = arith.addi %add3A_111, %mul3A_110 : i32
      %get3A = arith.index_cast %add3A_112 : i32 to index
      %get3A_113 = tpu.vector_load %arg6[%get3A] {strides = array<i32>} : memref<256xi32, #tpu.memory_space<vmem>>, vector<16xi32>,
      %get3A_114 = vector.shape_cast %get3A_113 : vector<16xi32> to vector<16xi32>
      %slice3A = vector.extract_strided_slice %get3A_114 {offsets = [0], sizes = [1], strides = [1]} : vector<16xi32> to vector<1xi32>
      %squeeze3A = vector.extract %slice3A[0] : i32 from vector<1xi32>
      %get3A_115 = arith.index_cast %squeeze3A : i32 to index
      %get3A_116 = arith.constant 0 : index
      %get3A_117 = tpu.vector_load %arg5[%get3A_115, %get3A_116] {strides = array<i32>} : memref<128x256xf32, #tpu.memory_space<vmem>>, vector<1x256xf32>,
      %get3A_118 = vector.shape_cast %get3A_117 : vector<1x256xf32> to vector<256xf32>
      %add3A_119 = arith.constant 0 : i32
      %add3A_120 = arith.addi %add3A_112, %add3A_119 : i32
      %swap3A = arith.index_cast %add3A_120 : i32 to index
      %swap3A_121 = arith.constant 0 : index
      %swap3A_122 = tpu.vector_load %arg7[%swap3A, %swap3A_121] {strides = array<i32>} : memref<256x256xf32, #tpu.memory_space<vmem>>, vector<1x256xf32>,
      %swap3A_123 = vector.shape_cast %swap3A_122 : vector<1x256xf32> to vector<256xf32>
      %swap3A_124 = vector.shape_cast %get3A_118 : vector<256xf32> to vector<1x256xf32>
      tpu.vector_store %arg7[%swap3A, %swap3A_121], %swap3A_124 {strides = array<i32>} : memref<256x256xf32, #tpu.memory_space<vmem>>, vector<1x256xf32>,
      %slice3A_125 = vector.extract_strided_slice %get3A_114 {offsets = [1], sizes = [1], strides = [1]} : vector<16xi32> to vector<1xi32>
      %squeeze3A_126 = vector.extract %slice3A_125[0] : i32 from vector<1xi32>
      %get3A_127 = arith.index_cast %squeeze3A_126 : i32 to index
      %get3A_128 = arith.constant 0 : index
      %get3A_129 = tpu.vector_load %arg5[%get3A_127, %get3A_128] {strides = array<i32>} : memref<128x256xf32, #tpu.memory_space<vmem>>, vector<1x256xf32>,
      %get3A_130 = vector.shape_cast %get3A_129 : vector<1x256xf32> to vector<256xf32>
      %add3A_131 = arith.constant 1 : i32
      %add3A_132 = arith.addi %add3A_112, %add3A_131 : i32
      %swap3A_133 = arith.index_cast %add3A_132 : i32 to index
      %swap3A_134 = arith.constant 0 : index
      %swap3A_135 = tpu.vector_load %arg7[%swap3A_133, %swap3A_134] {strides = array<i32>} : memref<256x256xf32, #tpu.memory_space<vmem>>, vector<1x256xf32>,
      %swap3A_136 = vector.shape_cast %swap3A_135 : vector<1x256xf32> to vector<256xf32>
      %swap3A_137 = vector.shape_cast %get3A_130 : vector<256xf32> to vector<1x256xf32>
      tpu.vector_store %arg7[%swap3A_133, %swap3A_134], %swap3A_137 {strides = array<i32>} : memref<256x256xf32, #tpu.memory_space<vmem>>, vector<1x256xf32>,
      %slice3A_138 = vector.extract_strided_slice %get3A_114 {offsets = [2], sizes = [1], strides = [1]} : vector<16xi32> to vector<1xi32>
      %squeeze3A_139 = vector.extract %slice3A_138[0] : i32 from vector<1xi32>
      %get3A_140 = arith.index_cast %squeeze3A_139 : i32 to index
      %get3A_141 = arith.constant 0 : index
      %get3A_142 = tpu.vector_load %arg5[%get3A_140, %get3A_141] {strides = array<i32>} : memref<128x256xf32, #tpu.memory_space<vmem>>, vector<1x256xf32>,
      %get3A_143 = vector.shape_cast %get3A_142 : vector<1x256xf32> to vector<256xf32>
      %add3A_144 = arith.constant 2 : i32
      %add3A_145 = arith.addi %add3A_112, %add3A_144 : i32
      %swap3A_146 = arith.index_cast %add3A_145 : i32 to index
      %swap3A_147 = arith.constant 0 : index
      %swap3A_148 = tpu.vector_load %arg7[%swap3A_146, %swap3A_147] {strides = array<i32>} : memref<256x256xf32, #tpu.memory_space<vmem>>, vector<1x256xf32>,
      %swap3A_149 = vector.shape_cast %swap3A_148 : vector<1x256xf32> to vector<256xf32>
      %swap3A_150 = vector.shape_cast %get3A_143 : vector<256xf32> to vector<1x256xf32>
      tpu.vector_store %arg7[%swap3A_146, %swap3A_147], %swap3A_150 {strides = array<i32>} : memref<256x256xf32, #tpu.memory_space<vmem>>, vector<1x256xf32>,
      %slice3A_151 = vector.extract_strided_slice %get3A_114 {offsets = [3], sizes = [1], strides = [1]} : vector<16xi32> to vector<1xi32>
      %squeeze3A_152 = vector.extract %slice3A_151[0] : i32 from vector<1xi32>
      %get3A_153 = arith.index_cast %squeeze3A_152 : i32 to index
      %get3A_154 = arith.constant 0 : index
      %get3A_155 = tpu.vector_load %arg5[%get3A_153, %get3A_154] {strides = array<i32>} : memref<128x256xf32, #tpu.memory_space<vmem>>, vector<1x256xf32>,
      %get3A_156 = vector.shape_cast %get3A_155 : vector<1x256xf32> to vector<256xf32>
      %add3A_157 = arith.constant 3 : i32
      %add3A_158 = arith.addi %add3A_112, %add3A_157 : i32
      %swap3A_159 = arith.index_cast %add3A_158 : i32 to index
      %swap3A_160 = arith.constant 0 : index
      %swap3A_161 = tpu.vector_load %arg7[%swap3A_159, %swap3A_160] {strides = array<i32>} : memref<256x256xf32, #tpu.memory_space<vmem>>, vector<1x256xf32>,
      %swap3A_162 = vector.shape_cast %swap3A_161 : vector<1x256xf32> to vector<256xf32>
      %swap3A_163 = vector.shape_cast %get3A_156 : vector<256xf32> to vector<1x256xf32>
      tpu.vector_store %arg7[%swap3A_159, %swap3A_160], %swap3A_163 {strides = array<i32>} : memref<256x256xf32, #tpu.memory_space<vmem>>, vector<1x256xf32>,
      %slice3A_164 = vector.extract_strided_slice %get3A_114 {offsets = [4], sizes = [1], strides = [1]} : vector<16xi32> to vector<1xi32>
      %squeeze3A_165 = vector.extract %slice3A_164[0] : i32 from vector<1xi32>
      %get3A_166 = arith.index_cast %squeeze3A_165 : i32 to index
      %get3A_167 = arith.constant 0 : index
      %get3A_168 = tpu.vector_load %arg5[%get3A_166, %get3A_167] {strides = array<i32>} : memref<128x256xf32, #tpu.memory_space<vmem>>, vector<1x256xf32>,
      %get3A_169 = vector.shape_cast %get3A_168 : vector<1x256xf32> to vector<256xf32>
      %add3A_170 = arith.constant 4 : i32
      %add3A_171 = arith.addi %add3A_112, %add3A_170 : i32
      %swap3A_172 = arith.index_cast %add3A_171 : i32 to index
      %swap3A_173 = arith.constant 0 : index
      %swap3A_174 = tpu.vector_load %arg7[%swap3A_172, %swap3A_173] {strides = array<i32>} : memref<256x256xf32, #tpu.memory_space<vmem>>, vector<1x256xf32>,
      %swap3A_175 = vector.shape_cast %swap3A_174 : vector<1x256xf32> to vector<256xf32>
      %swap3A_176 = vector.shape_cast %get3A_169 : vector<256xf32> to vector<1x256xf32>
      tpu.vector_store %arg7[%swap3A_172, %swap3A_173], %swap3A_176 {strides = array<i32>} : memref<256x256xf32, #tpu.memory_space<vmem>>, vector<1x256xf32>,
      %slice3A_177 = vector.extract_strided_slice %get3A_114 {offsets = [5], sizes = [1], strides = [1]} : vector<16xi32> to vector<1xi32>
      %squeeze3A_178 = vector.extract %slice3A_177[0] : i32 from vector<1xi32>
      %get3A_179 = arith.index_cast %squeeze3A_178 : i32 to index
      %get3A_180 = arith.constant 0 : index
      %get3A_181 = tpu.vector_load %arg5[%get3A_179, %get3A_180] {strides = array<i32>} : memref<128x256xf32, #tpu.memory_space<vmem>>, vector<1x256xf32>,
      %get3A_182 = vector.shape_cast %get3A_181 : vector<1x256xf32> to vector<256xf32>
      %add3A_183 = arith.constant 5 : i32
      %add3A_184 = arith.addi %add3A_112, %add3A_183 : i32
      %swap3A_185 = arith.index_cast %add3A_184 : i32 to index
      %swap3A_186 = arith.constant 0 : index
      %swap3A_187 = tpu.vector_load %arg7[%swap3A_185, %swap3A_186] {strides = array<i32>} : memref<256x256xf32, #tpu.memory_space<vmem>>, vector<1x256xf32>,
      %swap3A_188 = vector.shape_cast %swap3A_187 : vector<1x256xf32> to vector<256xf32>
      %swap3A_189 = vector.shape_cast %get3A_182 : vector<256xf32> to vector<1x256xf32>
      tpu.vector_store %arg7[%swap3A_185, %swap3A_186], %swap3A_189 {strides = array<i32>} : memref<256x256xf32, #tpu.memory_space<vmem>>, vector<1x256xf32>,
      %slice3A_190 = vector.extract_strided_slice %get3A_114 {offsets = [6], sizes = [1], strides = [1]} : vector<16xi32> to vector<1xi32>
      %squeeze3A_191 = vector.extract %slice3A_190[0] : i32 from vector<1xi32>
      %get3A_192 = arith.index_cast %squeeze3A_191 : i32 to index
      %get3A_193 = arith.constant 0 : index
      %get3A_194 = tpu.vector_load %arg5[%get3A_192, %get3A_193] {strides = array<i32>} : memref<128x256xf32, #tpu.memory_space<vmem>>, vector<1x256xf32>,
      %get3A_195 = vector.shape_cast %get3A_194 : vector<1x256xf32> to vector<256xf32>
      %add3A_196 = arith.constant 6 : i32
      %add3A_197 = arith.addi %add3A_112, %add3A_196 : i32
      %swap3A_198 = arith.index_cast %add3A_197 : i32 to index
      %swap3A_199 = arith.constant 0 : index
      %swap3A_200 = tpu.vector_load %arg7[%swap3A_198, %swap3A_199] {strides = array<i32>} : memref<256x256xf32, #tpu.memory_space<vmem>>, vector<1x256xf32>,
      %swap3A_201 = vector.shape_cast %swap3A_200 : vector<1x256xf32> to vector<256xf32>
      %swap3A_202 = vector.shape_cast %get3A_195 : vector<256xf32> to vector<1x256xf32>
      tpu.vector_store %arg7[%swap3A_198, %swap3A_199], %swap3A_202 {strides = array<i32>} : memref<256x256xf32, #tpu.memory_space<vmem>>, vector<1x256xf32>,
      %slice3A_203 = vector.extract_strided_slice %get3A_114 {offsets = [7], sizes = [1], strides = [1]} : vector<16xi32> to vector<1xi32>
      %squeeze3A_204 = vector.extract %slice3A_203[0] : i32 from vector<1xi32>
      %get3A_205 = arith.index_cast %squeeze3A_204 : i32 to index
      %get3A_206 = arith.constant 0 : index
      %get3A_207 = tpu.vector_load %arg5[%get3A_205, %get3A_206] {strides = array<i32>} : memref<128x256xf32, #tpu.memory_space<vmem>>, vector<1x256xf32>,
      %get3A_208 = vector.shape_cast %get3A_207 : vector<1x256xf32> to vector<256xf32>
      %add3A_209 = arith.constant 7 : i32
      %add3A_210 = arith.addi %add3A_112, %add3A_209 : i32
      %swap3A_211 = arith.index_cast %add3A_210 : i32 to index
      %swap3A_212 = arith.constant 0 : index
      %swap3A_213 = tpu.vector_load %arg7[%swap3A_211, %swap3A_212] {strides = array<i32>} : memref<256x256xf32, #tpu.memory_space<vmem>>, vector<1x256xf32>,
      %swap3A_214 = vector.shape_cast %swap3A_213 : vector<1x256xf32> to vector<256xf32>
      %swap3A_215 = vector.shape_cast %get3A_208 : vector<256xf32> to vector<1x256xf32>
      tpu.vector_store %arg7[%swap3A_211, %swap3A_212], %swap3A_215 {strides = array<i32>} : memref<256x256xf32, #tpu.memory_space<vmem>>, vector<1x256xf32>,
      %slice3A_216 = vector.extract_strided_slice %get3A_114 {offsets = [8], sizes = [1], strides = [1]} : vector<16xi32> to vector<1xi32>
      %squeeze3A_217 = vector.extract %slice3A_216[0] : i32 from vector<1xi32>
      %get3A_218 = arith.index_cast %squeeze3A_217 : i32 to index
      %get3A_219 = arith.constant 0 : index
      %get3A_220 = tpu.vector_load %arg5[%get3A_218, %get3A_219] {strides = array<i32>} : memref<128x256xf32, #tpu.memory_space<vmem>>, vector<1x256xf32>,
      %get3A_221 = vector.shape_cast %get3A_220 : vector<1x256xf32> to vector<256xf32>
      %add3A_222 = arith.constant 8 : i32
      %add3A_223 = arith.addi %add3A_112, %add3A_222 : i32
      %swap3A_224 = arith.index_cast %add3A_223 : i32 to index
      %swap3A_225 = arith.constant 0 : index
      %swap3A_226 = tpu.vector_load %arg7[%swap3A_224, %swap3A_225] {strides = array<i32>} : memref<256x256xf32, #tpu.memory_space<vmem>>, vector<1x256xf32>,
      %swap3A_227 = vector.shape_cast %swap3A_226 : vector<1x256xf32> to vector<256xf32>
      %swap3A_228 = vector.shape_cast %get3A_221 : vector<256xf32> to vector<1x256xf32>
      tpu.vector_store %arg7[%swap3A_224, %swap3A_225], %swap3A_228 {strides = array<i32>} : memref<256x256xf32, #tpu.memory_space<vmem>>, vector<1x256xf32>,
      %slice3A_229 = vector.extract_strided_slice %get3A_114 {offsets = [9], sizes = [1], strides = [1]} : vector<16xi32> to vector<1xi32>
      %squeeze3A_230 = vector.extract %slice3A_229[0] : i32 from vector<1xi32>
      %get3A_231 = arith.index_cast %squeeze3A_230 : i32 to index
      %get3A_232 = arith.constant 0 : index
      %get3A_233 = tpu.vector_load %arg5[%get3A_231, %get3A_232] {strides = array<i32>} : memref<128x256xf32, #tpu.memory_space<vmem>>, vector<1x256xf32>,
      %get3A_234 = vector.shape_cast %get3A_233 : vector<1x256xf32> to vector<256xf32>
      %add3A_235 = arith.constant 9 : i32
      %add3A_236 = arith.addi %add3A_112, %add3A_235 : i32
      %swap3A_237 = arith.index_cast %add3A_236 : i32 to index
      %swap3A_238 = arith.constant 0 : index
      %swap3A_239 = tpu.vector_load %arg7[%swap3A_237, %swap3A_238] {strides = array<i32>} : memref<256x256xf32, #tpu.memory_space<vmem>>, vector<1x256xf32>,
      %swap3A_240 = vector.shape_cast %swap3A_239 : vector<1x256xf32> to vector<256xf32>
      %swap3A_241 = vector.shape_cast %get3A_234 : vector<256xf32> to vector<1x256xf32>
      tpu.vector_store %arg7[%swap3A_237, %swap3A_238], %swap3A_241 {strides = array<i32>} : memref<256x256xf32, #tpu.memory_space<vmem>>, vector<1x256xf32>,
      %slice3A_242 = vector.extract_strided_slice %get3A_114 {offsets = [10], sizes = [1], strides = [1]} : vector<16xi32> to vector<1xi32>
      %squeeze3A_243 = vector.extract %slice3A_242[0] : i32 from vector<1xi32>
      %get3A_244 = arith.index_cast %squeeze3A_243 : i32 to index
      %get3A_245 = arith.constant 0 : index
      %get3A_246 = tpu.vector_load %arg5[%get3A_244, %get3A_245] {strides = array<i32>} : memref<128x256xf32, #tpu.memory_space<vmem>>, vector<1x256xf32>,
      %get3A_247 = vector.shape_cast %get3A_246 : vector<1x256xf32> to vector<256xf32>
      %add3A_248 = arith.constant 10 : i32
      %add3A_249 = arith.addi %add3A_112, %add3A_248 : i32
      %swap3A_250 = arith.index_cast %add3A_249 : i32 to index
      %swap3A_251 = arith.constant 0 : index
      %swap3A_252 = tpu.vector_load %arg7[%swap3A_250, %swap3A_251] {strides = array<i32>} : memref<256x256xf32, #tpu.memory_space<vmem>>, vector<1x256xf32>,
      %swap3A_253 = vector.shape_cast %swap3A_252 : vector<1x256xf32> to vector<256xf32>
      %swap3A_254 = vector.shape_cast %get3A_247 : vector<256xf32> to vector<1x256xf32>
      tpu.vector_store %arg7[%swap3A_250, %swap3A_251], %swap3A_254 {strides = array<i32>} : memref<256x256xf32, #tpu.memory_space<vmem>>, vector<1x256xf32>,
      %slice3A_255 = vector.extract_strided_slice %get3A_114 {offsets = [11], sizes = [1], strides = [1]} : vector<16xi32> to vector<1xi32>
      %squeeze3A_256 = vector.extract %slice3A_255[0] : i32 from vector<1xi32>
      %get3A_257 = arith.index_cast %squeeze3A_256 : i32 to index
      %get3A_258 = arith.constant 0 : index
      %get3A_259 = tpu.vector_load %arg5[%get3A_257, %get3A_258] {strides = array<i32>} : memref<128x256xf32, #tpu.memory_space<vmem>>, vector<1x256xf32>,
      %get3A_260 = vector.shape_cast %get3A_259 : vector<1x256xf32> to vector<256xf32>
      %add3A_261 = arith.constant 11 : i32
      %add3A_262 = arith.addi %add3A_112, %add3A_261 : i32
      %swap3A_263 = arith.index_cast %add3A_262 : i32 to index
      %swap3A_264 = arith.constant 0 : index
      %swap3A_265 = tpu.vector_load %arg7[%swap3A_263, %swap3A_264] {strides = array<i32>} : memref<256x256xf32, #tpu.memory_space<vmem>>, vector<1x256xf32>,
      %swap3A_266 = vector.shape_cast %swap3A_265 : vector<1x256xf32> to vector<256xf32>
      %swap3A_267 = vector.shape_cast %get3A_260 : vector<256xf32> to vector<1x256xf32>
      tpu.vector_store %arg7[%swap3A_263, %swap3A_264], %swap3A_267 {strides = array<i32>} : memref<256x256xf32, #tpu.memory_space<vmem>>, vector<1x256xf32>,
      %slice3A_268 = vector.extract_strided_slice %get3A_114 {offsets = [12], sizes = [1], strides = [1]} : vector<16xi32> to vector<1xi32>
      %squeeze3A_269 = vector.extract %slice3A_268[0] : i32 from vector<1xi32>
      %get3A_270 = arith.index_cast %squeeze3A_269 : i32 to index
      %get3A_271 = arith.constant 0 : index
      %get3A_272 = tpu.vector_load %arg5[%get3A_270, %get3A_271] {strides = array<i32>} : memref<128x256xf32, #tpu.memory_space<vmem>>, vector<1x256xf32>,
      %get3A_273 = vector.shape_cast %get3A_272 : vector<1x256xf32> to vector<256xf32>
      %add3A_274 = arith.constant 12 : i32
      %add3A_275 = arith.addi %add3A_112, %add3A_274 : i32
      %swap3A_276 = arith.index_cast %add3A_275 : i32 to index
      %swap3A_277 = arith.constant 0 : index
      %swap3A_278 = tpu.vector_load %arg7[%swap3A_276, %swap3A_277] {strides = array<i32>} : memref<256x256xf32, #tpu.memory_space<vmem>>, vector<1x256xf32>,
      %swap3A_279 = vector.shape_cast %swap3A_278 : vector<1x256xf32> to vector<256xf32>
      %swap3A_280 = vector.shape_cast %get3A_273 : vector<256xf32> to vector<1x256xf32>
      tpu.vector_store %arg7[%swap3A_276, %swap3A_277], %swap3A_280 {strides = array<i32>} : memref<256x256xf32, #tpu.memory_space<vmem>>, vector<1x256xf32>,
      %slice3A_281 = vector.extract_strided_slice %get3A_114 {offsets = [13], sizes = [1], strides = [1]} : vector<16xi32> to vector<1xi32>
      %squeeze3A_282 = vector.extract %slice3A_281[0] : i32 from vector<1xi32>
      %get3A_283 = arith.index_cast %squeeze3A_282 : i32 to index
      %get3A_284 = arith.constant 0 : index
      %get3A_285 = tpu.vector_load %arg5[%get3A_283, %get3A_284] {strides = array<i32>} : memref<128x256xf32, #tpu.memory_space<vmem>>, vector<1x256xf32>,
      %get3A_286 = vector.shape_cast %get3A_285 : vector<1x256xf32> to vector<256xf32>
      %add3A_287 = arith.constant 13 : i32
      %add3A_288 = arith.addi %add3A_112, %add3A_287 : i32
      %swap3A_289 = arith.index_cast %add3A_288 : i32 to index
      %swap3A_290 = arith.constant 0 : index
      %swap3A_291 = tpu.vector_load %arg7[%swap3A_289, %swap3A_290] {strides = array<i32>} : memref<256x256xf32, #tpu.memory_space<vmem>>, vector<1x256xf32>,
      %swap3A_292 = vector.shape_cast %swap3A_291 : vector<1x256xf32> to vector<256xf32>
      %swap3A_293 = vector.shape_cast %get3A_286 : vector<256xf32> to vector<1x256xf32>
      tpu.vector_store %arg7[%swap3A_289, %swap3A_290], %swap3A_293 {strides = array<i32>} : memref<256x256xf32, #tpu.memory_space<vmem>>, vector<1x256xf32>,
      %slice3A_294 = vector.extract_strided_slice %get3A_114 {offsets = [14], sizes = [1], strides = [1]} : vector<16xi32> to vector<1xi32>
      %squeeze3A_295 = vector.extract %slice3A_294[0] : i32 from vector<1xi32>
      %get3A_296 = arith.index_cast %squeeze3A_295 : i32 to index
      %get3A_297 = arith.constant 0 : index
      %get3A_298 = tpu.vector_load %arg5[%get3A_296, %get3A_297] {strides = array<i32>} : memref<128x256xf32, #tpu.memory_space<vmem>>, vector<1x256xf32>,
      %get3A_299 = vector.shape_cast %get3A_298 : vector<1x256xf32> to vector<256xf32>
      %add3A_300 = arith.constant 14 : i32
      %add3A_301 = arith.addi %add3A_112, %add3A_300 : i32
      %swap3A_302 = arith.index_cast %add3A_301 : i32 to index
      %swap3A_303 = arith.constant 0 : index
      %swap3A_304 = tpu.vector_load %arg7[%swap3A_302, %swap3A_303] {strides = array<i32>} : memref<256x256xf32, #tpu.memory_space<vmem>>, vector<1x256xf32>,
      %swap3A_305 = vector.shape_cast %swap3A_304 : vector<1x256xf32> to vector<256xf32>
      %swap3A_306 = vector.shape_cast %get3A_299 : vector<256xf32> to vector<1x256xf32>
      tpu.vector_store %arg7[%swap3A_302, %swap3A_303], %swap3A_306 {strides = array<i32>} : memref<256x256xf32, #tpu.memory_space<vmem>>, vector<1x256xf32>,
      %slice3A_307 = vector.extract_strided_slice %get3A_114 {offsets = [15], sizes = [1], strides = [1]} : vector<16xi32> to vector<1xi32>
      %squeeze3A_308 = vector.extract %slice3A_307[0] : i32 from vector<1xi32>
      %get3A_309 = arith.index_cast %squeeze3A_308 : i32 to index
      %get3A_310 = arith.constant 0 : index
      %get3A_311 = tpu.vector_load %arg5[%get3A_309, %get3A_310] {strides = array<i32>} : memref<128x256xf32, #tpu.memory_space<vmem>>, vector<1x256xf32>,
      %get3A_312 = vector.shape_cast %get3A_311 : vector<1x256xf32> to vector<256xf32>
      %add3A_313 = arith.constant 15 : i32
      %add3A_314 = arith.addi %add3A_112, %add3A_313 : i32
      %swap3A_315 = arith.index_cast %add3A_314 : i32 to index
      %swap3A_316 = arith.constant 0 : index
      %swap3A_317 = tpu.vector_load %arg7[%swap3A_315, %swap3A_316] {strides = array<i32>} : memref<256x256xf32, #tpu.memory_space<vmem>>, vector<1x256xf32>,
      %swap3A_318 = vector.shape_cast %swap3A_317 : vector<1x256xf32> to vector<256xf32>
      %swap3A_319 = vector.shape_cast %get3A_312 : vector<256xf32> to vector<1x256xf32>
      tpu.vector_store %arg7[%swap3A_315, %swap3A_316], %swap3A_319 {strides = array<i32>} : memref<256x256xf32, #tpu.memory_space<vmem>>, vector<1x256xf32>,
    }
    %scan3A_39 = arith.constant 4 : i32
    %add3A_40 = arith.constant 128 : i32
    %add3A_41 = arith.addi %mul3A_2, %add3A_40 : i32
    %dma_start3A_42 = arith.constant 128 : i32
    %dma_start3A_43 = arith.constant 0 : i32
    %dma_start3A_44 = tpu.memref_slice %arg7[%dma_start3A_42, %dma_start3A_43] : memref<256x256xf32, #tpu.memory_space<vmem>> -> memref<64x256xf32, #tpu.memory_space<vmem>>
    %dma_start3A_45 = arith.constant 0 : i32
    %dma_start3A_46 = tpu.memref_slice %arg4[%add3A_41, %dma_start3A_45] : memref<8192x256xf32, #tpu.memory_space<hbm>> -> memref<64x256xf32, #tpu.memory_space<hbm>>
    %dma_start3A_47 = arith.constant 0 : i32
    %dma_start3A_48 = tpu.memref_slice %arg4[%add3A_41, %dma_start3A_47] : memref<8192x256xf32, #tpu.memory_space<hbm>> -> memref<64x256xf32, #tpu.memory_space<hbm>>
    %dma_start3A_49 = arith.constant 128 : i32
    %dma_start3A_50 = arith.constant 0 : i32
    %dma_start3A_51 = tpu.memref_slice %arg7[%dma_start3A_49, %dma_start3A_50] : memref<256x256xf32, #tpu.memory_space<vmem>> -> memref<64x256xf32, #tpu.memory_space<vmem>>
    tpu.enqueue_dma source(%dma_start3A_51 : memref<64x256xf32, #tpu.memory_space<vmem>>) target(%dma_start3A_48 : memref<64x256xf32, #tpu.memory_space<hbm>>) target_semaphore(%arg8 : memref<!tpu.dma_semaphore, #tpu.memory_space<semaphore_mem>>)
    %scan3A_52 = arith.constant 0 : i32
    %scan3A_53 = arith.constant 4 : i32
    %scan3A_54 = arith.addi %scan3A_52, %scan3A_53 : i32
    %scan3A_55 = arith.constant 1 : i32
    scf.for %scan3A_108 = %scan3A_52 to %scan3A_54 step %scan3A_55  : i32 {
      %mul3A_109 = arith.constant 16 : i32
      %mul3A_110 = arith.muli %scan3A_108, %mul3A_109 : i32
      %add3A_111 = arith.constant 192 : i32
      %add3A_112 = arith.addi %add3A_111, %mul3A_110 : i32
      %get3A = arith.index_cast %add3A_112 : i32 to index
      %get3A_113 = tpu.vector_load %arg6[%get3A] {strides = array<i32>} : memref<256xi32, #tpu.memory_space<vmem>>, vector<16xi32>,
      %get3A_114 = vector.shape_cast %get3A_113 : vector<16xi32> to vector<16xi32>
      %slice3A = vector.extract_strided_slice %get3A_114 {offsets = [0], sizes = [1], strides = [1]} : vector<16xi32> to vector<1xi32>
      %squeeze3A = vector.extract %slice3A[0] : i32 from vector<1xi32>
      %get3A_115 = arith.index_cast %squeeze3A : i32 to index
      %get3A_116 = arith.constant 0 : index
      %get3A_117 = tpu.vector_load %arg5[%get3A_115, %get3A_116] {strides = array<i32>} : memref<128x256xf32, #tpu.memory_space<vmem>>, vector<1x256xf32>,
      %get3A_118 = vector.shape_cast %get3A_117 : vector<1x256xf32> to vector<256xf32>
      %add3A_119 = arith.constant 0 : i32
      %add3A_120 = arith.addi %add3A_112, %add3A_119 : i32
      %swap3A = arith.index_cast %add3A_120 : i32 to index
      %swap3A_121 = arith.constant 0 : index
      %swap3A_122 = tpu.vector_load %arg7[%swap3A, %swap3A_121] {strides = array<i32>} : memref<256x256xf32, #tpu.memory_space<vmem>>, vector<1x256xf32>,
      %swap3A_123 = vector.shape_cast %swap3A_122 : vector<1x256xf32> to vector<256xf32>
      %swap3A_124 = vector.shape_cast %get3A_118 : vector<256xf32> to vector<1x256xf32>
      tpu.vector_store %arg7[%swap3A, %swap3A_121], %swap3A_124 {strides = array<i32>} : memref<256x256xf32, #tpu.memory_space<vmem>>, vector<1x256xf32>,
      %slice3A_125 = vector.extract_strided_slice %get3A_114 {offsets = [1], sizes = [1], strides = [1]} : vector<16xi32> to vector<1xi32>
      %squeeze3A_126 = vector.extract %slice3A_125[0] : i32 from vector<1xi32>
      %get3A_127 = arith.index_cast %squeeze3A_126 : i32 to index
      %get3A_128 = arith.constant 0 : index
      %get3A_129 = tpu.vector_load %arg5[%get3A_127, %get3A_128] {strides = array<i32>} : memref<128x256xf32, #tpu.memory_space<vmem>>, vector<1x256xf32>,
      %get3A_130 = vector.shape_cast %get3A_129 : vector<1x256xf32> to vector<256xf32>
      %add3A_131 = arith.constant 1 : i32
      %add3A_132 = arith.addi %add3A_112, %add3A_131 : i32
      %swap3A_133 = arith.index_cast %add3A_132 : i32 to index
      %swap3A_134 = arith.constant 0 : index
      %swap3A_135 = tpu.vector_load %arg7[%swap3A_133, %swap3A_134] {strides = array<i32>} : memref<256x256xf32, #tpu.memory_space<vmem>>, vector<1x256xf32>,
      %swap3A_136 = vector.shape_cast %swap3A_135 : vector<1x256xf32> to vector<256xf32>
      %swap3A_137 = vector.shape_cast %get3A_130 : vector<256xf32> to vector<1x256xf32>
      tpu.vector_store %arg7[%swap3A_133, %swap3A_134], %swap3A_137 {strides = array<i32>} : memref<256x256xf32, #tpu.memory_space<vmem>>, vector<1x256xf32>,
      %slice3A_138 = vector.extract_strided_slice %get3A_114 {offsets = [2], sizes = [1], strides = [1]} : vector<16xi32> to vector<1xi32>
      %squeeze3A_139 = vector.extract %slice3A_138[0] : i32 from vector<1xi32>
      %get3A_140 = arith.index_cast %squeeze3A_139 : i32 to index
      %get3A_141 = arith.constant 0 : index
      %get3A_142 = tpu.vector_load %arg5[%get3A_140, %get3A_141] {strides = array<i32>} : memref<128x256xf32, #tpu.memory_space<vmem>>, vector<1x256xf32>,
      %get3A_143 = vector.shape_cast %get3A_142 : vector<1x256xf32> to vector<256xf32>
      %add3A_144 = arith.constant 2 : i32
      %add3A_145 = arith.addi %add3A_112, %add3A_144 : i32
      %swap3A_146 = arith.index_cast %add3A_145 : i32 to index
      %swap3A_147 = arith.constant 0 : index
      %swap3A_148 = tpu.vector_load %arg7[%swap3A_146, %swap3A_147] {strides = array<i32>} : memref<256x256xf32, #tpu.memory_space<vmem>>, vector<1x256xf32>,
      %swap3A_149 = vector.shape_cast %swap3A_148 : vector<1x256xf32> to vector<256xf32>
      %swap3A_150 = vector.shape_cast %get3A_143 : vector<256xf32> to vector<1x256xf32>
      tpu.vector_store %arg7[%swap3A_146, %swap3A_147], %swap3A_150 {strides = array<i32>} : memref<256x256xf32, #tpu.memory_space<vmem>>, vector<1x256xf32>,
      %slice3A_151 = vector.extract_strided_slice %get3A_114 {offsets = [3], sizes = [1], strides = [1]} : vector<16xi32> to vector<1xi32>
      %squeeze3A_152 = vector.extract %slice3A_151[0] : i32 from vector<1xi32>
      %get3A_153 = arith.index_cast %squeeze3A_152 : i32 to index
      %get3A_154 = arith.constant 0 : index
      %get3A_155 = tpu.vector_load %arg5[%get3A_153, %get3A_154] {strides = array<i32>} : memref<128x256xf32, #tpu.memory_space<vmem>>, vector<1x256xf32>,
      %get3A_156 = vector.shape_cast %get3A_155 : vector<1x256xf32> to vector<256xf32>
      %add3A_157 = arith.constant 3 : i32
      %add3A_158 = arith.addi %add3A_112, %add3A_157 : i32
      %swap3A_159 = arith.index_cast %add3A_158 : i32 to index
      %swap3A_160 = arith.constant 0 : index
      %swap3A_161 = tpu.vector_load %arg7[%swap3A_159, %swap3A_160] {strides = array<i32>} : memref<256x256xf32, #tpu.memory_space<vmem>>, vector<1x256xf32>,
      %swap3A_162 = vector.shape_cast %swap3A_161 : vector<1x256xf32> to vector<256xf32>
      %swap3A_163 = vector.shape_cast %get3A_156 : vector<256xf32> to vector<1x256xf32>
      tpu.vector_store %arg7[%swap3A_159, %swap3A_160], %swap3A_163 {strides = array<i32>} : memref<256x256xf32, #tpu.memory_space<vmem>>, vector<1x256xf32>,
      %slice3A_164 = vector.extract_strided_slice %get3A_114 {offsets = [4], sizes = [1], strides = [1]} : vector<16xi32> to vector<1xi32>
      %squeeze3A_165 = vector.extract %slice3A_164[0] : i32 from vector<1xi32>
      %get3A_166 = arith.index_cast %squeeze3A_165 : i32 to index
      %get3A_167 = arith.constant 0 : index
      %get3A_168 = tpu.vector_load %arg5[%get3A_166, %get3A_167] {strides = array<i32>} : memref<128x256xf32, #tpu.memory_space<vmem>>, vector<1x256xf32>,
      %get3A_169 = vector.shape_cast %get3A_168 : vector<1x256xf32> to vector<256xf32>
      %add3A_170 = arith.constant 4 : i32
      %add3A_171 = arith.addi %add3A_112, %add3A_170 : i32
      %swap3A_172 = arith.index_cast %add3A_171 : i32 to index
      %swap3A_173 = arith.constant 0 : index
      %swap3A_174 = tpu.vector_load %arg7[%swap3A_172, %swap3A_173] {strides = array<i32>} : memref<256x256xf32, #tpu.memory_space<vmem>>, vector<1x256xf32>,
      %swap3A_175 = vector.shape_cast %swap3A_174 : vector<1x256xf32> to vector<256xf32>
      %swap3A_176 = vector.shape_cast %get3A_169 : vector<256xf32> to vector<1x256xf32>
      tpu.vector_store %arg7[%swap3A_172, %swap3A_173], %swap3A_176 {strides = array<i32>} : memref<256x256xf32, #tpu.memory_space<vmem>>, vector<1x256xf32>,
      %slice3A_177 = vector.extract_strided_slice %get3A_114 {offsets = [5], sizes = [1], strides = [1]} : vector<16xi32> to vector<1xi32>
      %squeeze3A_178 = vector.extract %slice3A_177[0] : i32 from vector<1xi32>
      %get3A_179 = arith.index_cast %squeeze3A_178 : i32 to index
      %get3A_180 = arith.constant 0 : index
      %get3A_181 = tpu.vector_load %arg5[%get3A_179, %get3A_180] {strides = array<i32>} : memref<128x256xf32, #tpu.memory_space<vmem>>, vector<1x256xf32>,
      %get3A_182 = vector.shape_cast %get3A_181 : vector<1x256xf32> to vector<256xf32>
      %add3A_183 = arith.constant 5 : i32
      %add3A_184 = arith.addi %add3A_112, %add3A_183 : i32
      %swap3A_185 = arith.index_cast %add3A_184 : i32 to index
      %swap3A_186 = arith.constant 0 : index
      %swap3A_187 = tpu.vector_load %arg7[%swap3A_185, %swap3A_186] {strides = array<i32>} : memref<256x256xf32, #tpu.memory_space<vmem>>, vector<1x256xf32>,
      %swap3A_188 = vector.shape_cast %swap3A_187 : vector<1x256xf32> to vector<256xf32>
      %swap3A_189 = vector.shape_cast %get3A_182 : vector<256xf32> to vector<1x256xf32>
      tpu.vector_store %arg7[%swap3A_185, %swap3A_186], %swap3A_189 {strides = array<i32>} : memref<256x256xf32, #tpu.memory_space<vmem>>, vector<1x256xf32>,
      %slice3A_190 = vector.extract_strided_slice %get3A_114 {offsets = [6], sizes = [1], strides = [1]} : vector<16xi32> to vector<1xi32>
      %squeeze3A_191 = vector.extract %slice3A_190[0] : i32 from vector<1xi32>
      %get3A_192 = arith.index_cast %squeeze3A_191 : i32 to index
      %get3A_193 = arith.constant 0 : index
      %get3A_194 = tpu.vector_load %arg5[%get3A_192, %get3A_193] {strides = array<i32>} : memref<128x256xf32, #tpu.memory_space<vmem>>, vector<1x256xf32>,
      %get3A_195 = vector.shape_cast %get3A_194 : vector<1x256xf32> to vector<256xf32>
      %add3A_196 = arith.constant 6 : i32
      %add3A_197 = arith.addi %add3A_112, %add3A_196 : i32
      %swap3A_198 = arith.index_cast %add3A_197 : i32 to index
      %swap3A_199 = arith.constant 0 : index
      %swap3A_200 = tpu.vector_load %arg7[%swap3A_198, %swap3A_199] {strides = array<i32>} : memref<256x256xf32, #tpu.memory_space<vmem>>, vector<1x256xf32>,
      %swap3A_201 = vector.shape_cast %swap3A_200 : vector<1x256xf32> to vector<256xf32>
      %swap3A_202 = vector.shape_cast %get3A_195 : vector<256xf32> to vector<1x256xf32>
      tpu.vector_store %arg7[%swap3A_198, %swap3A_199], %swap3A_202 {strides = array<i32>} : memref<256x256xf32, #tpu.memory_space<vmem>>, vector<1x256xf32>,
      %slice3A_203 = vector.extract_strided_slice %get3A_114 {offsets = [7], sizes = [1], strides = [1]} : vector<16xi32> to vector<1xi32>
      %squeeze3A_204 = vector.extract %slice3A_203[0] : i32 from vector<1xi32>
      %get3A_205 = arith.index_cast %squeeze3A_204 : i32 to index
      %get3A_206 = arith.constant 0 : index
      %get3A_207 = tpu.vector_load %arg5[%get3A_205, %get3A_206] {strides = array<i32>} : memref<128x256xf32, #tpu.memory_space<vmem>>, vector<1x256xf32>,
      %get3A_208 = vector.shape_cast %get3A_207 : vector<1x256xf32> to vector<256xf32>
      %add3A_209 = arith.constant 7 : i32
      %add3A_210 = arith.addi %add3A_112, %add3A_209 : i32
      %swap3A_211 = arith.index_cast %add3A_210 : i32 to index
      %swap3A_212 = arith.constant 0 : index
      %swap3A_213 = tpu.vector_load %arg7[%swap3A_211, %swap3A_212] {strides = array<i32>} : memref<256x256xf32, #tpu.memory_space<vmem>>, vector<1x256xf32>,
      %swap3A_214 = vector.shape_cast %swap3A_213 : vector<1x256xf32> to vector<256xf32>
      %swap3A_215 = vector.shape_cast %get3A_208 : vector<256xf32> to vector<1x256xf32>
      tpu.vector_store %arg7[%swap3A_211, %swap3A_212], %swap3A_215 {strides = array<i32>} : memref<256x256xf32, #tpu.memory_space<vmem>>, vector<1x256xf32>,
      %slice3A_216 = vector.extract_strided_slice %get3A_114 {offsets = [8], sizes = [1], strides = [1]} : vector<16xi32> to vector<1xi32>
      %squeeze3A_217 = vector.extract %slice3A_216[0] : i32 from vector<1xi32>
      %get3A_218 = arith.index_cast %squeeze3A_217 : i32 to index
      %get3A_219 = arith.constant 0 : index
      %get3A_220 = tpu.vector_load %arg5[%get3A_218, %get3A_219] {strides = array<i32>} : memref<128x256xf32, #tpu.memory_space<vmem>>, vector<1x256xf32>,
      %get3A_221 = vector.shape_cast %get3A_220 : vector<1x256xf32> to vector<256xf32>
      %add3A_222 = arith.constant 8 : i32
      %add3A_223 = arith.addi %add3A_112, %add3A_222 : i32
      %swap3A_224 = arith.index_cast %add3A_223 : i32 to index
      %swap3A_225 = arith.constant 0 : index
      %swap3A_226 = tpu.vector_load %arg7[%swap3A_224, %swap3A_225] {strides = array<i32>} : memref<256x256xf32, #tpu.memory_space<vmem>>, vector<1x256xf32>,
      %swap3A_227 = vector.shape_cast %swap3A_226 : vector<1x256xf32> to vector<256xf32>
      %swap3A_228 = vector.shape_cast %get3A_221 : vector<256xf32> to vector<1x256xf32>
      tpu.vector_store %arg7[%swap3A_224, %swap3A_225], %swap3A_228 {strides = array<i32>} : memref<256x256xf32, #tpu.memory_space<vmem>>, vector<1x256xf32>,
      %slice3A_229 = vector.extract_strided_slice %get3A_114 {offsets = [9], sizes = [1], strides = [1]} : vector<16xi32> to vector<1xi32>
      %squeeze3A_230 = vector.extract %slice3A_229[0] : i32 from vector<1xi32>
      %get3A_231 = arith.index_cast %squeeze3A_230 : i32 to index
      %get3A_232 = arith.constant 0 : index
      %get3A_233 = tpu.vector_load %arg5[%get3A_231, %get3A_232] {strides = array<i32>} : memref<128x256xf32, #tpu.memory_space<vmem>>, vector<1x256xf32>,
      %get3A_234 = vector.shape_cast %get3A_233 : vector<1x256xf32> to vector<256xf32>
      %add3A_235 = arith.constant 9 : i32
      %add3A_236 = arith.addi %add3A_112, %add3A_235 : i32
      %swap3A_237 = arith.index_cast %add3A_236 : i32 to index
      %swap3A_238 = arith.constant 0 : index
      %swap3A_239 = tpu.vector_load %arg7[%swap3A_237, %swap3A_238] {strides = array<i32>} : memref<256x256xf32, #tpu.memory_space<vmem>>, vector<1x256xf32>,
      %swap3A_240 = vector.shape_cast %swap3A_239 : vector<1x256xf32> to vector<256xf32>
      %swap3A_241 = vector.shape_cast %get3A_234 : vector<256xf32> to vector<1x256xf32>
      tpu.vector_store %arg7[%swap3A_237, %swap3A_238], %swap3A_241 {strides = array<i32>} : memref<256x256xf32, #tpu.memory_space<vmem>>, vector<1x256xf32>,
      %slice3A_242 = vector.extract_strided_slice %get3A_114 {offsets = [10], sizes = [1], strides = [1]} : vector<16xi32> to vector<1xi32>
      %squeeze3A_243 = vector.extract %slice3A_242[0] : i32 from vector<1xi32>
      %get3A_244 = arith.index_cast %squeeze3A_243 : i32 to index
      %get3A_245 = arith.constant 0 : index
      %get3A_246 = tpu.vector_load %arg5[%get3A_244, %get3A_245] {strides = array<i32>} : memref<128x256xf32, #tpu.memory_space<vmem>>, vector<1x256xf32>,
      %get3A_247 = vector.shape_cast %get3A_246 : vector<1x256xf32> to vector<256xf32>
      %add3A_248 = arith.constant 10 : i32
      %add3A_249 = arith.addi %add3A_112, %add3A_248 : i32
      %swap3A_250 = arith.index_cast %add3A_249 : i32 to index
      %swap3A_251 = arith.constant 0 : index
      %swap3A_252 = tpu.vector_load %arg7[%swap3A_250, %swap3A_251] {strides = array<i32>} : memref<256x256xf32, #tpu.memory_space<vmem>>, vector<1x256xf32>,
      %swap3A_253 = vector.shape_cast %swap3A_252 : vector<1x256xf32> to vector<256xf32>
      %swap3A_254 = vector.shape_cast %get3A_247 : vector<256xf32> to vector<1x256xf32>
      tpu.vector_store %arg7[%swap3A_250, %swap3A_251], %swap3A_254 {strides = array<i32>} : memref<256x256xf32, #tpu.memory_space<vmem>>, vector<1x256xf32>,
      %slice3A_255 = vector.extract_strided_slice %get3A_114 {offsets = [11], sizes = [1], strides = [1]} : vector<16xi32> to vector<1xi32>
      %squeeze3A_256 = vector.extract %slice3A_255[0] : i32 from vector<1xi32>
      %get3A_257 = arith.index_cast %squeeze3A_256 : i32 to index
      %get3A_258 = arith.constant 0 : index
      %get3A_259 = tpu.vector_load %arg5[%get3A_257, %get3A_258] {strides = array<i32>} : memref<128x256xf32, #tpu.memory_space<vmem>>, vector<1x256xf32>,
      %get3A_260 = vector.shape_cast %get3A_259 : vector<1x256xf32> to vector<256xf32>
      %add3A_261 = arith.constant 11 : i32
      %add3A_262 = arith.addi %add3A_112, %add3A_261 : i32
      %swap3A_263 = arith.index_cast %add3A_262 : i32 to index
      %swap3A_264 = arith.constant 0 : index
      %swap3A_265 = tpu.vector_load %arg7[%swap3A_263, %swap3A_264] {strides = array<i32>} : memref<256x256xf32, #tpu.memory_space<vmem>>, vector<1x256xf32>,
      %swap3A_266 = vector.shape_cast %swap3A_265 : vector<1x256xf32> to vector<256xf32>
      %swap3A_267 = vector.shape_cast %get3A_260 : vector<256xf32> to vector<1x256xf32>
      tpu.vector_store %arg7[%swap3A_263, %swap3A_264], %swap3A_267 {strides = array<i32>} : memref<256x256xf32, #tpu.memory_space<vmem>>, vector<1x256xf32>,
      %slice3A_268 = vector.extract_strided_slice %get3A_114 {offsets = [12], sizes = [1], strides = [1]} : vector<16xi32> to vector<1xi32>
      %squeeze3A_269 = vector.extract %slice3A_268[0] : i32 from vector<1xi32>
      %get3A_270 = arith.index_cast %squeeze3A_269 : i32 to index
      %get3A_271 = arith.constant 0 : index
      %get3A_272 = tpu.vector_load %arg5[%get3A_270, %get3A_271] {strides = array<i32>} : memref<128x256xf32, #tpu.memory_space<vmem>>, vector<1x256xf32>,
      %get3A_273 = vector.shape_cast %get3A_272 : vector<1x256xf32> to vector<256xf32>
      %add3A_274 = arith.constant 12 : i32
      %add3A_275 = arith.addi %add3A_112, %add3A_274 : i32
      %swap3A_276 = arith.index_cast %add3A_275 : i32 to index
      %swap3A_277 = arith.constant 0 : index
      %swap3A_278 = tpu.vector_load %arg7[%swap3A_276, %swap3A_277] {strides = array<i32>} : memref<256x256xf32, #tpu.memory_space<vmem>>, vector<1x256xf32>,
      %swap3A_279 = vector.shape_cast %swap3A_278 : vector<1x256xf32> to vector<256xf32>
      %swap3A_280 = vector.shape_cast %get3A_273 : vector<256xf32> to vector<1x256xf32>
      tpu.vector_store %arg7[%swap3A_276, %swap3A_277], %swap3A_280 {strides = array<i32>} : memref<256x256xf32, #tpu.memory_space<vmem>>, vector<1x256xf32>,
      %slice3A_281 = vector.extract_strided_slice %get3A_114 {offsets = [13], sizes = [1], strides = [1]} : vector<16xi32> to vector<1xi32>
      %squeeze3A_282 = vector.extract %slice3A_281[0] : i32 from vector<1xi32>
      %get3A_283 = arith.index_cast %squeeze3A_282 : i32 to index
      %get3A_284 = arith.constant 0 : index
      %get3A_285 = tpu.vector_load %arg5[%get3A_283, %get3A_284] {strides = array<i32>} : memref<128x256xf32, #tpu.memory_space<vmem>>, vector<1x256xf32>,
      %get3A_286 = vector.shape_cast %get3A_285 : vector<1x256xf32> to vector<256xf32>
      %add3A_287 = arith.constant 13 : i32
      %add3A_288 = arith.addi %add3A_112, %add3A_287 : i32
      %swap3A_289 = arith.index_cast %add3A_288 : i32 to index
      %swap3A_290 = arith.constant 0 : index
      %swap3A_291 = tpu.vector_load %arg7[%swap3A_289, %swap3A_290] {strides = array<i32>} : memref<256x256xf32, #tpu.memory_space<vmem>>, vector<1x256xf32>,
      %swap3A_292 = vector.shape_cast %swap3A_291 : vector<1x256xf32> to vector<256xf32>
      %swap3A_293 = vector.shape_cast %get3A_286 : vector<256xf32> to vector<1x256xf32>
      tpu.vector_store %arg7[%swap3A_289, %swap3A_290], %swap3A_293 {strides = array<i32>} : memref<256x256xf32, #tpu.memory_space<vmem>>, vector<1x256xf32>,
      %slice3A_294 = vector.extract_strided_slice %get3A_114 {offsets = [14], sizes = [1], strides = [1]} : vector<16xi32> to vector<1xi32>
      %squeeze3A_295 = vector.extract %slice3A_294[0] : i32 from vector<1xi32>
      %get3A_296 = arith.index_cast %squeeze3A_295 : i32 to index
      %get3A_297 = arith.constant 0 : index
      %get3A_298 = tpu.vector_load %arg5[%get3A_296, %get3A_297] {strides = array<i32>} : memref<128x256xf32, #tpu.memory_space<vmem>>, vector<1x256xf32>,
      %get3A_299 = vector.shape_cast %get3A_298 : vector<1x256xf32> to vector<256xf32>
      %add3A_300 = arith.constant 14 : i32
      %add3A_301 = arith.addi %add3A_112, %add3A_300 : i32
      %swap3A_302 = arith.index_cast %add3A_301 : i32 to index
      %swap3A_303 = arith.constant 0 : index
      %swap3A_304 = tpu.vector_load %arg7[%swap3A_302, %swap3A_303] {strides = array<i32>} : memref<256x256xf32, #tpu.memory_space<vmem>>, vector<1x256xf32>,
      %swap3A_305 = vector.shape_cast %swap3A_304 : vector<1x256xf32> to vector<256xf32>
      %swap3A_306 = vector.shape_cast %get3A_299 : vector<256xf32> to vector<1x256xf32>
      tpu.vector_store %arg7[%swap3A_302, %swap3A_303], %swap3A_306 {strides = array<i32>} : memref<256x256xf32, #tpu.memory_space<vmem>>, vector<1x256xf32>,
      %slice3A_307 = vector.extract_strided_slice %get3A_114 {offsets = [15], sizes = [1], strides = [1]} : vector<16xi32> to vector<1xi32>
      %squeeze3A_308 = vector.extract %slice3A_307[0] : i32 from vector<1xi32>
      %get3A_309 = arith.index_cast %squeeze3A_308 : i32 to index
      %get3A_310 = arith.constant 0 : index
      %get3A_311 = tpu.vector_load %arg5[%get3A_309, %get3A_310] {strides = array<i32>} : memref<128x256xf32, #tpu.memory_space<vmem>>, vector<1x256xf32>,
      %get3A_312 = vector.shape_cast %get3A_311 : vector<1x256xf32> to vector<256xf32>
      %add3A_313 = arith.constant 15 : i32
      %add3A_314 = arith.addi %add3A_112, %add3A_313 : i32
      %swap3A_315 = arith.index_cast %add3A_314 : i32 to index
      %swap3A_316 = arith.constant 0 : index
      %swap3A_317 = tpu.vector_load %arg7[%swap3A_315, %swap3A_316] {strides = array<i32>} : memref<256x256xf32, #tpu.memory_space<vmem>>, vector<1x256xf32>,
      %swap3A_318 = vector.shape_cast %swap3A_317 : vector<1x256xf32> to vector<256xf32>
      %swap3A_319 = vector.shape_cast %get3A_312 : vector<256xf32> to vector<1x256xf32>
      tpu.vector_store %arg7[%swap3A_315, %swap3A_316], %swap3A_319 {strides = array<i32>} : memref<256x256xf32, #tpu.memory_space<vmem>>, vector<1x256xf32>,
    }
    %scan3A_56 = arith.constant 4 : i32
    %add3A_57 = arith.constant 192 : i32
    %add3A_58 = arith.addi %mul3A_2, %add3A_57 : i32
    %dma_start3A_59 = arith.constant 192 : i32
    %dma_start3A_60 = arith.constant 0 : i32
    %dma_start3A_61 = tpu.memref_slice %arg7[%dma_start3A_59, %dma_start3A_60] : memref<256x256xf32, #tpu.memory_space<vmem>> -> memref<64x256xf32, #tpu.memory_space<vmem>>
    %dma_start3A_62 = arith.constant 0 : i32
    %dma_start3A_63 = tpu.memref_slice %arg4[%add3A_58, %dma_start3A_62] : memref<8192x256xf32, #tpu.memory_space<hbm>> -> memref<64x256xf32, #tpu.memory_space<hbm>>
    %dma_start3A_64 = arith.constant 0 : i32
    %dma_start3A_65 = tpu.memref_slice %arg4[%add3A_58, %dma_start3A_64] : memref<8192x256xf32, #tpu.memory_space<hbm>> -> memref<64x256xf32, #tpu.memory_space<hbm>>
    %dma_start3A_66 = arith.constant 192 : i32
    %dma_start3A_67 = arith.constant 0 : i32
    %dma_start3A_68 = tpu.memref_slice %arg7[%dma_start3A_66, %dma_start3A_67] : memref<256x256xf32, #tpu.memory_space<vmem>> -> memref<64x256xf32, #tpu.memory_space<vmem>>
    tpu.enqueue_dma source(%dma_start3A_68 : memref<64x256xf32, #tpu.memory_space<vmem>>) target(%dma_start3A_65 : memref<64x256xf32, #tpu.memory_space<hbm>>) target_semaphore(%arg8 : memref<!tpu.dma_semaphore, #tpu.memory_space<semaphore_mem>>)
    %dma_wait3A = arith.constant 0 : i32
    %dma_wait3A_69 = arith.constant 0 : i32
    %dma_wait3A_70 = tpu.memref_slice %arg7[%dma_wait3A, %dma_wait3A_69] : memref<256x256xf32, #tpu.memory_space<vmem>> -> memref<64x256xf32, #tpu.memory_space<vmem>>
    %dma_wait3A_71 = arith.constant 0 : i32
    %dma_wait3A_72 = tpu.memref_slice %arg4[%add3A_8, %dma_wait3A_71] : memref<8192x256xf32, #tpu.memory_space<hbm>> -> memref<64x256xf32, #tpu.memory_space<hbm>>
    %dma_wait3A_73 = arith.constant 0 : i32
    %dma_wait3A_74 = tpu.memref_slice %arg4[%add3A_8, %dma_wait3A_73] : memref<8192x256xf32, #tpu.memory_space<hbm>> -> memref<64x256xf32, #tpu.memory_space<hbm>>
    %dma_wait3A_75 = arith.constant 0 : i32
    %dma_wait3A_76 = arith.constant 0 : i32
    %dma_wait3A_77 = tpu.memref_slice %arg7[%dma_wait3A_75, %dma_wait3A_76] : memref<256x256xf32, #tpu.memory_space<vmem>> -> memref<64x256xf32, #tpu.memory_space<vmem>>
    tpu.wait_dma2 semaphore(%arg8 : memref<!tpu.dma_semaphore, #tpu.memory_space<semaphore_mem>>) src(%dma_wait3A_77 : memref<64x256xf32, #tpu.memory_space<vmem>>) dst(%dma_wait3A_74 : memref<64x256xf32, #tpu.memory_space<hbm>>)
    %dma_wait3A_78 = arith.constant 64 : i32
    %dma_wait3A_79 = arith.constant 0 : i32
    %dma_wait3A_80 = tpu.memref_slice %arg7[%dma_wait3A_78, %dma_wait3A_79] : memref<256x256xf32, #tpu.memory_space<vmem>> -> memref<64x256xf32, #tpu.memory_space<vmem>>
    %dma_wait3A_81 = arith.constant 0 : i32
    %dma_wait3A_82 = tpu.memref_slice %arg4[%add3A_24, %dma_wait3A_81] : memref<8192x256xf32, #tpu.memory_space<hbm>> -> memref<64x256xf32, #tpu.memory_space<hbm>>
    %dma_wait3A_83 = arith.constant 0 : i32
    %dma_wait3A_84 = tpu.memref_slice %arg4[%add3A_24, %dma_wait3A_83] : memref<8192x256xf32, #tpu.memory_space<hbm>> -> memref<64x256xf32, #tpu.memory_space<hbm>>
    %dma_wait3A_85 = arith.constant 64 : i32
    %dma_wait3A_86 = arith.constant 0 : i32
    %dma_wait3A_87 = tpu.memref_slice %arg7[%dma_wait3A_85, %dma_wait3A_86] : memref<256x256xf32, #tpu.memory_space<vmem>> -> memref<64x256xf32, #tpu.memory_space<vmem>>
    tpu.wait_dma2 semaphore(%arg8 : memref<!tpu.dma_semaphore, #tpu.memory_space<semaphore_mem>>) src(%dma_wait3A_87 : memref<64x256xf32, #tpu.memory_space<vmem>>) dst(%dma_wait3A_84 : memref<64x256xf32, #tpu.memory_space<hbm>>)
    %dma_wait3A_88 = arith.constant 128 : i32
    %dma_wait3A_89 = arith.constant 0 : i32
    %dma_wait3A_90 = tpu.memref_slice %arg7[%dma_wait3A_88, %dma_wait3A_89] : memref<256x256xf32, #tpu.memory_space<vmem>> -> memref<64x256xf32, #tpu.memory_space<vmem>>
    %dma_wait3A_91 = arith.constant 0 : i32
    %dma_wait3A_92 = tpu.memref_slice %arg4[%add3A_41, %dma_wait3A_91] : memref<8192x256xf32, #tpu.memory_space<hbm>> -> memref<64x256xf32, #tpu.memory_space<hbm>>
    %dma_wait3A_93 = arith.constant 0 : i32
    %dma_wait3A_94 = tpu.memref_slice %arg4[%add3A_41, %dma_wait3A_93] : memref<8192x256xf32, #tpu.memory_space<hbm>> -> memref<64x256xf32, #tpu.memory_space<hbm>>
    %dma_wait3A_95 = arith.constant 128 : i32
    %dma_wait3A_96 = arith.constant 0 : i32
    %dma_wait3A_97 = tpu.memref_slice %arg7[%dma_wait3A_95, %dma_wait3A_96] : memref<256x256xf32, #tpu.memory_space<vmem>> -> memref<64x256xf32, #tpu.memory_space<vmem>>
    tpu.wait_dma2 semaphore(%arg8 : memref<!tpu.dma_semaphore, #tpu.memory_space<semaphore_mem>>) src(%dma_wait3A_97 : memref<64x256xf32, #tpu.memory_space<vmem>>) dst(%dma_wait3A_94 : memref<64x256xf32, #tpu.memory_space<hbm>>)
    %dma_wait3A_98 = arith.constant 192 : i32
    %dma_wait3A_99 = arith.constant 0 : i32
    %dma_wait3A_100 = tpu.memref_slice %arg7[%dma_wait3A_98, %dma_wait3A_99] : memref<256x256xf32, #tpu.memory_space<vmem>> -> memref<64x256xf32, #tpu.memory_space<vmem>>
    %dma_wait3A_101 = arith.constant 0 : i32
    %dma_wait3A_102 = tpu.memref_slice %arg4[%add3A_58, %dma_wait3A_101] : memref<8192x256xf32, #tpu.memory_space<hbm>> -> memref<64x256xf32, #tpu.memory_space<hbm>>
    %dma_wait3A_103 = arith.constant 0 : i32
    %dma_wait3A_104 = tpu.memref_slice %arg4[%add3A_58, %dma_wait3A_103] : memref<8192x256xf32, #tpu.memory_space<hbm>> -> memref<64x256xf32, #tpu.memory_space<hbm>>
    %dma_wait3A_105 = arith.constant 192 : i32
    %dma_wait3A_106 = arith.constant 0 : i32
    %dma_wait3A_107 = tpu.memref_slice %arg7[%dma_wait3A_105, %dma_wait3A_106] : memref<256x256xf32, #tpu.memory_space<vmem>> -> memref<64x256xf32, #tpu.memory_space<vmem>>
    tpu.wait_dma2 semaphore(%arg8 : memref<!tpu.dma_semaphore, #tpu.memory_space<semaphore_mem>>) src(%dma_wait3A_107 : memref<64x256xf32, #tpu.memory_space<vmem>>) dst(%dma_wait3A_104 : memref<64x256xf32, #tpu.memory_space<hbm>>)
    return
  }
}

module attributes {stable_mosaic.version = 14 : i64} {
  func.func @_prep_body(%arg0: memref<16x128xf32, #tpu.memory_space<vmem>>, %arg1: memref<1x128xf32, #tpu.memory_space<vmem>>, %arg2: memref<1x128xf32, #tpu.memory_space<vmem>>, %arg3: memref<128x128xi32, #tpu.memory_space<vmem>>, %arg4: memref<128x256xf32, #tpu.memory_space<vmem>>, %arg5: memref<128x64xi32, #tpu.memory_space<vmem>>) attributes {dimension_semantics = [], scalar_prefetch = 0 : i64, scratch_operands = 0 : i64, tpu.core_type = #tpu.core_type<tc>} {
    %get3A = arith.constant 0 : index
    %get3A_0 = arith.constant 0 : index
    %get3A_1 = vector.load %arg0[%get3A, %get3A_0] : memref<16x128xf32, #tpu.memory_space<vmem>>, vector<16x128xf32>
    %reduce_sum3A = arith.constant dense<0.000000e+00> : vector<16xf32>
    %reduce_sum3A_2 = vector.multi_reduction <add>, %get3A_1, %reduce_sum3A [1] : vector<16x128xf32> to vector<16xf32>
    %broadcast_in_dim3A = vector.shape_cast %reduce_sum3A_2 : vector<16xf32> to vector<16x1xf32>
    %div3A = arith.constant 1.280000e+02 : f32
    %div3A_3 = vector.broadcast %div3A : f32 to vector<16x1xf32>
    %div3A_4 = arith.divf %broadcast_in_dim3A, %div3A_3 : vector<16x1xf32>
    %sub3A = vector.broadcast %div3A_4 : vector<16x1xf32> to vector<16x128xf32>
    %sub3A_5 = arith.subf %get3A_1, %sub3A : vector<16x128xf32>
    %mul3A = arith.mulf %sub3A_5, %sub3A_5 : vector<16x128xf32>
    %reduce_sum3A_6 = arith.constant dense<0.000000e+00> : vector<16xf32>
    %reduce_sum3A_7 = vector.multi_reduction <add>, %mul3A, %reduce_sum3A_6 [1] : vector<16x128xf32> to vector<16xf32>
    %broadcast_in_dim3A_8 = vector.shape_cast %reduce_sum3A_7 : vector<16xf32> to vector<16x1xf32>
    %div3A_9 = arith.constant 1.280000e+02 : f32
    %div3A_10 = vector.broadcast %div3A_9 : f32 to vector<16x1xf32>
    %div3A_11 = arith.divf %broadcast_in_dim3A_8, %div3A_10 : vector<16x1xf32>
    %add3A = arith.constant 9.99999974E-6 : f32
    %add3A_12 = vector.broadcast %add3A : f32 to vector<16x1xf32>
    %add3A_13 = arith.addf %div3A_11, %add3A_12 : vector<16x1xf32>
    %rsqrt3A = math.rsqrt %add3A_13 : vector<16x1xf32>
    %mul3A_14 = vector.broadcast %rsqrt3A : vector<16x1xf32> to vector<16x128xf32>
    %mul3A_15 = arith.mulf %sub3A_5, %mul3A_14 : vector<16x128xf32>
    %get3A_16 = arith.constant 0 : index
    %get3A_17 = arith.constant 0 : index
    %get3A_18 = vector.load %arg1[%get3A_16, %get3A_17] : memref<1x128xf32, #tpu.memory_space<vmem>>, vector<1x128xf32>
    %mul3A_19 = vector.broadcast %get3A_18 : vector<1x128xf32> to vector<16x128xf32>
    %mul3A_20 = arith.mulf %mul3A_15, %mul3A_19 : vector<16x128xf32>
    %get3A_21 = arith.constant 0 : index
    %get3A_22 = arith.constant 0 : index
    %get3A_23 = vector.load %arg2[%get3A_21, %get3A_22] : memref<1x128xf32, #tpu.memory_space<vmem>>, vector<1x128xf32>
    %add3A_24 = vector.broadcast %get3A_23 : vector<1x128xf32> to vector<16x128xf32>
    %add3A_25 = arith.addf %mul3A_20, %add3A_24 : vector<16x128xf32>
    %iota3A = tpu.iota {dimensions = array<i32: 0>} : vector<128x1xi32>
    %iota3A_26 = tpu.iota {dimensions = array<i32: 1>} : vector<128x16xi32>
    %jit3A = arith.constant 11 : i32
    %div3A_27 = vector.broadcast %jit3A : i32 to vector<128x1xi32>
    %div3A_28 = arith.divsi %iota3A, %div3A_27 : vector<128x1xi32>
    %sign3A = arith.constant 0 : i32
    %sign3A_29 = vector.broadcast %sign3A : i32 to vector<128x1xi32>
    %sign3A_30 = arith.cmpi sgt, %iota3A, %sign3A_29 : vector<128x1xi32>
    %sign3A_31 = arith.extui %sign3A_30 : vector<128x1xi1> to vector<128x1xi32>
    %sign3A_32 = arith.constant 0 : i32
    %sign3A_33 = vector.broadcast %sign3A_32 : i32 to vector<128x1xi32>
    %sign3A_34 = arith.cmpi slt, %iota3A, %sign3A_33 : vector<128x1xi32>
    %sign3A_35 = arith.extui %sign3A_34 : vector<128x1xi1> to vector<128x1xi32>
    %sign3A_36 = arith.subi %sign3A_31, %sign3A_35 : vector<128x1xi32>
    %sign3A_37 = arith.constant 0 : i32
    %sign3A_38 = arith.cmpi sgt, %jit3A, %sign3A_37 : i32
    %sign3A_39 = arith.extui %sign3A_38 : i1 to i32
    %sign3A_40 = arith.constant 0 : i32
    %sign3A_41 = arith.cmpi slt, %jit3A, %sign3A_40 : i32
    %sign3A_42 = arith.extui %sign3A_41 : i1 to i32
    %sign3A_43 = arith.subi %sign3A_39, %sign3A_42 : i32
    %ne3A = vector.broadcast %sign3A_43 : i32 to vector<128x1xi32>
    %ne3A_44 = arith.cmpi ne, %sign3A_36, %ne3A : vector<128x1xi32>
    %rem3A = vector.broadcast %jit3A : i32 to vector<128x1xi32>
    %rem3A_45 = arith.remsi %iota3A, %rem3A : vector<128x1xi32>
    %ne3A_46 = arith.constant 0 : i32
    %ne3A_47 = vector.broadcast %ne3A_46 : i32 to vector<128x1xi32>
    %ne3A_48 = arith.cmpi ne, %rem3A_45, %ne3A_47 : vector<128x1xi32>
    %and3A = arith.andi %ne3A_44, %ne3A_48 : vector<128x1xi1>
    %sub3A_49 = arith.constant 1 : i32
    %sub3A_50 = vector.broadcast %sub3A_49 : i32 to vector<128x1xi32>
    %sub3A_51 = arith.subi %div3A_28, %sub3A_50 : vector<128x1xi32>
    %select_n3A = arith.select %and3A, %sub3A_51, %div3A_28 : vector<128x1xi1>, vector<128x1xi32>
    %eq3A = vector.broadcast %select_n3A : vector<128x1xi32> to vector<128x16xi32>
    %eq3A_52 = arith.cmpi eq, %iota3A_26, %eq3A : vector<128x16xi32>
    %jit3A_53 = arith.constant 1.000000e+00 : f32
    %jit3A_54 = arith.constant 0.000000e+00 : f32
    %broadcast_in_dim3A_55 = vector.broadcast %jit3A_53 : f32 to vector<128x16xf32>
    %broadcast_in_dim3A_56 = vector.broadcast %jit3A_54 : f32 to vector<128x16xf32>
    %select_n3A_57 = arith.select %eq3A_52, %broadcast_in_dim3A_55, %broadcast_in_dim3A_56 : vector<128x16xi1>, vector<128x16xf32>
    %jit3A_58 = arith.constant 11 : i32
    %eq3A_59 = arith.constant 0 : i32
    %eq3A_60 = arith.cmpi eq, %jit3A_58, %eq3A_59 : i32
    %jit3A_61 = arith.constant 1 : i32
    %select_n3A_62 = arith.select %eq3A_60, %jit3A_61, %jit3A_58 : i32
    %rem3A_63 = vector.broadcast %select_n3A_62 : i32 to vector<128x1xi32>
    %rem3A_64 = arith.remsi %iota3A, %rem3A_63 : vector<128x1xi32>
    %ne3A_65 = arith.constant 0 : i32
    %ne3A_66 = vector.broadcast %ne3A_65 : i32 to vector<128x1xi32>
    %ne3A_67 = arith.cmpi ne, %rem3A_64, %ne3A_66 : vector<128x1xi32>
    %lt3A = arith.constant 0 : i32
    %lt3A_68 = vector.broadcast %lt3A : i32 to vector<128x1xi32>
    %lt3A_69 = arith.cmpi slt, %rem3A_64, %lt3A_68 : vector<128x1xi32>
    %lt3A_70 = arith.constant 0 : i32
    %lt3A_71 = arith.cmpi slt, %select_n3A_62, %lt3A_70 : i32
    %ne3A_72 = vector.broadcast %lt3A_71 : i1 to vector<128x1xi1>
    %ne3A_73 = vector.broadcast %ne3A_72 : vector<128x1xi1> to vector<128x1xi1>
    %ne3A_74 = arith.xori %lt3A_69, %ne3A_73 : vector<128x1xi1>
    %and3A_75 = arith.andi %ne3A_74, %ne3A_67 : vector<128x1xi1>
    %add3A_76 = vector.broadcast %select_n3A_62 : i32 to vector<128x1xi32>
    %add3A_77 = arith.addi %rem3A_64, %add3A_76 : vector<128x1xi32>
    %select_n3A_78 = arith.select %and3A_75, %add3A_77, %rem3A_64 : vector<128x1xi1>, vector<128x1xi32>
    %eq3A_79 = vector.broadcast %select_n3A_78 : vector<128x1xi32> to vector<128x16xi32>
    %eq3A_80 = arith.cmpi eq, %iota3A_26, %eq3A_79 : vector<128x16xi32>
    %jit3A_81 = arith.constant 1.000000e+00 : f32
    %jit3A_82 = arith.constant 0.000000e+00 : f32
    %broadcast_in_dim3A_83 = vector.broadcast %jit3A_81 : f32 to vector<128x16xf32>
    %broadcast_in_dim3A_84 = vector.broadcast %jit3A_82 : f32 to vector<128x16xf32>
    %select_n3A_85 = arith.select %eq3A_80, %broadcast_in_dim3A_83, %broadcast_in_dim3A_84 : vector<128x16xi1>, vector<128x16xf32>
    %dot_general3A = arith.constant dense<0.000000e+00> : vector<128x128xf32>
    %dot_general3A_86 = tpu.matmul %select_n3A_57, %add3A_25, %dot_general3A {dimension_numbers = #tpu.dot_dimension_numbers<[1], [0], [0], [1], [0, 0, 1, 1], [], []>, precision = #tpu.contract_precision<fp32>, transpose_lhs_hint = false} : vector<128x16xf32>, vector<16x128xf32>, vector<128x128xf32> -> vector<128x128xf32>
    %swap3A = arith.constant 0 : index
    %swap3A_87 = arith.constant 0 : index
    %swap3A_88 = vector.load %arg4[%swap3A, %swap3A_87] : memref<128x256xf32, #tpu.memory_space<vmem>>, vector<128x128xf32>
    tpu.vector_store %arg4[%swap3A, %swap3A_87], %dot_general3A_86 {strides = array<i32>} : memref<128x256xf32, #tpu.memory_space<vmem>>, vector<128x128xf32>,
    %dot_general3A_89 = arith.constant dense<0.000000e+00> : vector<128x128xf32>
    %dot_general3A_90 = tpu.matmul %select_n3A_85, %add3A_25, %dot_general3A_89 {dimension_numbers = #tpu.dot_dimension_numbers<[1], [0], [0], [1], [0, 0, 1, 1], [], []>, precision = #tpu.contract_precision<fp32>, transpose_lhs_hint = false} : vector<128x16xf32>, vector<16x128xf32>, vector<128x128xf32> -> vector<128x128xf32>
    %swap3A_91 = arith.constant 0 : index
    %swap3A_92 = arith.constant 128 : index
    %swap3A_93 = vector.load %arg4[%swap3A_91, %swap3A_92] : memref<128x256xf32, #tpu.memory_space<vmem>>, vector<128x128xf32>
    tpu.vector_store %arg4[%swap3A_91, %swap3A_92], %dot_general3A_90 {strides = array<i32>} : memref<128x256xf32, #tpu.memory_space<vmem>>, vector<128x128xf32>,
    %iota3A_94 = tpu.iota {dimensions = array<i32: 0>} : vector<128x64xi32>
    %iota3A_95 = tpu.iota {dimensions = array<i32: 1>} : vector<128x64xi32>
    %mul3A_96 = arith.constant 2 : i32
    %mul3A_97 = vector.broadcast %mul3A_96 : i32 to vector<128x64xi32>
    %mul3A_98 = arith.muli %mul3A_97, %iota3A_95 : vector<128x64xi32>
    %eq3A_99 = arith.cmpi eq, %iota3A_94, %mul3A_98 : vector<128x64xi32>
    %jit3A_100 = arith.constant 1.100000e+01 : f32
    %jit3A_101 = arith.constant 0.000000e+00 : f32
    %broadcast_in_dim3A_102 = vector.broadcast %jit3A_100 : f32 to vector<128x64xf32>
    %broadcast_in_dim3A_103 = vector.broadcast %jit3A_101 : f32 to vector<128x64xf32>
    %select_n3A_104 = arith.select %eq3A_99, %broadcast_in_dim3A_102, %broadcast_in_dim3A_103 : vector<128x64xi1>, vector<128x64xf32>
    %mul3A_105 = arith.constant 2 : i32
    %mul3A_106 = vector.broadcast %mul3A_105 : i32 to vector<128x64xi32>
    %mul3A_107 = arith.muli %mul3A_106, %iota3A_95 : vector<128x64xi32>
    %add3A_108 = arith.constant 1 : i32
    %add3A_109 = vector.broadcast %add3A_108 : i32 to vector<128x64xi32>
    %add3A_110 = arith.addi %mul3A_107, %add3A_109 : vector<128x64xi32>
    %eq3A_111 = arith.cmpi eq, %iota3A_94, %add3A_110 : vector<128x64xi32>
    %jit3A_112 = arith.constant 1.000000e+00 : f32
    %jit3A_113 = arith.constant 0.000000e+00 : f32
    %broadcast_in_dim3A_114 = vector.broadcast %jit3A_112 : f32 to vector<128x64xf32>
    %broadcast_in_dim3A_115 = vector.broadcast %jit3A_113 : f32 to vector<128x64xf32>
    %select_n3A_116 = arith.select %eq3A_111, %broadcast_in_dim3A_114, %broadcast_in_dim3A_115 : vector<128x64xi1>, vector<128x64xf32>
    %add3A_117 = arith.addf %select_n3A_104, %select_n3A_116 : vector<128x64xf32>
    %get3A_118 = arith.constant 0 : index
    %get3A_119 = arith.constant 0 : index
    %get3A_120 = vector.load %arg3[%get3A_118, %get3A_119] : memref<128x128xi32, #tpu.memory_space<vmem>>, vector<128x128xi32>
    %convert_element_type3A = arith.sitofp %get3A_120 : vector<128x128xi32> to vector<128x128xf32>
    %dot_general3A_121 = arith.constant dense<0.000000e+00> : vector<128x64xf32>
    %dot_general3A_122 = tpu.matmul %convert_element_type3A, %add3A_117, %dot_general3A_121 {dimension_numbers = #tpu.dot_dimension_numbers<[1], [0], [0], [1], [0, 0, 1, 1], [], []>, precision = #tpu.contract_precision<fp32>, transpose_lhs_hint = false} : vector<128x128xf32>, vector<128x64xf32>, vector<128x64xf32> -> vector<128x64xf32>
    %convert_element_type3A_123 = arith.fptosi %dot_general3A_122 : vector<128x64xf32> to vector<128x64xi32>
    %swap3A_124 = arith.constant 0 : index
    %swap3A_125 = arith.constant 0 : index
    %swap3A_126 = vector.load %arg5[%swap3A_124, %swap3A_125] : memref<128x64xi32, #tpu.memory_space<vmem>>, vector<128x64xi32>
    tpu.vector_store %arg5[%swap3A_124, %swap3A_125], %convert_element_type3A_123 {strides = array<i32>} : memref<128x64xi32, #tpu.memory_space<vmem>>, vector<128x64xi32>,
    return
  }
}

</mosaic_0001>

<sc_bundles>
// kernel: kernel.4.cloned.1.call-start
scs
__scs_entry_jumppad:
0x0: {  	(pc) =	sbr.rel $0x88, $3  }
0x1: {  	(tag) =	ssettag $0x0;
	lr =	simm.s32 $0x1  }
0x2: {  	[smem:$0x3F9D] =	sst lr;
	_ =	strace $0xD0000000  }
0x3: {  	_ = 	snop  }
0x4: {  	_ = 	snop  }
0x5: {  	_ = 	snop  }
0x6: {  	_ = 	snop  }
0x7: {  	_ = 	snop  }
__scs_overlays_trampoline_lowered:
0x8: {  	[smem:$0x3FAC] =	sst s0  }
0x9: {  	[smem:$0x3FAD] =	sst s1  }
0xa: {  	[smem:$0x3FAE] =	sst s2  }
0xb: {  	[smem:$0x3FAF] =	sst s3  }
0xc: {  	[smem:$0x3FB0] =	sst s4  }
0xd: {  	[smem:$0x3FB1] =	sst s5  }
0xe: {  	[smem:$0x3FB2] =	sst s6  }
0xf: {  	[smem:$0x3FB3] =	sst s7  }
0x10: {  	[smem:$0x3FB4] =	sst s8  }
0x11: {  	[smem:$0x3FB5] =	sst s9;
	s0 =	simm.s32 @!p0 $0x0  }
0x12: {  	s1 =	sld [smem:$0x3F9B];
	s0 =	simm.s32 @p0 $0x1  }
0x13: {  	[smem:$0x3FB6] =	sst s0;
	s0 =	simm.s32 @!p1 $0x0  }
0x14: {  	s2 =	sld [smem:$0x3F9A];
	s0 =	simm.s32 @p1 $0x1  }
0x15: {  	[smem:$0x3FB7] =	sst s0;
	s0 =	simm.s32 @!p2 $0x0  }
0x16: {  	s3 =	sld [smem:$0x3FDB];
	s0 =	simm.s32 @p2 $0x1  }
0x17: {  	s4 =	simm.s32 $0x1BF5;
	[smem:$0x3FB9] =	sst s0  }
0x18: {  	s0 =	sld [smem:$0x3F9C];
	_ =	swait.ge [sflag:s4], $0x0  }
0x19: {  	s7 =	sld [smem:$0x3F9D]  }
0x1a: {  	s8 =	sadd.s32 $0xFFFFE003, lr  }
0x1b: {  	s9 =	sadd.s32 $0xFFFFFEF7, lr;
	s5 =	simm.s32 $0xFFFFFFFF;
	p2 =	slt.u32 s8, $0xFFFFF086  }
0x1c: {  	p1 =	slt.u32 s9, $0xF7A;
	s5 =	simm.s32 @!p2 $0x0  }
0x1d: {  	s5 =	simm.s32 @p1 $0x1;
	p0 =	seq.s32 s7, s2  }
0x1e: {  	s7 =	smul.u32 @!p0 $0xF7A, s2;
	p2 =	seq.s32 @!p0 s5, $0x0  }
0x1f: {  	s9 =	smul.u32 $0xF7A, s1;
	s8 =	simm.s32 @!p0 $0x1BF5;
	p2 =	por !p2, p0  }
0x20: {  	[sflag:s8] =	ssyncset.s32 @!p0 $0xFFFFF086;
	s6 =	sadd.s32 @!p0 s3, s7;
	s7 =	simm.s32 @!p0 $0x108  }
0x21: {  	s3 =	sadd.s32 s3, s9;
	s6 =	sadd.s32 @!p0 $0x88, s6;
	s7 =	simm.s32 @p2 $0x1082  }
0x22: {  	[simem:s7], [sflag:s8] =	dma.local @!p0 [hbm:s6], $0xF7A  }
0x23: {  	s9 =	sor.u32 $0xD0000000, s2;
	s6 =	simm.s32 $0x108;
	_ =	swait.ge @!p0 [sflag:s8], $0x0  }
0x24: {  	s3 =	sadd.s32 $0x88, s3;
	s6 =	simm.s32 @!p1 $0x1082;
	[sflag:s4] =	ssyncset.s32 $0xFFFFF086  }
0x25: {  	[simem:s6], [sflag:s4] =	dma.local [hbm:s3], $0xF7A  }
0x26: {  	[smem:$0x3F9D] =	sst s1;
	(tag) =	ssettag s2;
	_ =	strace s9  }
0x27: {  	s1 =	sld [smem:$0x3FAD]  }
0x28: {  	s2 =	sld [smem:$0x3FAE]  }
0x29: {  	s4 =	sld [smem:$0x3FB0]  }
0x2a: {  	p0 =	seq.s32 s5, $0x0;
	s5 =	sld [smem:$0x3FB1]  }
0x2b: {  	s6 =	sld [smem:$0x3FB2]  }
0x2c: {  	s7 =	sld [smem:$0x3FB3]  }
0x2d: {  	s3 =	simm.s32 $0x108;
	s8 =	sld [smem:$0x3FB4]  }
0x2e: {  	s3 =	simm.s32 @!p0 $0x1082;
	s9 =	sld [smem:$0x3FB5]  }
0x2f: {  	lr =	sadd.s32 s0, s3;
	s0 =	sld [smem:$0x3FAC]  }
0x30: {  	s3 =	sld [smem:$0x3FAF]  }
0x31: {  	[smem:$0x3FB8] =	sst s10  }
0x32: {  	s10 =	sld [smem:$0x3FB6];
	_ =	sdelay $0x3  }
0x33: {  	p0 =	seq.s32 s10, $0x1;
	s10 =	sld [smem:$0x3FB8];
	_ =	sdelay $0x3  }
0x34: {  	[smem:$0x3FB8] =	sst s10  }
0x35: {  	s10 =	sld [smem:$0x3FB7];
	_ =	sdelay $0x3  }
0x36: {  	p1 =	seq.s32 s10, $0x1;
	s10 =	sld [smem:$0x3FB8];
	_ =	sdelay $0x3  }
0x37: {  	[smem:$0x3FB8] =	sst s10  }
0x38: {  	s10 =	sld [smem:$0x3FB9]  }
0x39: {  	_ = 	snop;
	(pc) =	sbr.ind lr, $3  }
0x3a: {  	_ = 	snop  }
0x3b: {  	_ = 	snop  }
0x3c: {  	p2 =	seq.s32 s10, $0x1;
	s10 =	sld [smem:$0x3FB8]  }
0x3d: {  	_ =	shalt  }
0x3e: {  	_ =	shalt  }
0x3f: {  	_ =	shalt  }
0x40: {  	_ =	shalt  }
0x41: {  	_ =	shalt  }
0x42: {  	_ =	shalt  }
0x43: {  	_ =	shalt  }
0x44: {  	_ =	shalt  }
0x45: {  	_ =	shalt  }
0x46: {  	_ =	shalt  }
0x47: {  	_ =	shalt  }
0x48: {  	_ =	shalt  }
0x49: {  	_ =	shalt  }
0x4a: {  	_ =	shalt  }
0x4b: {  	_ =	shalt  }
0x4c: {  	_ =	shalt  }
0x4d: {  	_ =	shalt  }
0x4e: {  	_ =	shalt  }
0x4f: {  	_ =	shalt  }
0x50: {  	_ =	shalt  }
0x51: {  	_ =	shalt  }
0x52: {  	_ =	shalt  }
0x53: {  	_ =	shalt  }
0x54: {  	_ =	shalt  }
0x55: {  	_ =	shalt  }
0x56: {  	_ =	shalt  }
0x57: {  	_ =	shalt  }
0x58: {  	_ =	shalt  }
0x59: {  	_ =	shalt  }
0x5a: {  	_ =	shalt  }
0x5b: {  	_ =	shalt  }
0x5c: {  	_ =	shalt  }
0x5d: {  	_ =	shalt  }
0x5e: {  	_ =	shalt  }
0x5f: {  	_ =	shalt  }
0x60: {  	_ =	shalt  }
0x61: {  	_ =	shalt  }
0x62: {  	_ =	shalt  }
0x63: {  	_ =	shalt  }
0x64: {  	_ =	shalt  }
0x65: {  	_ =	shalt  }
0x66: {  	_ =	shalt  }
0x67: {  	_ =	shalt  }
0x68: {  	_ =	shalt  }
0x69: {  	_ =	shalt  }
0x6a: {  	_ =	shalt  }
0x6b: {  	_ =	shalt  }
0x6c: {  	_ =	shalt  }
0x6d: {  	_ =	shalt  }
0x6e: {  	_ =	shalt  }
0x6f: {  	_ =	shalt  }
0x70: {  	_ =	shalt  }
0x71: {  	_ =	shalt  }
0x72: {  	_ =	shalt  }
0x73: {  	_ =	shalt  }
0x74: {  	_ =	shalt  }
0x75: {  	_ =	shalt  }
0x76: {  	_ =	shalt  }
0x77: {  	_ =	shalt  }
0x78: {  	_ =	shalt  }
0x79: {  	_ =	shalt  }
0x7a: {  	_ =	shalt  }
0x7b: {  	_ =	shalt  }
0x7c: {  	_ =	shalt  }
0x7d: {  	_ =	shalt  }
0x7e: {  	_ =	shalt  }
0x7f: {  	_ =	shalt  }
0x80: {  	_ =	shalt  }
0x81: {  	_ =	shalt  }
0x82: {  	_ =	shalt  }
0x83: {  	_ =	shalt  }
0x84: {  	_ =	shalt  }
0x85: {  	_ =	shalt  }
0x86: {  	_ =	shalt  }
0x87: {  	_ =	shalt  }
.Lfunc_end0:
.L_simem_size_0:
called_computation_lowered:
.L_overlay_start_0:
0x88: {  	s2 =	sld [smem:$0x3FD9]  }
0x89: {  	s3 =	sld [smem:$0x3FFE];
	_ =	sdelay $0x1  }
0x8a: {  	s1 =	srdreg.scid  }
0x8b: {  	s0 =	sand.u32 $0x1, s1  }
0x8c: {  	s17 =	sshll.u32 s0, $0xA;
	s2 =	sadd.s32 s3, s2  }
0x8d: {  	s2 =	sadd.s32 s2, s17  }
0x8e: {  	[smem:$0x3FC4] =	sst s2  }
0x8f: {  	_ = 	snop  }
0x90: {  	s2 =	sld [smem:$0x3FD0];
	(tm) =	ssettm $0x1  }
0x91: {  	s18 =	sld [smem:$0x3FFB];
	_ =	sdelay $0x3  }
0x92: {  	_ =	strace s18  }
0x93: {  	s3 =	sld [smem:$0x3FFC];
	_ =	sdelay $0x3  }
0x94: {  	_ =	strace s3  }
0x95: {  	s3 =	sld [smem:$0x3FFD];
	_ =	sdelay $0x3  }
0x96: {  	_ =	strace s3  }
0x97: {  	_ =	strace $0x8FFFFFFF  }
0x98: {  	s19 =	sld [smem:$0x3FDB];
	_ =	sdelay $0x1  }
0x99: {  	s4 =	simm.s32 $_scs_section_size  }
0x9a: {  	s5 =	simm.s32 $_size__tile_overlayer_lowered;
	s6 =	simm.s32 $_tile_overlayer_lowered  }
0x9b: {  	s22 =	simm.s32 $0x1BFF;
	s21 =	sshll.u32 s6, $0x1;
	s3 =	sadd.s32 s4, s19  }
0x9c: {  	s7 =	simm.s32 $0x0;
	s20 =	sshll.u32 s5, $0x1;
	s5 =	sadd.s32 s21, s3  }
0x9d: {  	[timem:s7], [sflag:s22] =	dma.local [hbm:s5], s20  }
0x9e: {  	_ =	swait.ge [sflag:s22], s20  }
0x9f: {  	s4 =	ssub.s32 $0x0, s20;
	[sflag:s22] =	ssyncset.done $0x0  }
0xa0: {  	[sflag:s22] =	ssyncadd.s32 s4;
	_ =	sdelay $0x1  }
0xa1: {  	s23 =	simm.s32 $0x1B8B  }
0xa2: {  	_ =	swait.ge [sflag:s23], $0x1  }
0xa3: {  	[sflag:s23] =	ssyncset.done $0x0  }
0xa4: {  	s25 =	simm.s32 $0x1B8E;
	s24 =	sld [smem:$0x3FFE];
	[sflag:s23] =	ssyncadd.s32 $0xFFFFFFFF  }
0xa5: {  	s26 =	simm.s32 $execute0_lowered;
	[smem:$0x3FD2] =	sst s25  }
0xa6: {  	s5 =	sshll.u32 s26, $0x1;
	_ =	strace $0x80000046;
	[dreg:$0x1] =	wrdreg $0xFFFFFFFF  }
0xa7: {  	s28 =	simm.s32 $_size_execute0_lowered;
	s3 =	sadd.s32 s3, s5;
	[dreg:$0x0] =	wrdreg $0x0  }
0xa8: {  	s5 =	sshll.u32 s28, $0x1;
	[dreg:$0x2] =	wrdreg s3  }
0xa9: {  	[dreg:$0x3] =	wrdreg s5  }
0xaa: {  	[dreg:$0x4] =	wrdreg $0xC0  }
0xab: {  	_ =	task [dreg:s7], $0x5FFFF  }
0xac: {  	[dreg:$0x1] =	wrdreg $0xFFFFFFFF  }
0xad: {  	[dreg:$0x0] =	wrdreg $0x60  }
0xae: {  	[dreg:$0x2] =	wrdreg s2  }
0xaf: {  	[dreg:$0x3] =	wrdreg s24  }
0xb0: {  	[dreg:$0x4] =	wrdreg $0x9  }
0xb1: {  	_ =	task.clear_ibuf [dreg:s7], $0x5FFFF;
	_ =	strace $0x90000046  }
0xb2: {  	s29 =	simm.s32 $0x9;
	_ =	strace $0x80000048  }
0xb3: {  	_ =	swait.ge [sflag:s29], $0x1  }
0xb4: {  	[sflag:s29] =	ssyncadd.s32 $0xFFFFFFFF  }
0xb5: {  	_ =	strace $0x90000048  }
0xb6: {  	_ =	sfence  }
0xb7: {  	s30 =	sld [smem:$0x0];
	_ =	sdelay $0x2  }
0xb8: {  	s31 =	sshll.u32 s1, $0xD;
	s1 =	sshrl.u32 s1, $0x2  }
0xb9: {  	s3 =	sand.u32 $0x4000, s31;
	s1 =	sadd.s32 s1, s30  }
0xba: {  	s0 =	sor.u32 s3, s0;
	s1 =	sshll.u32 s1, $0x11  }
0xbb: {  	s0 =	sor.u32 s1, s0  }
0xbc: {  	s0 =	sadd.s32 $0x8F2B, s0  }
0xbd: {  	[sflag:s0] =	ssyncadd.remote.s32 $0x1  }
0xbe: {  	_ =	sfence.sel $0xFFFF  }
0xbf: {  	[dreg:$0x0] =	wrdreg $0xFFFFFFFF;
	(pc) =	sbr.abs _section_cstart, $3  }
0xc0: {  	[dreg:$0x1] =	wrdreg $0xFFFFFFFF  }
0xc1: {  	_ =	task.clear_ibuf [dreg:s7], $0x2FFFF;
	_ =	strace $0x9FFFFFFF  }
0xc2: {  	(tm) =	ssettm $0x7FFFFFFF  }
0xc3: {  	_ =	shalt  }
tec
execute0_lowered:
.L_overlay_start_1:
0x0: {  	(tag) =	ssettag $0x1  }
0x1: {  	s1 =	rddreg [dreg:$0x0]  }
0x2: {  	s4 =	rddreg [dreg:$0x1]  }
0x3: {  	s0 =	rddreg [dreg:$0x2]  }
0x4: {  	s5 =	srdreg.scid;
	s3 =	simm.s32 $0x0;
	s2 =	stileid.u32  }
0x5: {  	s10 =	simm.s32 $0x2;
	s11 =	simm.s32 $0x8000;
	s12 =	simm.s32 $0x8100  }
0x6: {  	s13 =	simm.s32 $0xC100;
	s14 =	simm.s32 $0x10100;
	s15 =	simm.s32 $0x14100  }
0x7: {  	s16 =	simm.s32 $0x1;
	s17 =	simm.s32 $0x0;
	s5 =	sand.u32 $0x1, s5  }
0x8: {  	[smem:$0x7FF] =	sst s3;
	s6 =	sshll.u32 s2, $0x9;
	s7 =	sshll.u32 s5, $0x8  }
0x9: {  	_ =	strace $0x80000047;
	s5 =	ssub.s32 $0x2, s5;
	s6 =	sor.u32 s7, s6  }
0xa: {  	s31 =	sshrl.u32 s5, $0x1;
	s7 =	sshrl.u32 s6, $0x3;
	s6 =	sshll.u32 s6, $0x5  }
0xb: {  	s9 =	ssub.s32 s5, s31;
	s7 =	sadd.s32 s7, s4;
	s8 =	sadd.s32 s6, s4  }
0xc: {  	s9 =	smax.u32 s9, $0x1;
	s4 =	sadd.s32 $0xE00, s7;
	s5 =	sadd.s32 $0x1200, s8  }
0xd: {  	s6 =	sadd.s32 $0x1A00, s8;
	s7 =	sadd.s32 $0x2200, s8;
	s8 =	sadd.s32 $0x2A00, s8  }
.LBB2_1:
0xe: {  	[tilespmem:s3], [sflag:$0x2] =	stream.linear.gather [hbm4b:s1+s3], $0x8000, $0x38;
	[tilespmem:$0x18100] =	vst v63  }
0xf: {  	_ =	swait.ge [sflag:s10], $0x8000  }
0x10: {  	[sflag:s10] =	ssyncset.done $0x0  }
0x11: {  	[sflag:s10] =	ssyncadd.s32 $0xFFFF8000  }
0x12: {  	[tilespmem:s11], [sflag:$0x2] =	stream.linear.gather [hbm4b:s4+s3], $0x100, $0x38;
	[tilespmem:$0x18100] =	vst v63  }
0x13: {  	_ =	swait.ge [sflag:s10], $0x100  }
0x14: {  	[sflag:s10] =	ssyncset.done $0x0  }
0x15: {  	s18 =	simm.s32 $0x0;
	[sflag:s10] =	ssyncadd.s32 $0xFFFFFF00  }
.LBB2_2:
0x16: {  	s19 =	sshll.u32 s18, $0x4  }
0x17: {  	s19 =	sand.u32 $0x3FFFFFF0, s19  }
0x18: {  	v0 =	vld [tilespmem:s19+$0x8000];
	_ =	sdelay $0x4  }
0x19: {  	(v2sf) =	vpush v0, $0x0;
	_ =	sdelay $0xe  }
0x1a: {  	s31 =	spop (v2sf)  }
0x1b: {  	s20 =	sshll.u32 s31, $0x8;
	s19 =	sshll.u32 s31, $0x7  }
0x1c: {  	s20 =	sand.u32 $0xFFFFF800, s20;
	s19 =	sand.u32 $0x380, s19  }
0x1d: {  	s19 =	sor.u32 s19, s20  }
0x1e: {  	v1 =	vld [tilespmem:s19+$0x0]  }
0x1f: {  	v2 =	vld [tilespmem:s19+$0x10]  }
0x20: {  	v3 =	vld [tilespmem:s19+$0x20]  }
0x21: {  	v4 =	vld [tilespmem:s19+$0x30]  }
0x22: {  	v5 =	vld [tilespmem:s19+$0x40]  }
0x23: {  	v6 =	vld [tilespmem:s19+$0x50]  }
0x24: {  	v7 =	vld [tilespmem:s19+$0x60]  }
0x25: {  	v8 =	vld [tilespmem:s19+$0x70]  }
0x26: {  	v9 =	vld [tilespmem:s19+$0x400]  }
0x27: {  	v10 =	vld [tilespmem:s19+$0x410]  }
0x28: {  	v11 =	vld [tilespmem:s19+$0x420]  }
0x29: {  	v12 =	vld [tilespmem:s19+$0x430]  }
0x2a: {  	v13 =	vld [tilespmem:s19+$0x440]  }
0x2b: {  	(v2sf) =	vpush v0, $0x1;
	v14 =	vld [tilespmem:s19+$0x450]  }
0x2c: {  	s21 =	sshll.u32 s18, $0xC;
	v15 =	vld [tilespmem:s19+$0x460]  }
0x2d: {  	v16 =	vld [tilespmem:s19+$0x470];
	s19 =	sand.u32 $0x3FFFF000, s21  }
0x2e: {  	[tilespmem:s19+$0x8100] =	vst v1  }
0x2f: {  	[tilespmem:s19+$0x8110] =	vst v2  }
0x30: {  	[tilespmem:s19+$0x8120] =	vst v3  }
0x31: {  	[tilespmem:s19+$0x8130] =	vst v4  }
0x32: {  	[tilespmem:s19+$0x8140] =	vst v5  }
0x33: {  	[tilespmem:s19+$0x8150] =	vst v6  }
0x34: {  	[tilespmem:s19+$0x8160] =	vst v7  }
0x35: {  	[tilespmem:s19+$0x8170] =	vst v8  }
0x36: {  	[tilespmem:s19+$0x8500] =	vst v9  }
0x37: {  	[tilespmem:s19+$0x8510] =	vst v10  }
0x38: {  	[tilespmem:s19+$0x8520] =	vst v11  }
0x39: {  	[tilespmem:s19+$0x8530] =	vst v12  }
0x3a: {  	[tilespmem:s19+$0x8540] =	vst v13;
	s22 =	spop (v2sf)  }
0x3b: {  	[tilespmem:s19+$0x8550] =	vst v14;
	s21 =	sshll.u32 s22, $0x8;
	s20 =	sshll.u32 s22, $0x7  }
0x3c: {  	[tilespmem:s19+$0x8560] =	vst v15;
	s21 =	sand.u32 $0xFFFFF800, s21;
	s20 =	sand.u32 $0x380, s20  }
0x3d: {  	[tilespmem:s19+$0x8570] =	vst v16;
	s20 =	sor.u32 s20, s21  }
0x3e: {  	v1 =	vld [tilespmem:s20+$0x0]  }
0x3f: {  	v2 =	vld [tilespmem:s20+$0x10]  }
0x40: {  	v3 =	vld [tilespmem:s20+$0x20]  }
0x41: {  	v4 =	vld [tilespmem:s20+$0x30]  }
0x42: {  	v5 =	vld [tilespmem:s20+$0x40]  }
0x43: {  	v6 =	vld [tilespmem:s20+$0x50]  }
0x44: {  	v7 =	vld [tilespmem:s20+$0x60]  }
0x45: {  	v8 =	vld [tilespmem:s20+$0x70]  }
0x46: {  	v9 =	vld [tilespmem:s20+$0x400]  }
0x47: {  	v56 =	vld [tilespmem:s20+$0x410]  }
0x48: {  	v57 =	vld [tilespmem:s20+$0x420]  }
0x49: {  	v58 =	vld [tilespmem:s20+$0x430]  }
0x4a: {  	v59 =	vld [tilespmem:s20+$0x440];
	(v2sf) =	vpush v0, $0x2  }
0x4b: {  	v60 =	vld [tilespmem:s20+$0x450]  }
0x4c: {  	v61 =	vld [tilespmem:s20+$0x460]  }
0x4d: {  	v62 =	vld [tilespmem:s20+$0x470];
	[tilespmem:s19+$0x8180] =	vst v1  }
0x4e: {  	[tilespmem:s19+$0x8190] =	vst v2  }
0x4f: {  	[tilespmem:s19+$0x81A0] =	vst v3  }
0x50: {  	[tilespmem:s19+$0x81B0] =	vst v4  }
0x51: {  	[tilespmem:s19+$0x81C0] =	vst v5  }
0x52: {  	[tilespmem:s19+$0x81D0] =	vst v6  }
0x53: {  	[tilespmem:s19+$0x81E0] =	vst v7  }
0x54: {  	[tilespmem:s19+$0x81F0] =	vst v8  }
0x55: {  	[tilespmem:s19+$0x8580] =	vst v9  }
0x56: {  	[tilespmem:s19+$0x8590] =	vst v56  }
0x57: {  	[tilespmem:s19+$0x85A0] =	vst v57  }
0x58: {  	[tilespmem:s19+$0x85B0] =	vst v58  }
0x59: {  	[tilespmem:s19+$0x85C0] =	vst v59;
	s23 =	spop (v2sf)  }
0x5a: {  	[tilespmem:s19+$0x85D0] =	vst v60;
	s24 =	sshll.u32 s23, $0x8;
	s20 =	sshll.u32 s23, $0x7  }
0x5b: {  	[tilespmem:s19+$0x85E0] =	vst v61;
	s21 =	sand.u32 $0xFFFFF800, s24;
	s20 =	sand.u32 $0x380, s20  }
0x5c: {  	[tilespmem:s19+$0x85F0] =	vst v62;
	s20 =	sor.u32 s20, s21  }
0x5d: {  	v1 =	vld [tilespmem:s20+$0x0]  }
0x5e: {  	v2 =	vld [tilespmem:s20+$0x10]  }
0x5f: {  	v3 =	vld [tilespmem:s20+$0x20]  }
0x60: {  	v4 =	vld [tilespmem:s20+$0x30]  }
0x61: {  	v5 =	vld [tilespmem:s20+$0x40]  }
0x62: {  	v6 =	vld [tilespmem:s20+$0x50]  }
0x63: {  	v7 =	vld [tilespmem:s20+$0x60]  }
0x64: {  	v8 =	vld [tilespmem:s20+$0x70]  }
0x65: {  	v9 =	vld [tilespmem:s20+$0x400]  }
0x66: {  	v10 =	vld [tilespmem:s20+$0x410]  }
0x67: {  	v11 =	vld [tilespmem:s20+$0x420]  }
0x68: {  	v12 =	vld [tilespmem:s20+$0x430]  }
0x69: {  	(v2sf) =	vpush v0, $0x3;
	v13 =	vld [tilespmem:s20+$0x440]  }
0x6a: {  	v14 =	vld [tilespmem:s20+$0x450]  }
0x6b: {  	v15 =	vld [tilespmem:s20+$0x460]  }
0x6c: {  	v16 =	vld [tilespmem:s20+$0x470];
	[tilespmem:s19+$0x8200] =	vst v1  }
0x6d: {  	[tilespmem:s19+$0x8210] =	vst v2  }
0x6e: {  	[tilespmem:s19+$0x8220] =	vst v3  }
0x6f: {  	[tilespmem:s19+$0x8230] =	vst v4  }
0x70: {  	[tilespmem:s19+$0x8240] =	vst v5  }
0x71: {  	[tilespmem:s19+$0x8250] =	vst v6  }
0x72: {  	[tilespmem:s19+$0x8260] =	vst v7  }
0x73: {  	[tilespmem:s19+$0x8270] =	vst v8  }
0x74: {  	[tilespmem:s19+$0x8600] =	vst v9  }
0x75: {  	[tilespmem:s19+$0x8610] =	vst v10  }
0x76: {  	[tilespmem:s19+$0x8620] =	vst v11  }
0x77: {  	[tilespmem:s19+$0x8630] =	vst v12  }
0x78: {  	[tilespmem:s19+$0x8640] =	vst v13;
	s25 =	spop (v2sf)  }
0x79: {  	[tilespmem:s19+$0x8650] =	vst v14;
	s26 =	sshll.u32 s25, $0x8;
	s20 =	sshll.u32 s25, $0x7  }
0x7a: {  	[tilespmem:s19+$0x8660] =	vst v15;
	s21 =	sand.u32 $0xFFFFF800, s26;
	s20 =	sand.u32 $0x380, s20  }
0x7b: {  	[tilespmem:s19+$0x8670] =	vst v16;
	s20 =	sor.u32 s20, s21  }
0x7c: {  	v1 =	vld [tilespmem:s20+$0x0]  }
0x7d: {  	v2 =	vld [tilespmem:s20+$0x10]  }
0x7e: {  	v3 =	vld [tilespmem:s20+$0x20]  }
0x7f: {  	v4 =	vld [tilespmem:s20+$0x30]  }
0x80: {  	v5 =	vld [tilespmem:s20+$0x40]  }
0x81: {  	v6 =	vld [tilespmem:s20+$0x50]  }
0x82: {  	v7 =	vld [tilespmem:s20+$0x60]  }
0x83: {  	v8 =	vld [tilespmem:s20+$0x70]  }
0x84: {  	v9 =	vld [tilespmem:s20+$0x400]  }
0x85: {  	v10 =	vld [tilespmem:s20+$0x410]  }
0x86: {  	v11 =	vld [tilespmem:s20+$0x420]  }
0x87: {  	v12 =	vld [tilespmem:s20+$0x430]  }
0x88: {  	(v2sf) =	vpush v0, $0x4;
	v13 =	vld [tilespmem:s20+$0x440]  }
0x89: {  	v14 =	vld [tilespmem:s20+$0x450]  }
0x8a: {  	v15 =	vld [tilespmem:s20+$0x460]  }
0x8b: {  	v16 =	vld [tilespmem:s20+$0x470];
	[tilespmem:s19+$0x8280] =	vst v1  }
0x8c: {  	[tilespmem:s19+$0x8290] =	vst v2  }
0x8d: {  	[tilespmem:s19+$0x82A0] =	vst v3  }
0x8e: {  	[tilespmem:s19+$0x82B0] =	vst v4  }
0x8f: {  	[tilespmem:s19+$0x82C0] =	vst v5  }
0x90: {  	[tilespmem:s19+$0x82D0] =	vst v6  }
0x91: {  	[tilespmem:s19+$0x82E0] =	vst v7  }
0x92: {  	[tilespmem:s19+$0x82F0] =	vst v8  }
0x93: {  	[tilespmem:s19+$0x8680] =	vst v9  }
0x94: {  	[tilespmem:s19+$0x8690] =	vst v10  }
0x95: {  	[tilespmem:s19+$0x86A0] =	vst v11  }
0x96: {  	[tilespmem:s19+$0x86B0] =	vst v12  }
0x97: {  	[tilespmem:s19+$0x86C0] =	vst v13;
	s28 =	spop (v2sf)  }
0x98: {  	[tilespmem:s19+$0x86D0] =	vst v14;
	s29 =	sshll.u32 s28, $0x8;
	s20 =	sshll.u32 s28, $0x7  }
0x99: {  	[tilespmem:s19+$0x86E0] =	vst v15;
	s21 =	sand.u32 $0xFFFFF800, s29;
	s20 =	sand.u32 $0x380, s20  }
0x9a: {  	[tilespmem:s19+$0x86F0] =	vst v16;
	s20 =	sor.u32 s20, s21  }
0x9b: {  	v1 =	vld [tilespmem:s20+$0x0]  }
0x9c: {  	v2 =	vld [tilespmem:s20+$0x10]  }
0x9d: {  	v3 =	vld [tilespmem:s20+$0x20]  }
0x9e: {  	v4 =	vld [tilespmem:s20+$0x30]  }
0x9f: {  	v5 =	vld [tilespmem:s20+$0x40]  }
0xa0: {  	v6 =	vld [tilespmem:s20+$0x50]  }
0xa1: {  	v7 =	vld [tilespmem:s20+$0x60]  }
0xa2: {  	v8 =	vld [tilespmem:s20+$0x70]  }
0xa3: {  	v9 =	vld [tilespmem:s20+$0x400]  }
0xa4: {  	v10 =	vld [tilespmem:s20+$0x410]  }
0xa5: {  	v11 =	vld [tilespmem:s20+$0x420]  }
0xa6: {  	v12 =	vld [tilespmem:s20+$0x430]  }
0xa7: {  	(v2sf) =	vpush v0, $0x5;
	v13 =	vld [tilespmem:s20+$0x440]  }
0xa8: {  	v14 =	vld [tilespmem:s20+$0x450]  }
0xa9: {  	v15 =	vld [tilespmem:s20+$0x460]  }
0xaa: {  	v16 =	vld [tilespmem:s20+$0x470];
	[tilespmem:s19+$0x8300] =	vst v1  }
0xab: {  	[tilespmem:s19+$0x8310] =	vst v2  }
0xac: {  	[tilespmem:s19+$0x8320] =	vst v3  }
0xad: {  	[tilespmem:s19+$0x8330] =	vst v4  }
0xae: {  	[tilespmem:s19+$0x8340] =	vst v5  }
0xaf: {  	[tilespmem:s19+$0x8350] =	vst v6  }
0xb0: {  	[tilespmem:s19+$0x8360] =	vst v7  }
0xb1: {  	[tilespmem:s19+$0x8370] =	vst v8  }
0xb2: {  	[tilespmem:s19+$0x8700] =	vst v9  }
0xb3: {  	[tilespmem:s19+$0x8710] =	vst v10  }
0xb4: {  	[tilespmem:s19+$0x8720] =	vst v11  }
0xb5: {  	[tilespmem:s19+$0x8730] =	vst v12  }
0xb6: {  	[tilespmem:s19+$0x8740] =	vst v13;
	s30 =	spop (v2sf)  }
0xb7: {  	[tilespmem:s19+$0x8750] =	vst v14;
	s31 =	sshll.u32 s30, $0x8;
	s20 =	sshll.u32 s30, $0x7  }
0xb8: {  	[tilespmem:s19+$0x8760] =	vst v15;
	s21 =	sand.u32 $0xFFFFF800, s31;
	s20 =	sand.u32 $0x380, s20  }
0xb9: {  	[tilespmem:s19+$0x8770] =	vst v16;
	s20 =	sor.u32 s20, s21  }
0xba: {  	v1 =	vld [tilespmem:s20+$0x0]  }
0xbb: {  	v2 =	vld [tilespmem:s20+$0x10]  }
0xbc: {  	v3 =	vld [tilespmem:s20+$0x20]  }
0xbd: {  	v4 =	vld [tilespmem:s20+$0x30]  }
0xbe: {  	v5 =	vld [tilespmem:s20+$0x40]  }
0xbf: {  	v6 =	vld [tilespmem:s20+$0x50]  }
0xc0: {  	v7 =	vld [tilespmem:s20+$0x60]  }
0xc1: {  	v8 =	vld [tilespmem:s20+$0x70]  }
0xc2: {  	v9 =	vld [tilespmem:s20+$0x400]  }
0xc3: {  	v10 =	vld [tilespmem:s20+$0x410]  }
0xc4: {  	v11 =	vld [tilespmem:s20+$0x420]  }
0xc5: {  	v12 =	vld [tilespmem:s20+$0x430]  }
0xc6: {  	(v2sf) =	vpush v0, $0x6;
	v13 =	vld [tilespmem:s20+$0x440]  }
0xc7: {  	v14 =	vld [tilespmem:s20+$0x450]  }
0xc8: {  	v15 =	vld [tilespmem:s20+$0x460]  }
0xc9: {  	v16 =	vld [tilespmem:s20+$0x470];
	[tilespmem:s19+$0x8380] =	vst v1  }
0xca: {  	[tilespmem:s19+$0x8390] =	vst v2  }
0xcb: {  	[tilespmem:s19+$0x83A0] =	vst v3  }
0xcc: {  	[tilespmem:s19+$0x83B0] =	vst v4  }
0xcd: {  	[tilespmem:s19+$0x83C0] =	vst v5  }
0xce: {  	[tilespmem:s19+$0x83D0] =	vst v6  }
0xcf: {  	[tilespmem:s19+$0x83E0] =	vst v7  }
0xd0: {  	[tilespmem:s19+$0x83F0] =	vst v8  }
0xd1: {  	[tilespmem:s19+$0x8780] =	vst v9  }
0xd2: {  	[tilespmem:s19+$0x8790] =	vst v10  }
0xd3: {  	[tilespmem:s19+$0x87A0] =	vst v11  }
0xd4: {  	[tilespmem:s19+$0x87B0] =	vst v12  }
0xd5: {  	[tilespmem:s19+$0x87C0] =	vst v13;
	s21 =	spop (v2sf)  }
0xd6: {  	[tilespmem:s19+$0x87D0] =	vst v14;
	s22 =	sshll.u32 s21, $0x8;
	s20 =	sshll.u32 s21, $0x7  }
0xd7: {  	[tilespmem:s19+$0x87E0] =	vst v15;
	s21 =	sand.u32 $0xFFFFF800, s22;
	s20 =	sand.u32 $0x380, s20  }
0xd8: {  	[tilespmem:s19+$0x87F0] =	vst v16;
	s20 =	sor.u32 s20, s21  }
0xd9: {  	v1 =	vld [tilespmem:s20+$0x0]  }
0xda: {  	v2 =	vld [tilespmem:s20+$0x10]  }
0xdb: {  	v3 =	vld [tilespmem:s20+$0x20]  }
0xdc: {  	v4 =	vld [tilespmem:s20+$0x30]  }
0xdd: {  	v5 =	vld [tilespmem:s20+$0x40]  }
0xde: {  	v6 =	vld [tilespmem:s20+$0x50]  }
0xdf: {  	v7 =	vld [tilespmem:s20+$0x60]  }
0xe0: {  	v8 =	vld [tilespmem:s20+$0x70]  }
0xe1: {  	v9 =	vld [tilespmem:s20+$0x400]  }
0xe2: {  	v10 =	vld [tilespmem:s20+$0x410]  }
0xe3: {  	v11 =	vld [tilespmem:s20+$0x420]  }
0xe4: {  	v12 =	vld [tilespmem:s20+$0x430]  }
0xe5: {  	(v2sf) =	vpush v0, $0x7;
	v13 =	vld [tilespmem:s20+$0x440]  }
0xe6: {  	v14 =	vld [tilespmem:s20+$0x450]  }
0xe7: {  	v15 =	vld [tilespmem:s20+$0x460]  }
0xe8: {  	v16 =	vld [tilespmem:s20+$0x470];
	[tilespmem:s19+$0x8400] =	vst v1  }
0xe9: {  	[tilespmem:s19+$0x8410] =	vst v2  }
0xea: {  	[tilespmem:s19+$0x8420] =	vst v3  }
0xeb: {  	[tilespmem:s19+$0x8430] =	vst v4  }
0xec: {  	[tilespmem:s19+$0x8440] =	vst v5  }
0xed: {  	[tilespmem:s19+$0x8450] =	vst v6  }
0xee: {  	[tilespmem:s19+$0x8460] =	vst v7  }
0xef: {  	[tilespmem:s19+$0x8470] =	vst v8  }
0xf0: {  	[tilespmem:s19+$0x8800] =	vst v9  }
0xf1: {  	[tilespmem:s19+$0x8810] =	vst v10  }
0xf2: {  	[tilespmem:s19+$0x8820] =	vst v11  }
0xf3: {  	[tilespmem:s19+$0x8830] =	vst v12  }
0xf4: {  	[tilespmem:s19+$0x8840] =	vst v13;
	s23 =	spop (v2sf)  }
0xf5: {  	[tilespmem:s19+$0x8850] =	vst v14;
	s24 =	sshll.u32 s23, $0x8;
	s20 =	sshll.u32 s23, $0x7  }
0xf6: {  	[tilespmem:s19+$0x8860] =	vst v15;
	s21 =	sand.u32 $0xFFFFF800, s24;
	s20 =	sand.u32 $0x380, s20  }
0xf7: {  	[tilespmem:s19+$0x8870] =	vst v16;
	s20 =	sor.u32 s20, s21  }
0xf8: {  	v1 =	vld [tilespmem:s20+$0x0]  }
0xf9: {  	v2 =	vld [tilespmem:s20+$0x10]  }
0xfa: {  	v3 =	vld [tilespmem:s20+$0x20]  }
0xfb: {  	v4 =	vld [tilespmem:s20+$0x30]  }
0xfc: {  	v5 =	vld [tilespmem:s20+$0x40]  }
0xfd: {  	v6 =	vld [tilespmem:s20+$0x50]  }
0xfe: {  	v7 =	vld [tilespmem:s20+$0x60]  }
0xff: {  	v8 =	vld [tilespmem:s20+$0x70]  }
0x100: {  	v9 =	vld [tilespmem:s20+$0x400]  }
0x101: {  	v10 =	vld [tilespmem:s20+$0x410]  }
0x102: {  	v11 =	vld [tilespmem:s20+$0x420]  }
0x103: {  	v12 =	vld [tilespmem:s20+$0x430]  }
0x104: {  	(v2sf) =	vpush v0, $0x8;
	v13 =	vld [tilespmem:s20+$0x440]  }
0x105: {  	v14 =	vld [tilespmem:s20+$0x450]  }
0x106: {  	v15 =	vld [tilespmem:s20+$0x460]  }
0x107: {  	v16 =	vld [tilespmem:s20+$0x470];
	[tilespmem:s19+$0x8480] =	vst v1  }
0x108: {  	[tilespmem:s19+$0x8490] =	vst v2  }
0x109: {  	[tilespmem:s19+$0x84A0] =	vst v3  }
0x10a: {  	[tilespmem:s19+$0x84B0] =	vst v4  }
0x10b: {  	[tilespmem:s19+$0x84C0] =	vst v5  }
0x10c: {  	[tilespmem:s19+$0x84D0] =	vst v6  }
0x10d: {  	[tilespmem:s19+$0x84E0] =	vst v7  }
0x10e: {  	[tilespmem:s19+$0x84F0] =	vst v8  }
0x10f: {  	[tilespmem:s19+$0x8880] =	vst v9  }
0x110: {  	[tilespmem:s19+$0x8890] =	vst v10  }
0x111: {  	[tilespmem:s19+$0x88A0] =	vst v11  }
0x112: {  	[tilespmem:s19+$0x88B0] =	vst v12  }
0x113: {  	[tilespmem:s19+$0x88C0] =	vst v13;
	s25 =	spop (v2sf)  }
0x114: {  	[tilespmem:s19+$0x88D0] =	vst v14;
	s26 =	sshll.u32 s25, $0x8;
	s20 =	sshll.u32 s25, $0x7  }
0x115: {  	[tilespmem:s19+$0x88E0] =	vst v15;
	s21 =	sand.u32 $0xFFFFF800, s26;
	s20 =	sand.u32 $0x380, s20  }
0x116: {  	[tilespmem:s19+$0x88F0] =	vst v16;
	s20 =	sor.u32 s20, s21  }
0x117: {  	v1 =	vld [tilespmem:s20+$0x0]  }
0x118: {  	v2 =	vld [tilespmem:s20+$0x10]  }
0x119: {  	v3 =	vld [tilespmem:s20+$0x20]  }
0x11a: {  	v4 =	vld [tilespmem:s20+$0x30]  }
0x11b: {  	v5 =	vld [tilespmem:s20+$0x40]  }
0x11c: {  	v6 =	vld [tilespmem:s20+$0x50]  }
0x11d: {  	v7 =	vld [tilespmem:s20+$0x60]  }
0x11e: {  	v8 =	vld [tilespmem:s20+$0x70]  }
0x11f: {  	v9 =	vld [tilespmem:s20+$0x400]  }
0x120: {  	v10 =	vld [tilespmem:s20+$0x410]  }
0x121: {  	v11 =	vld [tilespmem:s20+$0x420]  }
0x122: {  	v12 =	vld [tilespmem:s20+$0x430]  }
0x123: {  	(v2sf) =	vpush v0, $0x9;
	v13 =	vld [tilespmem:s20+$0x440]  }
0x124: {  	v14 =	vld [tilespmem:s20+$0x450]  }
0x125: {  	v15 =	vld [tilespmem:s20+$0x460]  }
0x126: {  	v16 =	vld [tilespmem:s20+$0x470];
	[tilespmem:s19+$0x8900] =	vst v1  }
0x127: {  	[tilespmem:s19+$0x8910] =	vst v2  }
0x128: {  	[tilespmem:s19+$0x8920] =	vst v3  }
0x129: {  	[tilespmem:s19+$0x8930] =	vst v4  }
0x12a: {  	[tilespmem:s19+$0x8940] =	vst v5  }
0x12b: {  	[tilespmem:s19+$0x8950] =	vst v6  }
0x12c: {  	[tilespmem:s19+$0x8960] =	vst v7  }
0x12d: {  	[tilespmem:s19+$0x8970] =	vst v8  }
0x12e: {  	[tilespmem:s19+$0x8D00] =	vst v9  }
0x12f: {  	[tilespmem:s19+$0x8D10] =	vst v10  }
0x130: {  	[tilespmem:s19+$0x8D20] =	vst v11  }
0x131: {  	[tilespmem:s19+$0x8D30] =	vst v12  }
0x132: {  	[tilespmem:s19+$0x8D40] =	vst v13;
	s28 =	spop (v2sf)  }
0x133: {  	[tilespmem:s19+$0x8D50] =	vst v14;
	s29 =	sshll.u32 s28, $0x8;
	s20 =	sshll.u32 s28, $0x7  }
0x134: {  	[tilespmem:s19+$0x8D60] =	vst v15;
	s21 =	sand.u32 $0xFFFFF800, s29;
	s20 =	sand.u32 $0x380, s20  }
0x135: {  	[tilespmem:s19+$0x8D70] =	vst v16;
	s20 =	sor.u32 s20, s21  }
0x136: {  	v1 =	vld [tilespmem:s20+$0x0]  }
0x137: {  	v2 =	vld [tilespmem:s20+$0x10]  }
0x138: {  	v3 =	vld [tilespmem:s20+$0x20]  }
0x139: {  	v4 =	vld [tilespmem:s20+$0x30]  }
0x13a: {  	v5 =	vld [tilespmem:s20+$0x40]  }
0x13b: {  	v6 =	vld [tilespmem:s20+$0x50]  }
0x13c: {  	v7 =	vld [tilespmem:s20+$0x60]  }
0x13d: {  	v8 =	vld [tilespmem:s20+$0x70]  }
0x13e: {  	v9 =	vld [tilespmem:s20+$0x400]  }
0x13f: {  	v10 =	vld [tilespmem:s20+$0x410]  }
0x140: {  	v11 =	vld [tilespmem:s20+$0x420]  }
0x141: {  	v12 =	vld [tilespmem:s20+$0x430]  }
0x142: {  	(v2sf) =	vpush v0, $0xA;
	v13 =	vld [tilespmem:s20+$0x440]  }
0x143: {  	v14 =	vld [tilespmem:s20+$0x450]  }
0x144: {  	v15 =	vld [tilespmem:s20+$0x460]  }
0x145: {  	v16 =	vld [tilespmem:s20+$0x470];
	[tilespmem:s19+$0x8980] =	vst v1  }
0x146: {  	[tilespmem:s19+$0x8990] =	vst v2  }
0x147: {  	[tilespmem:s19+$0x89A0] =	vst v3  }
0x148: {  	[tilespmem:s19+$0x89B0] =	vst v4  }
0x149: {  	[tilespmem:s19+$0x89C0] =	vst v5  }
0x14a: {  	[tilespmem:s19+$0x89D0] =	vst v6  }
0x14b: {  	[tilespmem:s19+$0x89E0] =	vst v7  }
0x14c: {  	[tilespmem:s19+$0x89F0] =	vst v8  }
0x14d: {  	[tilespmem:s19+$0x8D80] =	vst v9  }
0x14e: {  	[tilespmem:s19+$0x8D90] =	vst v10  }
0x14f: {  	[tilespmem:s19+$0x8DA0] =	vst v11  }
0x150: {  	[tilespmem:s19+$0x8DB0] =	vst v12  }
0x151: {  	[tilespmem:s19+$0x8DC0] =	vst v13;
	s30 =	spop (v2sf)  }
0x152: {  	[tilespmem:s19+$0x8DD0] =	vst v14;
	s31 =	sshll.u32 s30, $0x8;
	s20 =	sshll.u32 s30, $0x7  }
0x153: {  	[tilespmem:s19+$0x8DE0] =	vst v15;
	s21 =	sand.u32 $0xFFFFF800, s31;
	s20 =	sand.u32 $0x380, s20  }
0x154: {  	[tilespmem:s19+$0x8DF0] =	vst v16;
	s20 =	sor.u32 s20, s21  }
0x155: {  	v1 =	vld [tilespmem:s20+$0x0]  }
0x156: {  	v2 =	vld [tilespmem:s20+$0x10]  }
0x157: {  	v3 =	vld [tilespmem:s20+$0x20]  }
0x158: {  	v4 =	vld [tilespmem:s20+$0x30]  }
0x159: {  	v5 =	vld [tilespmem:s20+$0x40]  }
0x15a: {  	v6 =	vld [tilespmem:s20+$0x50]  }
0x15b: {  	v7 =	vld [tilespmem:s20+$0x60]  }
0x15c: {  	v8 =	vld [tilespmem:s20+$0x70]  }
0x15d: {  	v9 =	vld [tilespmem:s20+$0x400]  }
0x15e: {  	v10 =	vld [tilespmem:s20+$0x410]  }
0x15f: {  	v11 =	vld [tilespmem:s20+$0x420]  }
0x160: {  	v12 =	vld [tilespmem:s20+$0x430]  }
0x161: {  	(v2sf) =	vpush v0, $0xB;
	v13 =	vld [tilespmem:s20+$0x440]  }
0x162: {  	v14 =	vld [tilespmem:s20+$0x450]  }
0x163: {  	v15 =	vld [tilespmem:s20+$0x460]  }
0x164: {  	v16 =	vld [tilespmem:s20+$0x470];
	[tilespmem:s19+$0x8A00] =	vst v1  }
0x165: {  	[tilespmem:s19+$0x8A10] =	vst v2  }
0x166: {  	[tilespmem:s19+$0x8A20] =	vst v3  }
0x167: {  	[tilespmem:s19+$0x8A30] =	vst v4  }
0x168: {  	[tilespmem:s19+$0x8A40] =	vst v5  }
0x169: {  	[tilespmem:s19+$0x8A50] =	vst v6  }
0x16a: {  	[tilespmem:s19+$0x8A60] =	vst v7  }
0x16b: {  	[tilespmem:s19+$0x8A70] =	vst v8  }
0x16c: {  	[tilespmem:s19+$0x8E00] =	vst v9  }
0x16d: {  	[tilespmem:s19+$0x8E10] =	vst v10  }
0x16e: {  	[tilespmem:s19+$0x8E20] =	vst v11  }
0x16f: {  	[tilespmem:s19+$0x8E30] =	vst v12  }
0x170: {  	[tilespmem:s19+$0x8E40] =	vst v13;
	s21 =	spop (v2sf)  }
0x171: {  	[tilespmem:s19+$0x8E50] =	vst v14;
	s22 =	sshll.u32 s21, $0x8;
	s20 =	sshll.u32 s21, $0x7  }
0x172: {  	[tilespmem:s19+$0x8E60] =	vst v15;
	s21 =	sand.u32 $0xFFFFF800, s22;
	s20 =	sand.u32 $0x380, s20  }
0x173: {  	[tilespmem:s19+$0x8E70] =	vst v16;
	s20 =	sor.u32 s20, s21  }
0x174: {  	v1 =	vld [tilespmem:s20+$0x0]  }
0x175: {  	v2 =	vld [tilespmem:s20+$0x10]  }
0x176: {  	v3 =	vld [tilespmem:s20+$0x20]  }
0x177: {  	v4 =	vld [tilespmem:s20+$0x30]  }
0x178: {  	v5 =	vld [tilespmem:s20+$0x40]  }
0x179: {  	v6 =	vld [tilespmem:s20+$0x50]  }
0x17a: {  	v7 =	vld [tilespmem:s20+$0x60]  }
0x17b: {  	v8 =	vld [tilespmem:s20+$0x70]  }
0x17c: {  	v9 =	vld [tilespmem:s20+$0x400]  }
0x17d: {  	v10 =	vld [tilespmem:s20+$0x410]  }
0x17e: {  	v11 =	vld [tilespmem:s20+$0x420]  }
0x17f: {  	v12 =	vld [tilespmem:s20+$0x430]  }
0x180: {  	(v2sf) =	vpush v0, $0xC;
	v13 =	vld [tilespmem:s20+$0x440]  }
0x181: {  	v14 =	vld [tilespmem:s20+$0x450]  }
0x182: {  	v15 =	vld [tilespmem:s20+$0x460]  }
0x183: {  	v16 =	vld [tilespmem:s20+$0x470];
	[tilespmem:s19+$0x8A80] =	vst v1  }
0x184: {  	[tilespmem:s19+$0x8A90] =	vst v2  }
0x185: {  	[tilespmem:s19+$0x8AA0] =	vst v3  }
0x186: {  	[tilespmem:s19+$0x8AB0] =	vst v4  }
0x187: {  	[tilespmem:s19+$0x8AC0] =	vst v5  }
0x188: {  	[tilespmem:s19+$0x8AD0] =	vst v6  }
0x189: {  	[tilespmem:s19+$0x8AE0] =	vst v7  }
0x18a: {  	[tilespmem:s19+$0x8AF0] =	vst v8  }
0x18b: {  	[tilespmem:s19+$0x8E80] =	vst v9  }
0x18c: {  	[tilespmem:s19+$0x8E90] =	vst v10  }
0x18d: {  	[tilespmem:s19+$0x8EA0] =	vst v11  }
0x18e: {  	[tilespmem:s19+$0x8EB0] =	vst v12  }
0x18f: {  	[tilespmem:s19+$0x8EC0] =	vst v13;
	s23 =	spop (v2sf)  }
0x190: {  	[tilespmem:s19+$0x8ED0] =	vst v14;
	s24 =	sshll.u32 s23, $0x8;
	s20 =	sshll.u32 s23, $0x7  }
0x191: {  	[tilespmem:s19+$0x8EE0] =	vst v15;
	s21 =	sand.u32 $0xFFFFF800, s24;
	s20 =	sand.u32 $0x380, s20  }
0x192: {  	[tilespmem:s19+$0x8EF0] =	vst v16;
	s20 =	sor.u32 s20, s21  }
0x193: {  	v1 =	vld [tilespmem:s20+$0x0]  }
0x194: {  	v2 =	vld [tilespmem:s20+$0x10]  }
0x195: {  	v3 =	vld [tilespmem:s20+$0x20]  }
0x196: {  	v4 =	vld [tilespmem:s20+$0x30]  }
0x197: {  	v5 =	vld [tilespmem:s20+$0x40]  }
0x198: {  	v6 =	vld [tilespmem:s20+$0x50]  }
0x199: {  	v7 =	vld [tilespmem:s20+$0x60]  }
0x19a: {  	v8 =	vld [tilespmem:s20+$0x70]  }
0x19b: {  	v9 =	vld [tilespmem:s20+$0x400]  }
0x19c: {  	v10 =	vld [tilespmem:s20+$0x410]  }
0x19d: {  	v11 =	vld [tilespmem:s20+$0x420]  }
0x19e: {  	v12 =	vld [tilespmem:s20+$0x430]  }
0x19f: {  	(v2sf) =	vpush v0, $0xD;
	v13 =	vld [tilespmem:s20+$0x440]  }
0x1a0: {  	v14 =	vld [tilespmem:s20+$0x450]  }
0x1a1: {  	v15 =	vld [tilespmem:s20+$0x460]  }
0x1a2: {  	v16 =	vld [tilespmem:s20+$0x470];
	[tilespmem:s19+$0x8B00] =	vst v1  }
0x1a3: {  	[tilespmem:s19+$0x8B10] =	vst v2  }
0x1a4: {  	[tilespmem:s19+$0x8B20] =	vst v3  }
0x1a5: {  	[tilespmem:s19+$0x8B30] =	vst v4  }
0x1a6: {  	[tilespmem:s19+$0x8B40] =	vst v5  }
0x1a7: {  	[tilespmem:s19+$0x8B50] =	vst v6  }
0x1a8: {  	[tilespmem:s19+$0x8B60] =	vst v7  }
0x1a9: {  	[tilespmem:s19+$0x8B70] =	vst v8  }
0x1aa: {  	[tilespmem:s19+$0x8F00] =	vst v9  }
0x1ab: {  	[tilespmem:s19+$0x8F10] =	vst v10  }
0x1ac: {  	[tilespmem:s19+$0x8F20] =	vst v11  }
0x1ad: {  	[tilespmem:s19+$0x8F30] =	vst v12  }
0x1ae: {  	[tilespmem:s19+$0x8F40] =	vst v13;
	s25 =	spop (v2sf)  }
0x1af: {  	[tilespmem:s19+$0x8F50] =	vst v14;
	s26 =	sshll.u32 s25, $0x8;
	s20 =	sshll.u32 s25, $0x7  }
0x1b0: {  	[tilespmem:s19+$0x8F60] =	vst v15;
	s21 =	sand.u32 $0xFFFFF800, s26;
	s20 =	sand.u32 $0x380, s20  }
0x1b1: {  	[tilespmem:s19+$0x8F70] =	vst v16;
	s20 =	sor.u32 s20, s21  }
0x1b2: {  	v1 =	vld [tilespmem:s20+$0x0]  }
0x1b3: {  	v2 =	vld [tilespmem:s20+$0x10]  }
0x1b4: {  	v3 =	vld [tilespmem:s20+$0x20]  }
0x1b5: {  	v4 =	vld [tilespmem:s20+$0x30]  }
0x1b6: {  	v5 =	vld [tilespmem:s20+$0x40]  }
0x1b7: {  	v6 =	vld [tilespmem:s20+$0x50]  }
0x1b8: {  	v7 =	vld [tilespmem:s20+$0x60]  }
0x1b9: {  	v8 =	vld [tilespmem:s20+$0x70]  }
0x1ba: {  	v9 =	vld [tilespmem:s20+$0x400]  }
0x1bb: {  	v10 =	vld [tilespmem:s20+$0x410]  }
0x1bc: {  	v11 =	vld [tilespmem:s20+$0x420]  }
0x1bd: {  	v12 =	vld [tilespmem:s20+$0x430]  }
0x1be: {  	(v2sf) =	vpush v0, $0xE;
	v13 =	vld [tilespmem:s20+$0x440]  }
0x1bf: {  	v14 =	vld [tilespmem:s20+$0x450]  }
0x1c0: {  	v15 =	vld [tilespmem:s20+$0x460]  }
0x1c1: {  	v16 =	vld [tilespmem:s20+$0x470];
	[tilespmem:s19+$0x8B80] =	vst v1  }
0x1c2: {  	[tilespmem:s19+$0x8B90] =	vst v2  }
0x1c3: {  	[tilespmem:s19+$0x8BA0] =	vst v3  }
0x1c4: {  	[tilespmem:s19+$0x8BB0] =	vst v4  }
0x1c5: {  	[tilespmem:s19+$0x8BC0] =	vst v5  }
0x1c6: {  	[tilespmem:s19+$0x8BD0] =	vst v6  }
0x1c7: {  	[tilespmem:s19+$0x8BE0] =	vst v7  }
0x1c8: {  	[tilespmem:s19+$0x8BF0] =	vst v8  }
0x1c9: {  	[tilespmem:s19+$0x8F80] =	vst v9  }
0x1ca: {  	[tilespmem:s19+$0x8F90] =	vst v10  }
0x1cb: {  	[tilespmem:s19+$0x8FA0] =	vst v11  }
0x1cc: {  	[tilespmem:s19+$0x8FB0] =	vst v12  }
0x1cd: {  	[tilespmem:s19+$0x8FC0] =	vst v13;
	s28 =	spop (v2sf)  }
0x1ce: {  	[tilespmem:s19+$0x8FD0] =	vst v14;
	s29 =	sshll.u32 s28, $0x8;
	s20 =	sshll.u32 s28, $0x7  }
0x1cf: {  	[tilespmem:s19+$0x8FE0] =	vst v15;
	s21 =	sand.u32 $0xFFFFF800, s29;
	s20 =	sand.u32 $0x380, s20  }
0x1d0: {  	[tilespmem:s19+$0x8FF0] =	vst v16;
	s20 =	sor.u32 s20, s21  }
0x1d1: {  	v1 =	vld [tilespmem:s20+$0x0]  }
0x1d2: {  	v2 =	vld [tilespmem:s20+$0x10]  }
0x1d3: {  	v3 =	vld [tilespmem:s20+$0x20]  }
0x1d4: {  	v4 =	vld [tilespmem:s20+$0x30]  }
0x1d5: {  	v5 =	vld [tilespmem:s20+$0x40]  }
0x1d6: {  	v6 =	vld [tilespmem:s20+$0x50]  }
0x1d7: {  	v7 =	vld [tilespmem:s20+$0x60]  }
0x1d8: {  	v8 =	vld [tilespmem:s20+$0x70]  }
0x1d9: {  	v9 =	vld [tilespmem:s20+$0x400]  }
0x1da: {  	v10 =	vld [tilespmem:s20+$0x410]  }
0x1db: {  	v11 =	vld [tilespmem:s20+$0x420]  }
0x1dc: {  	v12 =	vld [tilespmem:s20+$0x430]  }
0x1dd: {  	(v2sf) =	vpush v0, $0xF;
	v13 =	vld [tilespmem:s20+$0x440]  }
0x1de: {  	v14 =	vld [tilespmem:s20+$0x450]  }
0x1df: {  	v63 =	vld [tilespmem:s20+$0x460]  }
0x1e0: {  	v15 =	vld [tilespmem:s20+$0x470];
	[tilespmem:s19+$0x8C00] =	vst v1  }
0x1e1: {  	[tilespmem:s19+$0x8C10] =	vst v2  }
0x1e2: {  	[tilespmem:s19+$0x8C20] =	vst v3  }
0x1e3: {  	[tilespmem:s19+$0x8C30] =	vst v4  }
0x1e4: {  	[tilespmem:s19+$0x8C40] =	vst v5  }
0x1e5: {  	[tilespmem:s19+$0x8C50] =	vst v6  }
0x1e6: {  	[tilespmem:s19+$0x8C60] =	vst v7  }
0x1e7: {  	[tilespmem:s19+$0x8C70] =	vst v8  }
0x1e8: {  	[tilespmem:s19+$0x9000] =	vst v9  }
0x1e9: {  	[tilespmem:s19+$0x9010] =	vst v10  }
0x1ea: {  	[tilespmem:s19+$0x9020] =	vst v11  }
0x1eb: {  	[tilespmem:s19+$0x9030] =	vst v12  }
0x1ec: {  	[tilespmem:s19+$0x9040] =	vst v13;
	s30 =	spop (v2sf)  }
0x1ed: {  	[tilespmem:s19+$0x9050] =	vst v14;
	s31 =	sshll.u32 s30, $0x8;
	s20 =	sshll.u32 s30, $0x7  }
0x1ee: {  	[tilespmem:s19+$0x9060] =	vst v63;
	s21 =	sand.u32 $0xFFFFF800, s31;
	s20 =	sand.u32 $0x380, s20  }
0x1ef: {  	[tilespmem:s19+$0x9070] =	vst v15;
	s20 =	sor.u32 s20, s21  }
0x1f0: {  	v0 =	vld [tilespmem:s20+$0x0]  }
0x1f1: {  	v1 =	vld [tilespmem:s20+$0x10]  }
0x1f2: {  	v2 =	vld [tilespmem:s20+$0x20]  }
0x1f3: {  	v3 =	vld [tilespmem:s20+$0x30]  }
0x1f4: {  	v4 =	vld [tilespmem:s20+$0x40]  }
0x1f5: {  	v5 =	vld [tilespmem:s20+$0x50]  }
0x1f6: {  	v6 =	vld [tilespmem:s20+$0x60]  }
0x1f7: {  	v7 =	vld [tilespmem:s20+$0x70]  }
0x1f8: {  	v8 =	vld [tilespmem:s20+$0x400]  }
0x1f9: {  	v9 =	vld [tilespmem:s20+$0x410]  }
0x1fa: {  	v10 =	vld [tilespmem:s20+$0x420]  }
0x1fb: {  	v11 =	vld [tilespmem:s20+$0x430]  }
0x1fc: {  	v12 =	vld [tilespmem:s20+$0x440]  }
0x1fd: {  	v13 =	vld [tilespmem:s20+$0x450]  }
0x1fe: {  	v14 =	vld [tilespmem:s20+$0x460]  }
0x1ff: {  	v15 =	vld [tilespmem:s20+$0x470];
	[tilespmem:s19+$0x8C80] =	vst v0  }
0x200: {  	[tilespmem:s19+$0x8C90] =	vst v1  }
0x201: {  	[tilespmem:s19+$0x8CA0] =	vst v2  }
0x202: {  	[tilespmem:s19+$0x8CB0] =	vst v3  }
0x203: {  	[tilespmem:s19+$0x8CC0] =	vst v4  }
0x204: {  	[tilespmem:s19+$0x8CD0] =	vst v5  }
0x205: {  	[tilespmem:s19+$0x8CE0] =	vst v6  }
0x206: {  	[tilespmem:s19+$0x8CF0] =	vst v7  }
0x207: {  	[tilespmem:s19+$0x9080] =	vst v8  }
0x208: {  	[tilespmem:s19+$0x9090] =	vst v9  }
0x209: {  	p0 =	sne.s32 s18, $0x3;
	[tilespmem:s19+$0x90A0] =	vst v10  }
.Ltmp0:
0x20a: {  	[tilespmem:s19+$0x90B0] =	vst v11;
	(pc) =	sbr.rel @p0 .LBB2_2-.Ltmp0, $4  }
0x20b: {  	[tilespmem:s19+$0x90C0] =	vst v12  }
0x20c: {  	[tilespmem:s19+$0x90D0] =	vst v13  }
0x20d: {  	[tilespmem:s19+$0x90E0] =	vst v14  }
0x20e: {  	s18 =	sadd.s32 $0x1, s18;
	[tilespmem:s19+$0x90F0] =	vst v15  }
0x20f: {  	s18 =	simm.s32 $0x0  }
0x210: {  	[hbm4b:s5+s18] =	stream.linear.scatter [tilespmem:s12], [sflag:$0x1], $0x4000, $0x38;
	[tilespmem:$0x18100] =	vst v63  }
.LBB2_4:
0x211: {  	s19 =	sshll.u32 s18, $0x4  }
0x212: {  	v0 =	vld [tilespmem:s19+$0x8040];
	_ =	sdelay $0x4  }
0x213: {  	(v2sf) =	vpush v0, $0x0;
	_ =	sdelay $0xe  }
0x214: {  	s28 =	spop (v2sf)  }
0x215: {  	s20 =	sshll.u32 s28, $0x8;
	s19 =	sshll.u32 s28, $0x7  }
0x216: {  	s20 =	sand.u32 $0xFFFFF800, s20;
	s19 =	sand.u32 $0x380, s19  }
0x217: {  	s19 =	sor.u32 s19, s20  }
0x218: {  	v1 =	vld [tilespmem:s19+$0x0]  }
0x219: {  	v2 =	vld [tilespmem:s19+$0x10]  }
0x21a: {  	v3 =	vld [tilespmem:s19+$0x20]  }
0x21b: {  	v4 =	vld [tilespmem:s19+$0x30]  }
0x21c: {  	v5 =	vld [tilespmem:s19+$0x40]  }
0x21d: {  	v6 =	vld [tilespmem:s19+$0x50]  }
0x21e: {  	v7 =	vld [tilespmem:s19+$0x60]  }
0x21f: {  	v8 =	vld [tilespmem:s19+$0x70]  }
0x220: {  	v9 =	vld [tilespmem:s19+$0x400]  }
0x221: {  	v10 =	vld [tilespmem:s19+$0x410]  }
0x222: {  	v11 =	vld [tilespmem:s19+$0x420]  }
0x223: {  	v12 =	vld [tilespmem:s19+$0x430]  }
0x224: {  	s29 =	sshll.u32 s18, $0xC;
	(v2sf) =	vpush v0, $0x1;
	v13 =	vld [tilespmem:s19+$0x440]  }
0x225: {  	s21 =	sadd.s32 $0x4000, s29;
	v14 =	vld [tilespmem:s19+$0x450]  }
0x226: {  	s30 =	sand.u32 $0x3FFFF000, s21;
	v15 =	vld [tilespmem:s19+$0x460]  }
0x227: {  	v16 =	vld [tilespmem:s19+$0x470];
	[tilespmem:s30+$0x8100] =	vst v1  }
0x228: {  	[tilespmem:s30+$0x8110] =	vst v2  }
0x229: {  	[tilespmem:s30+$0x8120] =	vst v3  }
0x22a: {  	[tilespmem:s30+$0x8130] =	vst v4  }
0x22b: {  	[tilespmem:s30+$0x8140] =	vst v5  }
0x22c: {  	[tilespmem:s30+$0x8150] =	vst v6  }
0x22d: {  	[tilespmem:s30+$0x8160] =	vst v7  }
0x22e: {  	[tilespmem:s30+$0x8170] =	vst v8  }
0x22f: {  	[tilespmem:s30+$0x8500] =	vst v9  }
0x230: {  	[tilespmem:s30+$0x8510] =	vst v10  }
0x231: {  	[tilespmem:s30+$0x8520] =	vst v11  }
0x232: {  	[tilespmem:s30+$0x8530] =	vst v12  }
0x233: {  	[tilespmem:s30+$0x8540] =	vst v13;
	s31 =	spop (v2sf)  }
0x234: {  	[tilespmem:s30+$0x8550] =	vst v14;
	s22 =	sshll.u32 s31, $0x8;
	s21 =	sshll.u32 s31, $0x7  }
0x235: {  	[tilespmem:s30+$0x8560] =	vst v15;
	s22 =	sand.u32 $0xFFFFF800, s22;
	s21 =	sand.u32 $0x380, s21  }
0x236: {  	[tilespmem:s30+$0x8570] =	vst v16;
	s22 =	sor.u32 s21, s22  }
0x237: {  	v1 =	vld [tilespmem:s22+$0x0]  }
0x238: {  	v2 =	vld [tilespmem:s22+$0x10]  }
0x239: {  	v3 =	vld [tilespmem:s22+$0x20]  }
0x23a: {  	v4 =	vld [tilespmem:s22+$0x30]  }
0x23b: {  	v5 =	vld [tilespmem:s22+$0x40]  }
0x23c: {  	v6 =	vld [tilespmem:s22+$0x50]  }
0x23d: {  	v7 =	vld [tilespmem:s22+$0x60]  }
0x23e: {  	v8 =	vld [tilespmem:s22+$0x70]  }
0x23f: {  	v9 =	vld [tilespmem:s22+$0x400]  }
0x240: {  	v56 =	vld [tilespmem:s22+$0x410]  }
0x241: {  	v57 =	vld [tilespmem:s22+$0x420]  }
0x242: {  	v58 =	vld [tilespmem:s22+$0x430]  }
0x243: {  	v59 =	vld [tilespmem:s22+$0x440];
	(v2sf) =	vpush v0, $0x2  }
0x244: {  	v60 =	vld [tilespmem:s22+$0x450]  }
0x245: {  	s19 =	sand.u32 $0x3FFFF000, s29;
	v61 =	vld [tilespmem:s22+$0x460]  }
0x246: {  	v62 =	vld [tilespmem:s22+$0x470];
	[tilespmem:s19+$0xC180] =	vst v1  }
0x247: {  	[tilespmem:s19+$0xC190] =	vst v2  }
0x248: {  	[tilespmem:s19+$0xC1A0] =	vst v3  }
0x249: {  	[tilespmem:s19+$0xC1B0] =	vst v4  }
0x24a: {  	[tilespmem:s19+$0xC1C0] =	vst v5  }
0x24b: {  	[tilespmem:s19+$0xC1D0] =	vst v6  }
0x24c: {  	[tilespmem:s19+$0xC1E0] =	vst v7  }
0x24d: {  	[tilespmem:s19+$0xC1F0] =	vst v8  }
0x24e: {  	[tilespmem:s19+$0xC580] =	vst v9  }
0x24f: {  	[tilespmem:s19+$0xC590] =	vst v56  }
0x250: {  	[tilespmem:s19+$0xC5A0] =	vst v57  }
0x251: {  	[tilespmem:s19+$0xC5B0] =	vst v58  }
0x252: {  	[tilespmem:s19+$0xC5C0] =	vst v59;
	s23 =	spop (v2sf)  }
0x253: {  	[tilespmem:s19+$0xC5D0] =	vst v60;
	s24 =	sshll.u32 s23, $0x8;
	s20 =	sshll.u32 s23, $0x7  }
0x254: {  	[tilespmem:s19+$0xC5E0] =	vst v61;
	s21 =	sand.u32 $0xFFFFF800, s24;
	s20 =	sand.u32 $0x380, s20  }
0x255: {  	[tilespmem:s19+$0xC5F0] =	vst v62;
	s20 =	sor.u32 s20, s21  }
0x256: {  	v1 =	vld [tilespmem:s20+$0x0]  }
0x257: {  	v2 =	vld [tilespmem:s20+$0x10]  }
0x258: {  	v3 =	vld [tilespmem:s20+$0x20]  }
0x259: {  	v4 =	vld [tilespmem:s20+$0x30]  }
0x25a: {  	v5 =	vld [tilespmem:s20+$0x40]  }
0x25b: {  	v6 =	vld [tilespmem:s20+$0x50]  }
0x25c: {  	v7 =	vld [tilespmem:s20+$0x60]  }
0x25d: {  	v8 =	vld [tilespmem:s20+$0x70]  }
0x25e: {  	v9 =	vld [tilespmem:s20+$0x400]  }
0x25f: {  	v10 =	vld [tilespmem:s20+$0x410]  }
0x260: {  	v11 =	vld [tilespmem:s20+$0x420]  }
0x261: {  	v12 =	vld [tilespmem:s20+$0x430]  }
0x262: {  	(v2sf) =	vpush v0, $0x3;
	v13 =	vld [tilespmem:s20+$0x440]  }
0x263: {  	v14 =	vld [tilespmem:s20+$0x450]  }
0x264: {  	v15 =	vld [tilespmem:s20+$0x460]  }
0x265: {  	v16 =	vld [tilespmem:s20+$0x470];
	[tilespmem:s19+$0xC200] =	vst v1  }
0x266: {  	[tilespmem:s19+$0xC210] =	vst v2  }
0x267: {  	[tilespmem:s19+$0xC220] =	vst v3  }
0x268: {  	[tilespmem:s19+$0xC230] =	vst v4  }
0x269: {  	[tilespmem:s19+$0xC240] =	vst v5  }
0x26a: {  	[tilespmem:s19+$0xC250] =	vst v6  }
0x26b: {  	[tilespmem:s19+$0xC260] =	vst v7  }
0x26c: {  	[tilespmem:s19+$0xC270] =	vst v8  }
0x26d: {  	[tilespmem:s19+$0xC600] =	vst v9  }
0x26e: {  	[tilespmem:s19+$0xC610] =	vst v10  }
0x26f: {  	[tilespmem:s19+$0xC620] =	vst v11  }
0x270: {  	[tilespmem:s19+$0xC630] =	vst v12  }
0x271: {  	[tilespmem:s19+$0xC640] =	vst v13;
	s25 =	spop (v2sf)  }
0x272: {  	[tilespmem:s19+$0xC650] =	vst v14;
	s26 =	sshll.u32 s25, $0x8;
	s20 =	sshll.u32 s25, $0x7  }
0x273: {  	[tilespmem:s19+$0xC660] =	vst v15;
	s21 =	sand.u32 $0xFFFFF800, s26;
	s20 =	sand.u32 $0x380, s20  }
0x274: {  	[tilespmem:s19+$0xC670] =	vst v16;
	s20 =	sor.u32 s20, s21  }
0x275: {  	v1 =	vld [tilespmem:s20+$0x0]  }
0x276: {  	v2 =	vld [tilespmem:s20+$0x10]  }
0x277: {  	v3 =	vld [tilespmem:s20+$0x20]  }
0x278: {  	v4 =	vld [tilespmem:s20+$0x30]  }
0x279: {  	v5 =	vld [tilespmem:s20+$0x40]  }
0x27a: {  	v6 =	vld [tilespmem:s20+$0x50]  }
0x27b: {  	v7 =	vld [tilespmem:s20+$0x60]  }
0x27c: {  	v8 =	vld [tilespmem:s20+$0x70]  }
0x27d: {  	v9 =	vld [tilespmem:s20+$0x400]  }
0x27e: {  	v10 =	vld [tilespmem:s20+$0x410]  }
0x27f: {  	v11 =	vld [tilespmem:s20+$0x420]  }
0x280: {  	v12 =	vld [tilespmem:s20+$0x430]  }
0x281: {  	(v2sf) =	vpush v0, $0x4;
	v13 =	vld [tilespmem:s20+$0x440]  }
0x282: {  	v14 =	vld [tilespmem:s20+$0x450]  }
0x283: {  	v15 =	vld [tilespmem:s20+$0x460]  }
0x284: {  	v16 =	vld [tilespmem:s20+$0x470];
	[tilespmem:s19+$0xC280] =	vst v1  }
0x285: {  	[tilespmem:s19+$0xC290] =	vst v2  }
0x286: {  	[tilespmem:s19+$0xC2A0] =	vst v3  }
0x287: {  	[tilespmem:s19+$0xC2B0] =	vst v4  }
0x288: {  	[tilespmem:s19+$0xC2C0] =	vst v5  }
0x289: {  	[tilespmem:s19+$0xC2D0] =	vst v6  }
0x28a: {  	[tilespmem:s19+$0xC2E0] =	vst v7  }
0x28b: {  	[tilespmem:s19+$0xC2F0] =	vst v8  }
0x28c: {  	[tilespmem:s19+$0xC680] =	vst v9  }
0x28d: {  	[tilespmem:s19+$0xC690] =	vst v10  }
0x28e: {  	[tilespmem:s19+$0xC6A0] =	vst v11  }
0x28f: {  	[tilespmem:s19+$0xC6B0] =	vst v12  }
0x290: {  	[tilespmem:s19+$0xC6C0] =	vst v13;
	s28 =	spop (v2sf)  }
0x291: {  	[tilespmem:s19+$0xC6D0] =	vst v14;
	s29 =	sshll.u32 s28, $0x8;
	s20 =	sshll.u32 s28, $0x7  }
0x292: {  	[tilespmem:s19+$0xC6E0] =	vst v15;
	s21 =	sand.u32 $0xFFFFF800, s29;
	s20 =	sand.u32 $0x380, s20  }
0x293: {  	[tilespmem:s19+$0xC6F0] =	vst v16;
	s20 =	sor.u32 s20, s21  }
0x294: {  	v1 =	vld [tilespmem:s20+$0x0]  }
0x295: {  	v2 =	vld [tilespmem:s20+$0x10]  }
0x296: {  	v3 =	vld [tilespmem:s20+$0x20]  }
0x297: {  	v4 =	vld [tilespmem:s20+$0x30]  }
0x298: {  	v5 =	vld [tilespmem:s20+$0x40]  }
0x299: {  	v6 =	vld [tilespmem:s20+$0x50]  }
0x29a: {  	v7 =	vld [tilespmem:s20+$0x60]  }
0x29b: {  	v8 =	vld [tilespmem:s20+$0x70]  }
0x29c: {  	v9 =	vld [tilespmem:s20+$0x400]  }
0x29d: {  	v10 =	vld [tilespmem:s20+$0x410]  }
0x29e: {  	v11 =	vld [tilespmem:s20+$0x420]  }
0x29f: {  	v12 =	vld [tilespmem:s20+$0x430]  }
0x2a0: {  	(v2sf) =	vpush v0, $0x5;
	v13 =	vld [tilespmem:s20+$0x440]  }
0x2a1: {  	v14 =	vld [tilespmem:s20+$0x450]  }
0x2a2: {  	v15 =	vld [tilespmem:s20+$0x460]  }
0x2a3: {  	v16 =	vld [tilespmem:s20+$0x470];
	[tilespmem:s19+$0xC300] =	vst v1  }
0x2a4: {  	[tilespmem:s19+$0xC310] =	vst v2  }
0x2a5: {  	[tilespmem:s19+$0xC320] =	vst v3  }
0x2a6: {  	[tilespmem:s19+$0xC330] =	vst v4  }
0x2a7: {  	[tilespmem:s19+$0xC340] =	vst v5  }
0x2a8: {  	[tilespmem:s19+$0xC350] =	vst v6  }
0x2a9: {  	[tilespmem:s19+$0xC360] =	vst v7  }
0x2aa: {  	[tilespmem:s19+$0xC370] =	vst v8  }
0x2ab: {  	[tilespmem:s19+$0xC700] =	vst v9  }
0x2ac: {  	[tilespmem:s19+$0xC710] =	vst v10  }
0x2ad: {  	[tilespmem:s19+$0xC720] =	vst v11  }
0x2ae: {  	[tilespmem:s19+$0xC730] =	vst v12  }
0x2af: {  	[tilespmem:s19+$0xC740] =	vst v13;
	s30 =	spop (v2sf)  }
0x2b0: {  	[tilespmem:s19+$0xC750] =	vst v14;
	s31 =	sshll.u32 s30, $0x8;
	s20 =	sshll.u32 s30, $0x7  }
0x2b1: {  	[tilespmem:s19+$0xC760] =	vst v15;
	s21 =	sand.u32 $0xFFFFF800, s31;
	s20 =	sand.u32 $0x380, s20  }
0x2b2: {  	[tilespmem:s19+$0xC770] =	vst v16;
	s20 =	sor.u32 s20, s21  }
0x2b3: {  	v1 =	vld [tilespmem:s20+$0x0]  }
0x2b4: {  	v2 =	vld [tilespmem:s20+$0x10]  }
0x2b5: {  	v3 =	vld [tilespmem:s20+$0x20]  }
0x2b6: {  	v4 =	vld [tilespmem:s20+$0x30]  }
0x2b7: {  	v5 =	vld [tilespmem:s20+$0x40]  }
0x2b8: {  	v6 =	vld [tilespmem:s20+$0x50]  }
0x2b9: {  	v7 =	vld [tilespmem:s20+$0x60]  }
0x2ba: {  	v8 =	vld [tilespmem:s20+$0x70]  }
0x2bb: {  	v9 =	vld [tilespmem:s20+$0x400]  }
0x2bc: {  	v10 =	vld [tilespmem:s20+$0x410]  }
0x2bd: {  	v11 =	vld [tilespmem:s20+$0x420]  }
0x2be: {  	v12 =	vld [tilespmem:s20+$0x430]  }
0x2bf: {  	(v2sf) =	vpush v0, $0x6;
	v13 =	vld [tilespmem:s20+$0x440]  }
0x2c0: {  	v14 =	vld [tilespmem:s20+$0x450]  }
0x2c1: {  	v15 =	vld [tilespmem:s20+$0x460]  }
0x2c2: {  	v16 =	vld [tilespmem:s20+$0x470];
	[tilespmem:s19+$0xC380] =	vst v1  }
0x2c3: {  	[tilespmem:s19+$0xC390] =	vst v2  }
0x2c4: {  	[tilespmem:s19+$0xC3A0] =	vst v3  }
0x2c5: {  	[tilespmem:s19+$0xC3B0] =	vst v4  }
0x2c6: {  	[tilespmem:s19+$0xC3C0] =	vst v5  }
0x2c7: {  	[tilespmem:s19+$0xC3D0] =	vst v6  }
0x2c8: {  	[tilespmem:s19+$0xC3E0] =	vst v7  }
0x2c9: {  	[tilespmem:s19+$0xC3F0] =	vst v8  }
0x2ca: {  	[tilespmem:s19+$0xC780] =	vst v9  }
0x2cb: {  	[tilespmem:s19+$0xC790] =	vst v10  }
0x2cc: {  	[tilespmem:s19+$0xC7A0] =	vst v11  }
0x2cd: {  	[tilespmem:s19+$0xC7B0] =	vst v12  }
0x2ce: {  	[tilespmem:s19+$0xC7C0] =	vst v13;
	s21 =	spop (v2sf)  }
0x2cf: {  	[tilespmem:s19+$0xC7D0] =	vst v14;
	s22 =	sshll.u32 s21, $0x8;
	s20 =	sshll.u32 s21, $0x7  }
0x2d0: {  	[tilespmem:s19+$0xC7E0] =	vst v15;
	s21 =	sand.u32 $0xFFFFF800, s22;
	s20 =	sand.u32 $0x380, s20  }
0x2d1: {  	[tilespmem:s19+$0xC7F0] =	vst v16;
	s20 =	sor.u32 s20, s21  }
0x2d2: {  	v1 =	vld [tilespmem:s20+$0x0]  }
0x2d3: {  	v2 =	vld [tilespmem:s20+$0x10]  }
0x2d4: {  	v3 =	vld [tilespmem:s20+$0x20]  }
0x2d5: {  	v4 =	vld [tilespmem:s20+$0x30]  }
0x2d6: {  	v5 =	vld [tilespmem:s20+$0x40]  }
0x2d7: {  	v6 =	vld [tilespmem:s20+$0x50]  }
0x2d8: {  	v7 =	vld [tilespmem:s20+$0x60]  }
0x2d9: {  	v8 =	vld [tilespmem:s20+$0x70]  }
0x2da: {  	v9 =	vld [tilespmem:s20+$0x400]  }
0x2db: {  	v10 =	vld [tilespmem:s20+$0x410]  }
0x2dc: {  	v11 =	vld [tilespmem:s20+$0x420]  }
0x2dd: {  	v12 =	vld [tilespmem:s20+$0x430]  }
0x2de: {  	(v2sf) =	vpush v0, $0x7;
	v13 =	vld [tilespmem:s20+$0x440]  }
0x2df: {  	v14 =	vld [tilespmem:s20+$0x450]  }
0x2e0: {  	v15 =	vld [tilespmem:s20+$0x460]  }
0x2e1: {  	v16 =	vld [tilespmem:s20+$0x470];
	[tilespmem:s19+$0xC400] =	vst v1  }
0x2e2: {  	[tilespmem:s19+$0xC410] =	vst v2  }
0x2e3: {  	[tilespmem:s19+$0xC420] =	vst v3  }
0x2e4: {  	[tilespmem:s19+$0xC430] =	vst v4  }
0x2e5: {  	[tilespmem:s19+$0xC440] =	vst v5  }
0x2e6: {  	[tilespmem:s19+$0xC450] =	vst v6  }
0x2e7: {  	[tilespmem:s19+$0xC460] =	vst v7  }
0x2e8: {  	[tilespmem:s19+$0xC470] =	vst v8  }
0x2e9: {  	[tilespmem:s19+$0xC800] =	vst v9  }
0x2ea: {  	[tilespmem:s19+$0xC810] =	vst v10  }
0x2eb: {  	[tilespmem:s19+$0xC820] =	vst v11  }
0x2ec: {  	[tilespmem:s19+$0xC830] =	vst v12  }
0x2ed: {  	[tilespmem:s19+$0xC840] =	vst v13;
	s23 =	spop (v2sf)  }
0x2ee: {  	[tilespmem:s19+$0xC850] =	vst v14;
	s24 =	sshll.u32 s23, $0x8;
	s20 =	sshll.u32 s23, $0x7  }
0x2ef: {  	[tilespmem:s19+$0xC860] =	vst v15;
	s21 =	sand.u32 $0xFFFFF800, s24;
	s20 =	sand.u32 $0x380, s20  }
0x2f0: {  	[tilespmem:s19+$0xC870] =	vst v16;
	s20 =	sor.u32 s20, s21  }
0x2f1: {  	v1 =	vld [tilespmem:s20+$0x0]  }
0x2f2: {  	v2 =	vld [tilespmem:s20+$0x10]  }
0x2f3: {  	v3 =	vld [tilespmem:s20+$0x20]  }
0x2f4: {  	v4 =	vld [tilespmem:s20+$0x30]  }
0x2f5: {  	v5 =	vld [tilespmem:s20+$0x40]  }
0x2f6: {  	v6 =	vld [tilespmem:s20+$0x50]  }
0x2f7: {  	v7 =	vld [tilespmem:s20+$0x60]  }
0x2f8: {  	v8 =	vld [tilespmem:s20+$0x70]  }
0x2f9: {  	v9 =	vld [tilespmem:s20+$0x400]  }
0x2fa: {  	v10 =	vld [tilespmem:s20+$0x410]  }
0x2fb: {  	v11 =	vld [tilespmem:s20+$0x420]  }
0x2fc: {  	v12 =	vld [tilespmem:s20+$0x430]  }
0x2fd: {  	(v2sf) =	vpush v0, $0x8;
	v13 =	vld [tilespmem:s20+$0x440]  }
0x2fe: {  	v14 =	vld [tilespmem:s20+$0x450]  }
0x2ff: {  	v15 =	vld [tilespmem:s20+$0x460]  }
0x300: {  	v16 =	vld [tilespmem:s20+$0x470];
	[tilespmem:s19+$0xC480] =	vst v1  }
0x301: {  	[tilespmem:s19+$0xC490] =	vst v2  }
0x302: {  	[tilespmem:s19+$0xC4A0] =	vst v3  }
0x303: {  	[tilespmem:s19+$0xC4B0] =	vst v4  }
0x304: {  	[tilespmem:s19+$0xC4C0] =	vst v5  }
0x305: {  	[tilespmem:s19+$0xC4D0] =	vst v6  }
0x306: {  	[tilespmem:s19+$0xC4E0] =	vst v7  }
0x307: {  	[tilespmem:s19+$0xC4F0] =	vst v8  }
0x308: {  	[tilespmem:s19+$0xC880] =	vst v9  }
0x309: {  	[tilespmem:s19+$0xC890] =	vst v10  }
0x30a: {  	[tilespmem:s19+$0xC8A0] =	vst v11  }
0x30b: {  	[tilespmem:s19+$0xC8B0] =	vst v12  }
0x30c: {  	[tilespmem:s19+$0xC8C0] =	vst v13;
	s25 =	spop (v2sf)  }
0x30d: {  	[tilespmem:s19+$0xC8D0] =	vst v14;
	s26 =	sshll.u32 s25, $0x8;
	s20 =	sshll.u32 s25, $0x7  }
0x30e: {  	[tilespmem:s19+$0xC8E0] =	vst v15;
	s21 =	sand.u32 $0xFFFFF800, s26;
	s20 =	sand.u32 $0x380, s20  }
0x30f: {  	[tilespmem:s19+$0xC8F0] =	vst v16;
	s20 =	sor.u32 s20, s21  }
0x310: {  	v1 =	vld [tilespmem:s20+$0x0]  }
0x311: {  	v2 =	vld [tilespmem:s20+$0x10]  }
0x312: {  	v3 =	vld [tilespmem:s20+$0x20]  }
0x313: {  	v4 =	vld [tilespmem:s20+$0x30]  }
0x314: {  	v5 =	vld [tilespmem:s20+$0x40]  }
0x315: {  	v6 =	vld [tilespmem:s20+$0x50]  }
0x316: {  	v7 =	vld [tilespmem:s20+$0x60]  }
0x317: {  	v8 =	vld [tilespmem:s20+$0x70]  }
0x318: {  	v9 =	vld [tilespmem:s20+$0x400]  }
0x319: {  	v10 =	vld [tilespmem:s20+$0x410]  }
0x31a: {  	v11 =	vld [tilespmem:s20+$0x420]  }
0x31b: {  	v12 =	vld [tilespmem:s20+$0x430]  }
0x31c: {  	(v2sf) =	vpush v0, $0x9;
	v13 =	vld [tilespmem:s20+$0x440]  }
0x31d: {  	v14 =	vld [tilespmem:s20+$0x450]  }
0x31e: {  	v15 =	vld [tilespmem:s20+$0x460]  }
0x31f: {  	v16 =	vld [tilespmem:s20+$0x470];
	[tilespmem:s19+$0xC900] =	vst v1  }
0x320: {  	[tilespmem:s19+$0xC910] =	vst v2  }
0x321: {  	[tilespmem:s19+$0xC920] =	vst v3  }
0x322: {  	[tilespmem:s19+$0xC930] =	vst v4  }
0x323: {  	[tilespmem:s19+$0xC940] =	vst v5  }
0x324: {  	[tilespmem:s19+$0xC950] =	vst v6  }
0x325: {  	[tilespmem:s19+$0xC960] =	vst v7  }
0x326: {  	[tilespmem:s19+$0xC970] =	vst v8  }
0x327: {  	[tilespmem:s19+$0xCD00] =	vst v9  }
0x328: {  	[tilespmem:s19+$0xCD10] =	vst v10  }
0x329: {  	[tilespmem:s19+$0xCD20] =	vst v11  }
0x32a: {  	[tilespmem:s19+$0xCD30] =	vst v12  }
0x32b: {  	[tilespmem:s19+$0xCD40] =	vst v13;
	s28 =	spop (v2sf)  }
0x32c: {  	[tilespmem:s19+$0xCD50] =	vst v14;
	s29 =	sshll.u32 s28, $0x8;
	s20 =	sshll.u32 s28, $0x7  }
0x32d: {  	[tilespmem:s19+$0xCD60] =	vst v15;
	s21 =	sand.u32 $0xFFFFF800, s29;
	s20 =	sand.u32 $0x380, s20  }
0x32e: {  	[tilespmem:s19+$0xCD70] =	vst v16;
	s20 =	sor.u32 s20, s21  }
0x32f: {  	v1 =	vld [tilespmem:s20+$0x0]  }
0x330: {  	v2 =	vld [tilespmem:s20+$0x10]  }
0x331: {  	v3 =	vld [tilespmem:s20+$0x20]  }
0x332: {  	v4 =	vld [tilespmem:s20+$0x30]  }
0x333: {  	v5 =	vld [tilespmem:s20+$0x40]  }
0x334: {  	v6 =	vld [tilespmem:s20+$0x50]  }
0x335: {  	v7 =	vld [tilespmem:s20+$0x60]  }
0x336: {  	v8 =	vld [tilespmem:s20+$0x70]  }
0x337: {  	v9 =	vld [tilespmem:s20+$0x400]  }
0x338: {  	v10 =	vld [tilespmem:s20+$0x410]  }
0x339: {  	v11 =	vld [tilespmem:s20+$0x420]  }
0x33a: {  	v12 =	vld [tilespmem:s20+$0x430]  }
0x33b: {  	(v2sf) =	vpush v0, $0xA;
	v13 =	vld [tilespmem:s20+$0x440]  }
0x33c: {  	v14 =	vld [tilespmem:s20+$0x450]  }
0x33d: {  	v15 =	vld [tilespmem:s20+$0x460]  }
0x33e: {  	v16 =	vld [tilespmem:s20+$0x470];
	[tilespmem:s19+$0xC980] =	vst v1  }
0x33f: {  	[tilespmem:s19+$0xC990] =	vst v2  }
0x340: {  	[tilespmem:s19+$0xC9A0] =	vst v3  }
0x341: {  	[tilespmem:s19+$0xC9B0] =	vst v4  }
0x342: {  	[tilespmem:s19+$0xC9C0] =	vst v5  }
0x343: {  	[tilespmem:s19+$0xC9D0] =	vst v6  }
0x344: {  	[tilespmem:s19+$0xC9E0] =	vst v7  }
0x345: {  	[tilespmem:s19+$0xC9F0] =	vst v8  }
0x346: {  	[tilespmem:s19+$0xCD80] =	vst v9  }
0x347: {  	[tilespmem:s19+$0xCD90] =	vst v10  }
0x348: {  	[tilespmem:s19+$0xCDA0] =	vst v11  }
0x349: {  	[tilespmem:s19+$0xCDB0] =	vst v12  }
0x34a: {  	[tilespmem:s19+$0xCDC0] =	vst v13;
	s30 =	spop (v2sf)  }
0x34b: {  	[tilespmem:s19+$0xCDD0] =	vst v14;
	s31 =	sshll.u32 s30, $0x8;
	s20 =	sshll.u32 s30, $0x7  }
0x34c: {  	[tilespmem:s19+$0xCDE0] =	vst v15;
	s21 =	sand.u32 $0xFFFFF800, s31;
	s20 =	sand.u32 $0x380, s20  }
0x34d: {  	[tilespmem:s19+$0xCDF0] =	vst v16;
	s20 =	sor.u32 s20, s21  }
0x34e: {  	v1 =	vld [tilespmem:s20+$0x0]  }
0x34f: {  	v2 =	vld [tilespmem:s20+$0x10]  }
0x350: {  	v3 =	vld [tilespmem:s20+$0x20]  }
0x351: {  	v4 =	vld [tilespmem:s20+$0x30]  }
0x352: {  	v5 =	vld [tilespmem:s20+$0x40]  }
0x353: {  	v6 =	vld [tilespmem:s20+$0x50]  }
0x354: {  	v7 =	vld [tilespmem:s20+$0x60]  }
0x355: {  	v8 =	vld [tilespmem:s20+$0x70]  }
0x356: {  	v9 =	vld [tilespmem:s20+$0x400]  }
0x357: {  	v10 =	vld [tilespmem:s20+$0x410]  }
0x358: {  	v11 =	vld [tilespmem:s20+$0x420]  }
0x359: {  	v12 =	vld [tilespmem:s20+$0x430]  }
0x35a: {  	(v2sf) =	vpush v0, $0xB;
	v13 =	vld [tilespmem:s20+$0x440]  }
0x35b: {  	v14 =	vld [tilespmem:s20+$0x450]  }
0x35c: {  	v15 =	vld [tilespmem:s20+$0x460]  }
0x35d: {  	v16 =	vld [tilespmem:s20+$0x470];
	[tilespmem:s19+$0xCA00] =	vst v1  }
0x35e: {  	[tilespmem:s19+$0xCA10] =	vst v2  }
0x35f: {  	[tilespmem:s19+$0xCA20] =	vst v3  }
0x360: {  	[tilespmem:s19+$0xCA30] =	vst v4  }
0x361: {  	[tilespmem:s19+$0xCA40] =	vst v5  }
0x362: {  	[tilespmem:s19+$0xCA50] =	vst v6  }
0x363: {  	[tilespmem:s19+$0xCA60] =	vst v7  }
0x364: {  	[tilespmem:s19+$0xCA70] =	vst v8  }
0x365: {  	[tilespmem:s19+$0xCE00] =	vst v9  }
0x366: {  	[tilespmem:s19+$0xCE10] =	vst v10  }
0x367: {  	[tilespmem:s19+$0xCE20] =	vst v11  }
0x368: {  	[tilespmem:s19+$0xCE30] =	vst v12  }
0x369: {  	[tilespmem:s19+$0xCE40] =	vst v13;
	s21 =	spop (v2sf)  }
0x36a: {  	[tilespmem:s19+$0xCE50] =	vst v14;
	s22 =	sshll.u32 s21, $0x8;
	s20 =	sshll.u32 s21, $0x7  }
0x36b: {  	[tilespmem:s19+$0xCE60] =	vst v15;
	s21 =	sand.u32 $0xFFFFF800, s22;
	s20 =	sand.u32 $0x380, s20  }
0x36c: {  	[tilespmem:s19+$0xCE70] =	vst v16;
	s20 =	sor.u32 s20, s21  }
0x36d: {  	v1 =	vld [tilespmem:s20+$0x0]  }
0x36e: {  	v2 =	vld [tilespmem:s20+$0x10]  }
0x36f: {  	v3 =	vld [tilespmem:s20+$0x20]  }
0x370: {  	v4 =	vld [tilespmem:s20+$0x30]  }
0x371: {  	v5 =	vld [tilespmem:s20+$0x40]  }
0x372: {  	v6 =	vld [tilespmem:s20+$0x50]  }
0x373: {  	v7 =	vld [tilespmem:s20+$0x60]  }
0x374: {  	v8 =	vld [tilespmem:s20+$0x70]  }
0x375: {  	v9 =	vld [tilespmem:s20+$0x400]  }
0x376: {  	v10 =	vld [tilespmem:s20+$0x410]  }
0x377: {  	v11 =	vld [tilespmem:s20+$0x420]  }
0x378: {  	v12 =	vld [tilespmem:s20+$0x430]  }
0x379: {  	(v2sf) =	vpush v0, $0xC;
	v13 =	vld [tilespmem:s20+$0x440]  }
0x37a: {  	v14 =	vld [tilespmem:s20+$0x450]  }
0x37b: {  	v15 =	vld [tilespmem:s20+$0x460]  }
0x37c: {  	v16 =	vld [tilespmem:s20+$0x470];
	[tilespmem:s19+$0xCA80] =	vst v1  }
0x37d: {  	[tilespmem:s19+$0xCA90] =	vst v2  }
0x37e: {  	[tilespmem:s19+$0xCAA0] =	vst v3  }
0x37f: {  	[tilespmem:s19+$0xCAB0] =	vst v4  }
0x380: {  	[tilespmem:s19+$0xCAC0] =	vst v5  }
0x381: {  	[tilespmem:s19+$0xCAD0] =	vst v6  }
0x382: {  	[tilespmem:s19+$0xCAE0] =	vst v7  }
0x383: {  	[tilespmem:s19+$0xCAF0] =	vst v8  }
0x384: {  	[tilespmem:s19+$0xCE80] =	vst v9  }
0x385: {  	[tilespmem:s19+$0xCE90] =	vst v10  }
0x386: {  	[tilespmem:s19+$0xCEA0] =	vst v11  }
0x387: {  	[tilespmem:s19+$0xCEB0] =	vst v12  }
0x388: {  	[tilespmem:s19+$0xCEC0] =	vst v13;
	s23 =	spop (v2sf)  }
0x389: {  	[tilespmem:s19+$0xCED0] =	vst v14;
	s24 =	sshll.u32 s23, $0x8;
	s20 =	sshll.u32 s23, $0x7  }
0x38a: {  	[tilespmem:s19+$0xCEE0] =	vst v15;
	s21 =	sand.u32 $0xFFFFF800, s24;
	s20 =	sand.u32 $0x380, s20  }
0x38b: {  	[tilespmem:s19+$0xCEF0] =	vst v16;
	s20 =	sor.u32 s20, s21  }
0x38c: {  	v1 =	vld [tilespmem:s20+$0x0]  }
0x38d: {  	v2 =	vld [tilespmem:s20+$0x10]  }
0x38e: {  	v3 =	vld [tilespmem:s20+$0x20]  }
0x38f: {  	v4 =	vld [tilespmem:s20+$0x30]  }
0x390: {  	v5 =	vld [tilespmem:s20+$0x40]  }
0x391: {  	v6 =	vld [tilespmem:s20+$0x50]  }
0x392: {  	v7 =	vld [tilespmem:s20+$0x60]  }
0x393: {  	v8 =	vld [tilespmem:s20+$0x70]  }
0x394: {  	v9 =	vld [tilespmem:s20+$0x400]  }
0x395: {  	v10 =	vld [tilespmem:s20+$0x410]  }
0x396: {  	v11 =	vld [tilespmem:s20+$0x420]  }
0x397: {  	v12 =	vld [tilespmem:s20+$0x430]  }
0x398: {  	(v2sf) =	vpush v0, $0xD;
	v13 =	vld [tilespmem:s20+$0x440]  }
0x399: {  	v14 =	vld [tilespmem:s20+$0x450]  }
0x39a: {  	v15 =	vld [tilespmem:s20+$0x460]  }
0x39b: {  	v16 =	vld [tilespmem:s20+$0x470];
	[tilespmem:s19+$0xCB00] =	vst v1  }
0x39c: {  	[tilespmem:s19+$0xCB10] =	vst v2  }
0x39d: {  	[tilespmem:s19+$0xCB20] =	vst v3  }
0x39e: {  	[tilespmem:s19+$0xCB30] =	vst v4  }
0x39f: {  	[tilespmem:s19+$0xCB40] =	vst v5  }
0x3a0: {  	[tilespmem:s19+$0xCB50] =	vst v6  }
0x3a1: {  	[tilespmem:s19+$0xCB60] =	vst v7  }
0x3a2: {  	[tilespmem:s19+$0xCB70] =	vst v8  }
0x3a3: {  	[tilespmem:s19+$0xCF00] =	vst v9  }
0x3a4: {  	[tilespmem:s19+$0xCF10] =	vst v10  }
0x3a5: {  	[tilespmem:s19+$0xCF20] =	vst v11  }
0x3a6: {  	[tilespmem:s19+$0xCF30] =	vst v12  }
0x3a7: {  	[tilespmem:s19+$0xCF40] =	vst v13;
	s25 =	spop (v2sf)  }
0x3a8: {  	[tilespmem:s19+$0xCF50] =	vst v14;
	s26 =	sshll.u32 s25, $0x8;
	s20 =	sshll.u32 s25, $0x7  }
0x3a9: {  	[tilespmem:s19+$0xCF60] =	vst v15;
	s21 =	sand.u32 $0xFFFFF800, s26;
	s20 =	sand.u32 $0x380, s20  }
0x3aa: {  	[tilespmem:s19+$0xCF70] =	vst v16;
	s20 =	sor.u32 s20, s21  }
0x3ab: {  	v1 =	vld [tilespmem:s20+$0x0]  }
0x3ac: {  	v2 =	vld [tilespmem:s20+$0x10]  }
0x3ad: {  	v3 =	vld [tilespmem:s20+$0x20]  }
0x3ae: {  	v4 =	vld [tilespmem:s20+$0x30]  }
0x3af: {  	v5 =	vld [tilespmem:s20+$0x40]  }
0x3b0: {  	v6 =	vld [tilespmem:s20+$0x50]  }
0x3b1: {  	v7 =	vld [tilespmem:s20+$0x60]  }
0x3b2: {  	v8 =	vld [tilespmem:s20+$0x70]  }
0x3b3: {  	v9 =	vld [tilespmem:s20+$0x400]  }
0x3b4: {  	v10 =	vld [tilespmem:s20+$0x410]  }
0x3b5: {  	v11 =	vld [tilespmem:s20+$0x420]  }
0x3b6: {  	v12 =	vld [tilespmem:s20+$0x430]  }
0x3b7: {  	(v2sf) =	vpush v0, $0xE;
	v13 =	vld [tilespmem:s20+$0x440]  }
0x3b8: {  	v14 =	vld [tilespmem:s20+$0x450]  }
0x3b9: {  	v15 =	vld [tilespmem:s20+$0x460]  }
0x3ba: {  	v16 =	vld [tilespmem:s20+$0x470];
	[tilespmem:s19+$0xCB80] =	vst v1  }
0x3bb: {  	[tilespmem:s19+$0xCB90] =	vst v2  }
0x3bc: {  	[tilespmem:s19+$0xCBA0] =	vst v3  }
0x3bd: {  	[tilespmem:s19+$0xCBB0] =	vst v4  }
0x3be: {  	[tilespmem:s19+$0xCBC0] =	vst v5  }
0x3bf: {  	[tilespmem:s19+$0xCBD0] =	vst v6  }
0x3c0: {  	[tilespmem:s19+$0xCBE0] =	vst v7  }
0x3c1: {  	[tilespmem:s19+$0xCBF0] =	vst v8  }
0x3c2: {  	[tilespmem:s19+$0xCF80] =	vst v9  }
0x3c3: {  	[tilespmem:s19+$0xCF90] =	vst v10  }
0x3c4: {  	[tilespmem:s19+$0xCFA0] =	vst v11  }
0x3c5: {  	[tilespmem:s19+$0xCFB0] =	vst v12  }
0x3c6: {  	[tilespmem:s19+$0xCFC0] =	vst v13;
	s28 =	spop (v2sf)  }
0x3c7: {  	[tilespmem:s19+$0xCFD0] =	vst v14;
	s29 =	sshll.u32 s28, $0x8;
	s20 =	sshll.u32 s28, $0x7  }
0x3c8: {  	[tilespmem:s19+$0xCFE0] =	vst v15;
	s21 =	sand.u32 $0xFFFFF800, s29;
	s20 =	sand.u32 $0x380, s20  }
0x3c9: {  	[tilespmem:s19+$0xCFF0] =	vst v16;
	s20 =	sor.u32 s20, s21  }
0x3ca: {  	v1 =	vld [tilespmem:s20+$0x0]  }
0x3cb: {  	v2 =	vld [tilespmem:s20+$0x10]  }
0x3cc: {  	v3 =	vld [tilespmem:s20+$0x20]  }
0x3cd: {  	v4 =	vld [tilespmem:s20+$0x30]  }
0x3ce: {  	v5 =	vld [tilespmem:s20+$0x40]  }
0x3cf: {  	v6 =	vld [tilespmem:s20+$0x50]  }
0x3d0: {  	v7 =	vld [tilespmem:s20+$0x60]  }
0x3d1: {  	v8 =	vld [tilespmem:s20+$0x70]  }
0x3d2: {  	v9 =	vld [tilespmem:s20+$0x400]  }
0x3d3: {  	v10 =	vld [tilespmem:s20+$0x410]  }
0x3d4: {  	v11 =	vld [tilespmem:s20+$0x420]  }
0x3d5: {  	v12 =	vld [tilespmem:s20+$0x430]  }
0x3d6: {  	(v2sf) =	vpush v0, $0xF;
	v13 =	vld [tilespmem:s20+$0x440]  }
0x3d7: {  	v14 =	vld [tilespmem:s20+$0x450]  }
0x3d8: {  	v63 =	vld [tilespmem:s20+$0x460]  }
0x3d9: {  	v15 =	vld [tilespmem:s20+$0x470];
	[tilespmem:s19+$0xCC00] =	vst v1  }
0x3da: {  	[tilespmem:s19+$0xCC10] =	vst v2  }
0x3db: {  	[tilespmem:s19+$0xCC20] =	vst v3  }
0x3dc: {  	[tilespmem:s19+$0xCC30] =	vst v4  }
0x3dd: {  	[tilespmem:s19+$0xCC40] =	vst v5  }
0x3de: {  	[tilespmem:s19+$0xCC50] =	vst v6  }
0x3df: {  	[tilespmem:s19+$0xCC60] =	vst v7  }
0x3e0: {  	[tilespmem:s19+$0xCC70] =	vst v8  }
0x3e1: {  	[tilespmem:s19+$0xD000] =	vst v9  }
0x3e2: {  	[tilespmem:s19+$0xD010] =	vst v10  }
0x3e3: {  	[tilespmem:s19+$0xD020] =	vst v11  }
0x3e4: {  	[tilespmem:s19+$0xD030] =	vst v12  }
0x3e5: {  	[tilespmem:s19+$0xD040] =	vst v13;
	s30 =	spop (v2sf)  }
0x3e6: {  	[tilespmem:s19+$0xD050] =	vst v14;
	s31 =	sshll.u32 s30, $0x8;
	s20 =	sshll.u32 s30, $0x7  }
0x3e7: {  	[tilespmem:s19+$0xD060] =	vst v63;
	s21 =	sand.u32 $0xFFFFF800, s31;
	s20 =	sand.u32 $0x380, s20  }
0x3e8: {  	[tilespmem:s19+$0xD070] =	vst v15;
	s20 =	sor.u32 s20, s21  }
0x3e9: {  	v0 =	vld [tilespmem:s20+$0x0]  }
0x3ea: {  	v1 =	vld [tilespmem:s20+$0x10]  }
0x3eb: {  	v2 =	vld [tilespmem:s20+$0x20]  }
0x3ec: {  	v3 =	vld [tilespmem:s20+$0x30]  }
0x3ed: {  	v4 =	vld [tilespmem:s20+$0x40]  }
0x3ee: {  	v5 =	vld [tilespmem:s20+$0x50]  }
0x3ef: {  	v6 =	vld [tilespmem:s20+$0x60]  }
0x3f0: {  	v7 =	vld [tilespmem:s20+$0x70]  }
0x3f1: {  	v8 =	vld [tilespmem:s20+$0x400]  }
0x3f2: {  	v9 =	vld [tilespmem:s20+$0x410]  }
0x3f3: {  	v10 =	vld [tilespmem:s20+$0x420]  }
0x3f4: {  	v11 =	vld [tilespmem:s20+$0x430]  }
0x3f5: {  	v12 =	vld [tilespmem:s20+$0x440]  }
0x3f6: {  	v13 =	vld [tilespmem:s20+$0x450]  }
0x3f7: {  	v14 =	vld [tilespmem:s20+$0x460]  }
0x3f8: {  	v15 =	vld [tilespmem:s20+$0x470];
	[tilespmem:s19+$0xCC80] =	vst v0  }
0x3f9: {  	[tilespmem:s19+$0xCC90] =	vst v1  }
0x3fa: {  	[tilespmem:s19+$0xCCA0] =	vst v2  }
0x3fb: {  	[tilespmem:s19+$0xCCB0] =	vst v3  }
0x3fc: {  	[tilespmem:s19+$0xCCC0] =	vst v4  }
0x3fd: {  	[tilespmem:s19+$0xCCD0] =	vst v5  }
0x3fe: {  	[tilespmem:s19+$0xCCE0] =	vst v6  }
0x3ff: {  	[tilespmem:s19+$0xCCF0] =	vst v7  }
0x400: {  	[tilespmem:s19+$0xD080] =	vst v8  }
0x401: {  	[tilespmem:s19+$0xD090] =	vst v9  }
0x402: {  	p0 =	sne.s32 s18, $0x3;
	[tilespmem:s19+$0xD0A0] =	vst v10  }
.Ltmp1:
0x403: {  	[tilespmem:s19+$0xD0B0] =	vst v11;
	(pc) =	sbr.rel @p0 .LBB2_4-.Ltmp1, $4  }
0x404: {  	[tilespmem:s19+$0xD0C0] =	vst v12  }
0x405: {  	[tilespmem:s19+$0xD0D0] =	vst v13  }
0x406: {  	[tilespmem:s19+$0xD0E0] =	vst v14  }
0x407: {  	s18 =	sadd.s32 $0x1, s18;
	[tilespmem:s19+$0xD0F0] =	vst v15  }
0x408: {  	s18 =	simm.s32 $0x0  }
0x409: {  	[hbm4b:s6+s18] =	stream.linear.scatter [tilespmem:s13], [sflag:$0x1], $0x4000, $0x38;
	[tilespmem:$0x18100] =	vst v63  }
.LBB2_6:
0x40a: {  	s19 =	sshll.u32 s18, $0x4  }
0x40b: {  	s19 =	sand.u32 $0x3FFFFFF0, s19  }
0x40c: {  	v0 =	vld [tilespmem:s19+$0x8080];
	_ =	sdelay $0x4  }
0x40d: {  	(v2sf) =	vpush v0, $0x0;
	_ =	sdelay $0xe  }
0x40e: {  	s31 =	spop (v2sf)  }
0x40f: {  	s20 =	sshll.u32 s31, $0x8;
	s19 =	sshll.u32 s31, $0x7  }
0x410: {  	s20 =	sand.u32 $0xFFFFF800, s20;
	s19 =	sand.u32 $0x380, s19  }
0x411: {  	s19 =	sor.u32 s19, s20  }
0x412: {  	v1 =	vld [tilespmem:s19+$0x0]  }
0x413: {  	v2 =	vld [tilespmem:s19+$0x10]  }
0x414: {  	v3 =	vld [tilespmem:s19+$0x20]  }
0x415: {  	v4 =	vld [tilespmem:s19+$0x30]  }
0x416: {  	v5 =	vld [tilespmem:s19+$0x40]  }
0x417: {  	v6 =	vld [tilespmem:s19+$0x50]  }
0x418: {  	v7 =	vld [tilespmem:s19+$0x60]  }
0x419: {  	v8 =	vld [tilespmem:s19+$0x70]  }
0x41a: {  	v9 =	vld [tilespmem:s19+$0x400]  }
0x41b: {  	v10 =	vld [tilespmem:s19+$0x410]  }
0x41c: {  	v11 =	vld [tilespmem:s19+$0x420]  }
0x41d: {  	v12 =	vld [tilespmem:s19+$0x430]  }
0x41e: {  	v13 =	vld [tilespmem:s19+$0x440]  }
0x41f: {  	(v2sf) =	vpush v0, $0x1;
	v14 =	vld [tilespmem:s19+$0x450]  }
0x420: {  	s21 =	sshll.u32 s18, $0xE;
	v15 =	vld [tilespmem:s19+$0x460]  }
0x421: {  	v16 =	vld [tilespmem:s19+$0x470];
	s19 =	sshra.s32 s21, $0x2  }
0x422: {  	[tilespmem:s19+$0x10100] =	vst v1  }
0x423: {  	[tilespmem:s19+$0x10110] =	vst v2  }
0x424: {  	[tilespmem:s19+$0x10120] =	vst v3  }
0x425: {  	[tilespmem:s19+$0x10130] =	vst v4  }
0x426: {  	[tilespmem:s19+$0x10140] =	vst v5  }
0x427: {  	[tilespmem:s19+$0x10150] =	vst v6  }
0x428: {  	[tilespmem:s19+$0x10160] =	vst v7  }
0x429: {  	[tilespmem:s19+$0x10170] =	vst v8  }
0x42a: {  	[tilespmem:s19+$0x10500] =	vst v9  }
0x42b: {  	[tilespmem:s19+$0x10510] =	vst v10  }
0x42c: {  	[tilespmem:s19+$0x10520] =	vst v11  }
0x42d: {  	[tilespmem:s19+$0x10530] =	vst v12  }
0x42e: {  	[tilespmem:s19+$0x10540] =	vst v13;
	s22 =	spop (v2sf)  }
0x42f: {  	[tilespmem:s19+$0x10550] =	vst v14;
	s21 =	sshll.u32 s22, $0x8;
	s20 =	sshll.u32 s22, $0x7  }
0x430: {  	[tilespmem:s19+$0x10560] =	vst v15;
	s21 =	sand.u32 $0xFFFFF800, s21;
	s20 =	sand.u32 $0x380, s20  }
0x431: {  	[tilespmem:s19+$0x10570] =	vst v16;
	s20 =	sor.u32 s20, s21  }
0x432: {  	v1 =	vld [tilespmem:s20+$0x0]  }
0x433: {  	v2 =	vld [tilespmem:s20+$0x10]  }
0x434: {  	v3 =	vld [tilespmem:s20+$0x20]  }
0x435: {  	v4 =	vld [tilespmem:s20+$0x30]  }
0x436: {  	v5 =	vld [tilespmem:s20+$0x40]  }
0x437: {  	v6 =	vld [tilespmem:s20+$0x50]  }
0x438: {  	v7 =	vld [tilespmem:s20+$0x60]  }
0x439: {  	v8 =	vld [tilespmem:s20+$0x70]  }
0x43a: {  	v9 =	vld [tilespmem:s20+$0x400]  }
0x43b: {  	v56 =	vld [tilespmem:s20+$0x410]  }
0x43c: {  	v57 =	vld [tilespmem:s20+$0x420]  }
0x43d: {  	v58 =	vld [tilespmem:s20+$0x430]  }
0x43e: {  	v59 =	vld [tilespmem:s20+$0x440];
	(v2sf) =	vpush v0, $0x2  }
0x43f: {  	v60 =	vld [tilespmem:s20+$0x450]  }
0x440: {  	v61 =	vld [tilespmem:s20+$0x460]  }
0x441: {  	v62 =	vld [tilespmem:s20+$0x470];
	[tilespmem:s19+$0x10180] =	vst v1  }
0x442: {  	[tilespmem:s19+$0x10190] =	vst v2  }
0x443: {  	[tilespmem:s19+$0x101A0] =	vst v3  }
0x444: {  	[tilespmem:s19+$0x101B0] =	vst v4  }
0x445: {  	[tilespmem:s19+$0x101C0] =	vst v5  }
0x446: {  	[tilespmem:s19+$0x101D0] =	vst v6  }
0x447: {  	[tilespmem:s19+$0x101E0] =	vst v7  }
0x448: {  	[tilespmem:s19+$0x101F0] =	vst v8  }
0x449: {  	[tilespmem:s19+$0x10580] =	vst v9  }
0x44a: {  	[tilespmem:s19+$0x10590] =	vst v56  }
0x44b: {  	[tilespmem:s19+$0x105A0] =	vst v57  }
0x44c: {  	[tilespmem:s19+$0x105B0] =	vst v58  }
0x44d: {  	[tilespmem:s19+$0x105C0] =	vst v59;
	s23 =	spop (v2sf)  }
0x44e: {  	[tilespmem:s19+$0x105D0] =	vst v60;
	s24 =	sshll.u32 s23, $0x8;
	s20 =	sshll.u32 s23, $0x7  }
0x44f: {  	[tilespmem:s19+$0x105E0] =	vst v61;
	s21 =	sand.u32 $0xFFFFF800, s24;
	s20 =	sand.u32 $0x380, s20  }
0x450: {  	[tilespmem:s19+$0x105F0] =	vst v62;
	s20 =	sor.u32 s20, s21  }
0x451: {  	v1 =	vld [tilespmem:s20+$0x0]  }
0x452: {  	v2 =	vld [tilespmem:s20+$0x10]  }
0x453: {  	v3 =	vld [tilespmem:s20+$0x20]  }
0x454: {  	v4 =	vld [tilespmem:s20+$0x30]  }
0x455: {  	v5 =	vld [tilespmem:s20+$0x40]  }
0x456: {  	v6 =	vld [tilespmem:s20+$0x50]  }
0x457: {  	v7 =	vld [tilespmem:s20+$0x60]  }
0x458: {  	v8 =	vld [tilespmem:s20+$0x70]  }
0x459: {  	v9 =	vld [tilespmem:s20+$0x400]  }
0x45a: {  	v10 =	vld [tilespmem:s20+$0x410]  }
0x45b: {  	v11 =	vld [tilespmem:s20+$0x420]  }
0x45c: {  	v12 =	vld [tilespmem:s20+$0x430]  }
0x45d: {  	(v2sf) =	vpush v0, $0x3;
	v13 =	vld [tilespmem:s20+$0x440]  }
0x45e: {  	v14 =	vld [tilespmem:s20+$0x450]  }
0x45f: {  	v15 =	vld [tilespmem:s20+$0x460]  }
0x460: {  	v16 =	vld [tilespmem:s20+$0x470];
	[tilespmem:s19+$0x10200] =	vst v1  }
0x461: {  	[tilespmem:s19+$0x10210] =	vst v2  }
0x462: {  	[tilespmem:s19+$0x10220] =	vst v3  }
0x463: {  	[tilespmem:s19+$0x10230] =	vst v4  }
0x464: {  	[tilespmem:s19+$0x10240] =	vst v5  }
0x465: {  	[tilespmem:s19+$0x10250] =	vst v6  }
0x466: {  	[tilespmem:s19+$0x10260] =	vst v7  }
0x467: {  	[tilespmem:s19+$0x10270] =	vst v8  }
0x468: {  	[tilespmem:s19+$0x10600] =	vst v9  }
0x469: {  	[tilespmem:s19+$0x10610] =	vst v10  }
0x46a: {  	[tilespmem:s19+$0x10620] =	vst v11  }
0x46b: {  	[tilespmem:s19+$0x10630] =	vst v12  }
0x46c: {  	[tilespmem:s19+$0x10640] =	vst v13;
	s25 =	spop (v2sf)  }
0x46d: {  	[tilespmem:s19+$0x10650] =	vst v14;
	s26 =	sshll.u32 s25, $0x8;
	s20 =	sshll.u32 s25, $0x7  }
0x46e: {  	[tilespmem:s19+$0x10660] =	vst v15;
	s21 =	sand.u32 $0xFFFFF800, s26;
	s20 =	sand.u32 $0x380, s20  }
0x46f: {  	[tilespmem:s19+$0x10670] =	vst v16;
	s20 =	sor.u32 s20, s21  }
0x470: {  	v1 =	vld [tilespmem:s20+$0x0]  }
0x471: {  	v2 =	vld [tilespmem:s20+$0x10]  }
0x472: {  	v3 =	vld [tilespmem:s20+$0x20]  }
0x473: {  	v4 =	vld [tilespmem:s20+$0x30]  }
0x474: {  	v5 =	vld [tilespmem:s20+$0x40]  }
0x475: {  	v6 =	vld [tilespmem:s20+$0x50]  }
0x476: {  	v7 =	vld [tilespmem:s20+$0x60]  }
0x477: {  	v8 =	vld [tilespmem:s20+$0x70]  }
0x478: {  	v9 =	vld [tilespmem:s20+$0x400]  }
0x479: {  	v10 =	vld [tilespmem:s20+$0x410]  }
0x47a: {  	v11 =	vld [tilespmem:s20+$0x420]  }
0x47b: {  	v12 =	vld [tilespmem:s20+$0x430]  }
0x47c: {  	(v2sf) =	vpush v0, $0x4;
	v13 =	vld [tilespmem:s20+$0x440]  }
0x47d: {  	v14 =	vld [tilespmem:s20+$0x450]  }
0x47e: {  	v15 =	vld [tilespmem:s20+$0x460]  }
0x47f: {  	v16 =	vld [tilespmem:s20+$0x470];
	[tilespmem:s19+$0x10280] =	vst v1  }
0x480: {  	[tilespmem:s19+$0x10290] =	vst v2  }
0x481: {  	[tilespmem:s19+$0x102A0] =	vst v3  }
0x482: {  	[tilespmem:s19+$0x102B0] =	vst v4  }
0x483: {  	[tilespmem:s19+$0x102C0] =	vst v5  }
0x484: {  	[tilespmem:s19+$0x102D0] =	vst v6  }
0x485: {  	[tilespmem:s19+$0x102E0] =	vst v7  }
0x486: {  	[tilespmem:s19+$0x102F0] =	vst v8  }
0x487: {  	[tilespmem:s19+$0x10680] =	vst v9  }
0x488: {  	[tilespmem:s19+$0x10690] =	vst v10  }
0x489: {  	[tilespmem:s19+$0x106A0] =	vst v11  }
0x48a: {  	[tilespmem:s19+$0x106B0] =	vst v12  }
0x48b: {  	[tilespmem:s19+$0x106C0] =	vst v13;
	s28 =	spop (v2sf)  }
0x48c: {  	[tilespmem:s19+$0x106D0] =	vst v14;
	s29 =	sshll.u32 s28, $0x8;
	s20 =	sshll.u32 s28, $0x7  }
0x48d: {  	[tilespmem:s19+$0x106E0] =	vst v15;
	s21 =	sand.u32 $0xFFFFF800, s29;
	s20 =	sand.u32 $0x380, s20  }
0x48e: {  	[tilespmem:s19+$0x106F0] =	vst v16;
	s20 =	sor.u32 s20, s21  }
0x48f: {  	v1 =	vld [tilespmem:s20+$0x0]  }
0x490: {  	v2 =	vld [tilespmem:s20+$0x10]  }
0x491: {  	v3 =	vld [tilespmem:s20+$0x20]  }
0x492: {  	v4 =	vld [tilespmem:s20+$0x30]  }
0x493: {  	v5 =	vld [tilespmem:s20+$0x40]  }
0x494: {  	v6 =	vld [tilespmem:s20+$0x50]  }
0x495: {  	v7 =	vld [tilespmem:s20+$0x60]  }
0x496: {  	v8 =	vld [tilespmem:s20+$0x70]  }
0x497: {  	v9 =	vld [tilespmem:s20+$0x400]  }
0x498: {  	v10 =	vld [tilespmem:s20+$0x410]  }
0x499: {  	v11 =	vld [tilespmem:s20+$0x420]  }
0x49a: {  	v12 =	vld [tilespmem:s20+$0x430]  }
0x49b: {  	(v2sf) =	vpush v0, $0x5;
	v13 =	vld [tilespmem:s20+$0x440]  }
0x49c: {  	v14 =	vld [tilespmem:s20+$0x450]  }
0x49d: {  	v15 =	vld [tilespmem:s20+$0x460]  }
0x49e: {  	v16 =	vld [tilespmem:s20+$0x470];
	[tilespmem:s19+$0x10300] =	vst v1  }
0x49f: {  	[tilespmem:s19+$0x10310] =	vst v2  }
0x4a0: {  	[tilespmem:s19+$0x10320] =	vst v3  }
0x4a1: {  	[tilespmem:s19+$0x10330] =	vst v4  }
0x4a2: {  	[tilespmem:s19+$0x10340] =	vst v5  }
0x4a3: {  	[tilespmem:s19+$0x10350] =	vst v6  }
0x4a4: {  	[tilespmem:s19+$0x10360] =	vst v7  }
0x4a5: {  	[tilespmem:s19+$0x10370] =	vst v8  }
0x4a6: {  	[tilespmem:s19+$0x10700] =	vst v9  }
0x4a7: {  	[tilespmem:s19+$0x10710] =	vst v10  }
0x4a8: {  	[tilespmem:s19+$0x10720] =	vst v11  }
0x4a9: {  	[tilespmem:s19+$0x10730] =	vst v12  }
0x4aa: {  	[tilespmem:s19+$0x10740] =	vst v13;
	s30 =	spop (v2sf)  }
0x4ab: {  	[tilespmem:s19+$0x10750] =	vst v14;
	s31 =	sshll.u32 s30, $0x8;
	s20 =	sshll.u32 s30, $0x7  }
0x4ac: {  	[tilespmem:s19+$0x10760] =	vst v15;
	s21 =	sand.u32 $0xFFFFF800, s31;
	s20 =	sand.u32 $0x380, s20  }
0x4ad: {  	[tilespmem:s19+$0x10770] =	vst v16;
	s20 =	sor.u32 s20, s21  }
0x4ae: {  	v1 =	vld [tilespmem:s20+$0x0]  }
0x4af: {  	v2 =	vld [tilespmem:s20+$0x10]  }
0x4b0: {  	v3 =	vld [tilespmem:s20+$0x20]  }
0x4b1: {  	v4 =	vld [tilespmem:s20+$0x30]  }
0x4b2: {  	v5 =	vld [tilespmem:s20+$0x40]  }
0x4b3: {  	v6 =	vld [tilespmem:s20+$0x50]  }
0x4b4: {  	v7 =	vld [tilespmem:s20+$0x60]  }
0x4b5: {  	v8 =	vld [tilespmem:s20+$0x70]  }
0x4b6: {  	v9 =	vld [tilespmem:s20+$0x400]  }
0x4b7: {  	v10 =	vld [tilespmem:s20+$0x410]  }
0x4b8: {  	v11 =	vld [tilespmem:s20+$0x420]  }
0x4b9: {  	v12 =	vld [tilespmem:s20+$0x430]  }
0x4ba: {  	(v2sf) =	vpush v0, $0x6;
	v13 =	vld [tilespmem:s20+$0x440]  }
0x4bb: {  	v14 =	vld [tilespmem:s20+$0x450]  }
0x4bc: {  	v15 =	vld [tilespmem:s20+$0x460]  }
0x4bd: {  	v16 =	vld [tilespmem:s20+$0x470];
	[tilespmem:s19+$0x10380] =	vst v1  }
0x4be: {  	[tilespmem:s19+$0x10390] =	vst v2  }
0x4bf: {  	[tilespmem:s19+$0x103A0] =	vst v3  }
0x4c0: {  	[tilespmem:s19+$0x103B0] =	vst v4  }
0x4c1: {  	[tilespmem:s19+$0x103C0] =	vst v5  }
0x4c2: {  	[tilespmem:s19+$0x103D0] =	vst v6  }
0x4c3: {  	[tilespmem:s19+$0x103E0] =	vst v7  }
0x4c4: {  	[tilespmem:s19+$0x103F0] =	vst v8  }
0x4c5: {  	[tilespmem:s19+$0x10780] =	vst v9  }
0x4c6: {  	[tilespmem:s19+$0x10790] =	vst v10  }
0x4c7: {  	[tilespmem:s19+$0x107A0] =	vst v11  }
0x4c8: {  	[tilespmem:s19+$0x107B0] =	vst v12  }
0x4c9: {  	[tilespmem:s19+$0x107C0] =	vst v13;
	s21 =	spop (v2sf)  }
0x4ca: {  	[tilespmem:s19+$0x107D0] =	vst v14;
	s22 =	sshll.u32 s21, $0x8;
	s20 =	sshll.u32 s21, $0x7  }
0x4cb: {  	[tilespmem:s19+$0x107E0] =	vst v15;
	s21 =	sand.u32 $0xFFFFF800, s22;
	s20 =	sand.u32 $0x380, s20  }
0x4cc: {  	[tilespmem:s19+$0x107F0] =	vst v16;
	s20 =	sor.u32 s20, s21  }
0x4cd: {  	v1 =	vld [tilespmem:s20+$0x0]  }
0x4ce: {  	v2 =	vld [tilespmem:s20+$0x10]  }
0x4cf: {  	v3 =	vld [tilespmem:s20+$0x20]  }
0x4d0: {  	v4 =	vld [tilespmem:s20+$0x30]  }
0x4d1: {  	v5 =	vld [tilespmem:s20+$0x40]  }
0x4d2: {  	v6 =	vld [tilespmem:s20+$0x50]  }
0x4d3: {  	v7 =	vld [tilespmem:s20+$0x60]  }
0x4d4: {  	v8 =	vld [tilespmem:s20+$0x70]  }
0x4d5: {  	v9 =	vld [tilespmem:s20+$0x400]  }
0x4d6: {  	v10 =	vld [tilespmem:s20+$0x410]  }
0x4d7: {  	v11 =	vld [tilespmem:s20+$0x420]  }
0x4d8: {  	v12 =	vld [tilespmem:s20+$0x430]  }
0x4d9: {  	(v2sf) =	vpush v0, $0x7;
	v13 =	vld [tilespmem:s20+$0x440]  }
0x4da: {  	v14 =	vld [tilespmem:s20+$0x450]  }
0x4db: {  	v15 =	vld [tilespmem:s20+$0x460]  }
0x4dc: {  	v16 =	vld [tilespmem:s20+$0x470];
	[tilespmem:s19+$0x10400] =	vst v1  }
0x4dd: {  	[tilespmem:s19+$0x10410] =	vst v2  }
0x4de: {  	[tilespmem:s19+$0x10420] =	vst v3  }
0x4df: {  	[tilespmem:s19+$0x10430] =	vst v4  }
0x4e0: {  	[tilespmem:s19+$0x10440] =	vst v5  }
0x4e1: {  	[tilespmem:s19+$0x10450] =	vst v6  }
0x4e2: {  	[tilespmem:s19+$0x10460] =	vst v7  }
0x4e3: {  	[tilespmem:s19+$0x10470] =	vst v8  }
0x4e4: {  	[tilespmem:s19+$0x10800] =	vst v9  }
0x4e5: {  	[tilespmem:s19+$0x10810] =	vst v10  }
0x4e6: {  	[tilespmem:s19+$0x10820] =	vst v11  }
0x4e7: {  	[tilespmem:s19+$0x10830] =	vst v12  }
0x4e8: {  	[tilespmem:s19+$0x10840] =	vst v13;
	s23 =	spop (v2sf)  }
0x4e9: {  	[tilespmem:s19+$0x10850] =	vst v14;
	s24 =	sshll.u32 s23, $0x8;
	s20 =	sshll.u32 s23, $0x7  }
0x4ea: {  	[tilespmem:s19+$0x10860] =	vst v15;
	s21 =	sand.u32 $0xFFFFF800, s24;
	s20 =	sand.u32 $0x380, s20  }
0x4eb: {  	[tilespmem:s19+$0x10870] =	vst v16;
	s20 =	sor.u32 s20, s21  }
0x4ec: {  	v1 =	vld [tilespmem:s20+$0x0]  }
0x4ed: {  	v2 =	vld [tilespmem:s20+$0x10]  }
0x4ee: {  	v3 =	vld [tilespmem:s20+$0x20]  }
0x4ef: {  	v4 =	vld [tilespmem:s20+$0x30]  }
0x4f0: {  	v5 =	vld [tilespmem:s20+$0x40]  }
0x4f1: {  	v6 =	vld [tilespmem:s20+$0x50]  }
0x4f2: {  	v7 =	vld [tilespmem:s20+$0x60]  }
0x4f3: {  	v8 =	vld [tilespmem:s20+$0x70]  }
0x4f4: {  	v9 =	vld [tilespmem:s20+$0x400]  }
0x4f5: {  	v10 =	vld [tilespmem:s20+$0x410]  }
0x4f6: {  	v11 =	vld [tilespmem:s20+$0x420]  }
0x4f7: {  	v12 =	vld [tilespmem:s20+$0x430]  }
0x4f8: {  	(v2sf) =	vpush v0, $0x8;
	v13 =	vld [tilespmem:s20+$0x440]  }
0x4f9: {  	v14 =	vld [tilespmem:s20+$0x450]  }
0x4fa: {  	v15 =	vld [tilespmem:s20+$0x460]  }
0x4fb: {  	v16 =	vld [tilespmem:s20+$0x470];
	[tilespmem:s19+$0x10480] =	vst v1  }
0x4fc: {  	[tilespmem:s19+$0x10490] =	vst v2  }
0x4fd: {  	[tilespmem:s19+$0x104A0] =	vst v3  }
0x4fe: {  	[tilespmem:s19+$0x104B0] =	vst v4  }
0x4ff: {  	[tilespmem:s19+$0x104C0] =	vst v5  }
0x500: {  	[tilespmem:s19+$0x104D0] =	vst v6  }
0x501: {  	[tilespmem:s19+$0x104E0] =	vst v7  }
0x502: {  	[tilespmem:s19+$0x104F0] =	vst v8  }
0x503: {  	[tilespmem:s19+$0x10880] =	vst v9  }
0x504: {  	[tilespmem:s19+$0x10890] =	vst v10  }
0x505: {  	[tilespmem:s19+$0x108A0] =	vst v11  }
0x506: {  	[tilespmem:s19+$0x108B0] =	vst v12  }
0x507: {  	[tilespmem:s19+$0x108C0] =	vst v13;
	s25 =	spop (v2sf)  }
0x508: {  	[tilespmem:s19+$0x108D0] =	vst v14;
	s26 =	sshll.u32 s25, $0x8;
	s20 =	sshll.u32 s25, $0x7  }
0x509: {  	[tilespmem:s19+$0x108E0] =	vst v15;
	s21 =	sand.u32 $0xFFFFF800, s26;
	s20 =	sand.u32 $0x380, s20  }
0x50a: {  	[tilespmem:s19+$0x108F0] =	vst v16;
	s20 =	sor.u32 s20, s21  }
0x50b: {  	v1 =	vld [tilespmem:s20+$0x0]  }
0x50c: {  	v2 =	vld [tilespmem:s20+$0x10]  }
0x50d: {  	v3 =	vld [tilespmem:s20+$0x20]  }
0x50e: {  	v4 =	vld [tilespmem:s20+$0x30]  }
0x50f: {  	v5 =	vld [tilespmem:s20+$0x40]  }
0x510: {  	v6 =	vld [tilespmem:s20+$0x50]  }
0x511: {  	v7 =	vld [tilespmem:s20+$0x60]  }
0x512: {  	v8 =	vld [tilespmem:s20+$0x70]  }
0x513: {  	v9 =	vld [tilespmem:s20+$0x400]  }
0x514: {  	v10 =	vld [tilespmem:s20+$0x410]  }
0x515: {  	v11 =	vld [tilespmem:s20+$0x420]  }
0x516: {  	v12 =	vld [tilespmem:s20+$0x430]  }
0x517: {  	(v2sf) =	vpush v0, $0x9;
	v13 =	vld [tilespmem:s20+$0x440]  }
0x518: {  	v14 =	vld [tilespmem:s20+$0x450]  }
0x519: {  	v15 =	vld [tilespmem:s20+$0x460]  }
0x51a: {  	v16 =	vld [tilespmem:s20+$0x470];
	[tilespmem:s19+$0x10900] =	vst v1  }
0x51b: {  	[tilespmem:s19+$0x10910] =	vst v2  }
0x51c: {  	[tilespmem:s19+$0x10920] =	vst v3  }
0x51d: {  	[tilespmem:s19+$0x10930] =	vst v4  }
0x51e: {  	[tilespmem:s19+$0x10940] =	vst v5  }
0x51f: {  	[tilespmem:s19+$0x10950] =	vst v6  }
0x520: {  	[tilespmem:s19+$0x10960] =	vst v7  }
0x521: {  	[tilespmem:s19+$0x10970] =	vst v8  }
0x522: {  	[tilespmem:s19+$0x10D00] =	vst v9  }
0x523: {  	[tilespmem:s19+$0x10D10] =	vst v10  }
0x524: {  	[tilespmem:s19+$0x10D20] =	vst v11  }
0x525: {  	[tilespmem:s19+$0x10D30] =	vst v12  }
0x526: {  	[tilespmem:s19+$0x10D40] =	vst v13;
	s28 =	spop (v2sf)  }
0x527: {  	[tilespmem:s19+$0x10D50] =	vst v14;
	s29 =	sshll.u32 s28, $0x8;
	s20 =	sshll.u32 s28, $0x7  }
0x528: {  	[tilespmem:s19+$0x10D60] =	vst v15;
	s21 =	sand.u32 $0xFFFFF800, s29;
	s20 =	sand.u32 $0x380, s20  }
0x529: {  	[tilespmem:s19+$0x10D70] =	vst v16;
	s20 =	sor.u32 s20, s21  }
0x52a: {  	v1 =	vld [tilespmem:s20+$0x0]  }
0x52b: {  	v2 =	vld [tilespmem:s20+$0x10]  }
0x52c: {  	v3 =	vld [tilespmem:s20+$0x20]  }
0x52d: {  	v4 =	vld [tilespmem:s20+$0x30]  }
0x52e: {  	v5 =	vld [tilespmem:s20+$0x40]  }
0x52f: {  	v6 =	vld [tilespmem:s20+$0x50]  }
0x530: {  	v7 =	vld [tilespmem:s20+$0x60]  }
0x531: {  	v8 =	vld [tilespmem:s20+$0x70]  }
0x532: {  	v9 =	vld [tilespmem:s20+$0x400]  }
0x533: {  	v10 =	vld [tilespmem:s20+$0x410]  }
0x534: {  	v11 =	vld [tilespmem:s20+$0x420]  }
0x535: {  	v12 =	vld [tilespmem:s20+$0x430]  }
0x536: {  	(v2sf) =	vpush v0, $0xA;
	v13 =	vld [tilespmem:s20+$0x440]  }
0x537: {  	v14 =	vld [tilespmem:s20+$0x450]  }
0x538: {  	v15 =	vld [tilespmem:s20+$0x460]  }
0x539: {  	v16 =	vld [tilespmem:s20+$0x470];
	[tilespmem:s19+$0x10980] =	vst v1  }
0x53a: {  	[tilespmem:s19+$0x10990] =	vst v2  }
0x53b: {  	[tilespmem:s19+$0x109A0] =	vst v3  }
0x53c: {  	[tilespmem:s19+$0x109B0] =	vst v4  }
0x53d: {  	[tilespmem:s19+$0x109C0] =	vst v5  }
0x53e: {  	[tilespmem:s19+$0x109D0] =	vst v6  }
0x53f: {  	[tilespmem:s19+$0x109E0] =	vst v7  }
0x540: {  	[tilespmem:s19+$0x109F0] =	vst v8  }
0x541: {  	[tilespmem:s19+$0x10D80] =	vst v9  }
0x542: {  	[tilespmem:s19+$0x10D90] =	vst v10  }
0x543: {  	[tilespmem:s19+$0x10DA0] =	vst v11  }
0x544: {  	[tilespmem:s19+$0x10DB0] =	vst v12  }
0x545: {  	[tilespmem:s19+$0x10DC0] =	vst v13;
	s30 =	spop (v2sf)  }
0x546: {  	[tilespmem:s19+$0x10DD0] =	vst v14;
	s31 =	sshll.u32 s30, $0x8;
	s20 =	sshll.u32 s30, $0x7  }
0x547: {  	[tilespmem:s19+$0x10DE0] =	vst v15;
	s21 =	sand.u32 $0xFFFFF800, s31;
	s20 =	sand.u32 $0x380, s20  }
0x548: {  	[tilespmem:s19+$0x10DF0] =	vst v16;
	s20 =	sor.u32 s20, s21  }
0x549: {  	v1 =	vld [tilespmem:s20+$0x0]  }
0x54a: {  	v2 =	vld [tilespmem:s20+$0x10]  }
0x54b: {  	v3 =	vld [tilespmem:s20+$0x20]  }
0x54c: {  	v4 =	vld [tilespmem:s20+$0x30]  }
0x54d: {  	v5 =	vld [tilespmem:s20+$0x40]  }
0x54e: {  	v6 =	vld [tilespmem:s20+$0x50]  }
0x54f: {  	v7 =	vld [tilespmem:s20+$0x60]  }
0x550: {  	v8 =	vld [tilespmem:s20+$0x70]  }
0x551: {  	v9 =	vld [tilespmem:s20+$0x400]  }
0x552: {  	v10 =	vld [tilespmem:s20+$0x410]  }
0x553: {  	v11 =	vld [tilespmem:s20+$0x420]  }
0x554: {  	v12 =	vld [tilespmem:s20+$0x430]  }
0x555: {  	(v2sf) =	vpush v0, $0xB;
	v13 =	vld [tilespmem:s20+$0x440]  }
0x556: {  	v14 =	vld [tilespmem:s20+$0x450]  }
0x557: {  	v15 =	vld [tilespmem:s20+$0x460]  }
0x558: {  	v16 =	vld [tilespmem:s20+$0x470];
	[tilespmem:s19+$0x10A00] =	vst v1  }
0x559: {  	[tilespmem:s19+$0x10A10] =	vst v2  }
0x55a: {  	[tilespmem:s19+$0x10A20] =	vst v3  }
0x55b: {  	[tilespmem:s19+$0x10A30] =	vst v4  }
0x55c: {  	[tilespmem:s19+$0x10A40] =	vst v5  }
0x55d: {  	[tilespmem:s19+$0x10A50] =	vst v6  }
0x55e: {  	[tilespmem:s19+$0x10A60] =	vst v7  }
0x55f: {  	[tilespmem:s19+$0x10A70] =	vst v8  }
0x560: {  	[tilespmem:s19+$0x10E00] =	vst v9  }
0x561: {  	[tilespmem:s19+$0x10E10] =	vst v10  }
0x562: {  	[tilespmem:s19+$0x10E20] =	vst v11  }
0x563: {  	[tilespmem:s19+$0x10E30] =	vst v12  }
0x564: {  	[tilespmem:s19+$0x10E40] =	vst v13;
	s21 =	spop (v2sf)  }
0x565: {  	[tilespmem:s19+$0x10E50] =	vst v14;
	s22 =	sshll.u32 s21, $0x8;
	s20 =	sshll.u32 s21, $0x7  }
0x566: {  	[tilespmem:s19+$0x10E60] =	vst v15;
	s21 =	sand.u32 $0xFFFFF800, s22;
	s20 =	sand.u32 $0x380, s20  }
0x567: {  	[tilespmem:s19+$0x10E70] =	vst v16;
	s20 =	sor.u32 s20, s21  }
0x568: {  	v1 =	vld [tilespmem:s20+$0x0]  }
0x569: {  	v2 =	vld [tilespmem:s20+$0x10]  }
0x56a: {  	v3 =	vld [tilespmem:s20+$0x20]  }
0x56b: {  	v4 =	vld [tilespmem:s20+$0x30]  }
0x56c: {  	v5 =	vld [tilespmem:s20+$0x40]  }
0x56d: {  	v6 =	vld [tilespmem:s20+$0x50]  }
0x56e: {  	v7 =	vld [tilespmem:s20+$0x60]  }
0x56f: {  	v8 =	vld [tilespmem:s20+$0x70]  }
0x570: {  	v9 =	vld [tilespmem:s20+$0x400]  }
0x571: {  	v10 =	vld [tilespmem:s20+$0x410]  }
0x572: {  	v11 =	vld [tilespmem:s20+$0x420]  }
0x573: {  	v12 =	vld [tilespmem:s20+$0x430]  }
0x574: {  	(v2sf) =	vpush v0, $0xC;
	v13 =	vld [tilespmem:s20+$0x440]  }
0x575: {  	v14 =	vld [tilespmem:s20+$0x450]  }
0x576: {  	v15 =	vld [tilespmem:s20+$0x460]  }
0x577: {  	v16 =	vld [tilespmem:s20+$0x470];
	[tilespmem:s19+$0x10A80] =	vst v1  }
0x578: {  	[tilespmem:s19+$0x10A90] =	vst v2  }
0x579: {  	[tilespmem:s19+$0x10AA0] =	vst v3  }
0x57a: {  	[tilespmem:s19+$0x10AB0] =	vst v4  }
0x57b: {  	[tilespmem:s19+$0x10AC0] =	vst v5  }
0x57c: {  	[tilespmem:s19+$0x10AD0] =	vst v6  }
0x57d: {  	[tilespmem:s19+$0x10AE0] =	vst v7  }
0x57e: {  	[tilespmem:s19+$0x10AF0] =	vst v8  }
0x57f: {  	[tilespmem:s19+$0x10E80] =	vst v9  }
0x580: {  	[tilespmem:s19+$0x10E90] =	vst v10  }
0x581: {  	[tilespmem:s19+$0x10EA0] =	vst v11  }
0x582: {  	[tilespmem:s19+$0x10EB0] =	vst v12  }
0x583: {  	[tilespmem:s19+$0x10EC0] =	vst v13;
	s23 =	spop (v2sf)  }
0x584: {  	[tilespmem:s19+$0x10ED0] =	vst v14;
	s24 =	sshll.u32 s23, $0x8;
	s20 =	sshll.u32 s23, $0x7  }
0x585: {  	[tilespmem:s19+$0x10EE0] =	vst v15;
	s21 =	sand.u32 $0xFFFFF800, s24;
	s20 =	sand.u32 $0x380, s20  }
0x586: {  	[tilespmem:s19+$0x10EF0] =	vst v16;
	s20 =	sor.u32 s20, s21  }
0x587: {  	v1 =	vld [tilespmem:s20+$0x0]  }
0x588: {  	v2 =	vld [tilespmem:s20+$0x10]  }
0x589: {  	v3 =	vld [tilespmem:s20+$0x20]  }
0x58a: {  	v4 =	vld [tilespmem:s20+$0x30]  }
0x58b: {  	v5 =	vld [tilespmem:s20+$0x40]  }
0x58c: {  	v6 =	vld [tilespmem:s20+$0x50]  }
0x58d: {  	v7 =	vld [tilespmem:s20+$0x60]  }
0x58e: {  	v8 =	vld [tilespmem:s20+$0x70]  }
0x58f: {  	v9 =	vld [tilespmem:s20+$0x400]  }
0x590: {  	v10 =	vld [tilespmem:s20+$0x410]  }
0x591: {  	v11 =	vld [tilespmem:s20+$0x420]  }
0x592: {  	v12 =	vld [tilespmem:s20+$0x430]  }
0x593: {  	(v2sf) =	vpush v0, $0xD;
	v13 =	vld [tilespmem:s20+$0x440]  }
0x594: {  	v14 =	vld [tilespmem:s20+$0x450]  }
0x595: {  	v15 =	vld [tilespmem:s20+$0x460]  }
0x596: {  	v16 =	vld [tilespmem:s20+$0x470];
	[tilespmem:s19+$0x10B00] =	vst v1  }
0x597: {  	[tilespmem:s19+$0x10B10] =	vst v2  }
0x598: {  	[tilespmem:s19+$0x10B20] =	vst v3  }
0x599: {  	[tilespmem:s19+$0x10B30] =	vst v4  }
0x59a: {  	[tilespmem:s19+$0x10B40] =	vst v5  }
0x59b: {  	[tilespmem:s19+$0x10B50] =	vst v6  }
0x59c: {  	[tilespmem:s19+$0x10B60] =	vst v7  }
0x59d: {  	[tilespmem:s19+$0x10B70] =	vst v8  }
0x59e: {  	[tilespmem:s19+$0x10F00] =	vst v9  }
0x59f: {  	[tilespmem:s19+$0x10F10] =	vst v10  }
0x5a0: {  	[tilespmem:s19+$0x10F20] =	vst v11  }
0x5a1: {  	[tilespmem:s19+$0x10F30] =	vst v12  }
0x5a2: {  	[tilespmem:s19+$0x10F40] =	vst v13;
	s25 =	spop (v2sf)  }
0x5a3: {  	[tilespmem:s19+$0x10F50] =	vst v14;
	s26 =	sshll.u32 s25, $0x8;
	s20 =	sshll.u32 s25, $0x7  }
0x5a4: {  	[tilespmem:s19+$0x10F60] =	vst v15;
	s21 =	sand.u32 $0xFFFFF800, s26;
	s20 =	sand.u32 $0x380, s20  }
0x5a5: {  	[tilespmem:s19+$0x10F70] =	vst v16;
	s20 =	sor.u32 s20, s21  }
0x5a6: {  	v1 =	vld [tilespmem:s20+$0x0]  }
0x5a7: {  	v2 =	vld [tilespmem:s20+$0x10]  }
0x5a8: {  	v3 =	vld [tilespmem:s20+$0x20]  }
0x5a9: {  	v4 =	vld [tilespmem:s20+$0x30]  }
0x5aa: {  	v5 =	vld [tilespmem:s20+$0x40]  }
0x5ab: {  	v6 =	vld [tilespmem:s20+$0x50]  }
0x5ac: {  	v7 =	vld [tilespmem:s20+$0x60]  }
0x5ad: {  	v8 =	vld [tilespmem:s20+$0x70]  }
0x5ae: {  	v9 =	vld [tilespmem:s20+$0x400]  }
0x5af: {  	v10 =	vld [tilespmem:s20+$0x410]  }
0x5b0: {  	v11 =	vld [tilespmem:s20+$0x420]  }
0x5b1: {  	v12 =	vld [tilespmem:s20+$0x430]  }
0x5b2: {  	(v2sf) =	vpush v0, $0xE;
	v13 =	vld [tilespmem:s20+$0x440]  }
0x5b3: {  	v14 =	vld [tilespmem:s20+$0x450]  }
0x5b4: {  	v15 =	vld [tilespmem:s20+$0x460]  }
0x5b5: {  	v16 =	vld [tilespmem:s20+$0x470];
	[tilespmem:s19+$0x10B80] =	vst v1  }
0x5b6: {  	[tilespmem:s19+$0x10B90] =	vst v2  }
0x5b7: {  	[tilespmem:s19+$0x10BA0] =	vst v3  }
0x5b8: {  	[tilespmem:s19+$0x10BB0] =	vst v4  }
0x5b9: {  	[tilespmem:s19+$0x10BC0] =	vst v5  }
0x5ba: {  	[tilespmem:s19+$0x10BD0] =	vst v6  }
0x5bb: {  	[tilespmem:s19+$0x10BE0] =	vst v7  }
0x5bc: {  	[tilespmem:s19+$0x10BF0] =	vst v8  }
0x5bd: {  	[tilespmem:s19+$0x10F80] =	vst v9  }
0x5be: {  	[tilespmem:s19+$0x10F90] =	vst v10  }
0x5bf: {  	[tilespmem:s19+$0x10FA0] =	vst v11  }
0x5c0: {  	[tilespmem:s19+$0x10FB0] =	vst v12  }
0x5c1: {  	[tilespmem:s19+$0x10FC0] =	vst v13;
	s28 =	spop (v2sf)  }
0x5c2: {  	[tilespmem:s19+$0x10FD0] =	vst v14;
	s29 =	sshll.u32 s28, $0x8;
	s20 =	sshll.u32 s28, $0x7  }
0x5c3: {  	[tilespmem:s19+$0x10FE0] =	vst v15;
	s21 =	sand.u32 $0xFFFFF800, s29;
	s20 =	sand.u32 $0x380, s20  }
0x5c4: {  	[tilespmem:s19+$0x10FF0] =	vst v16;
	s20 =	sor.u32 s20, s21  }
0x5c5: {  	v1 =	vld [tilespmem:s20+$0x0]  }
0x5c6: {  	v2 =	vld [tilespmem:s20+$0x10]  }
0x5c7: {  	v3 =	vld [tilespmem:s20+$0x20]  }
0x5c8: {  	v4 =	vld [tilespmem:s20+$0x30]  }
0x5c9: {  	v5 =	vld [tilespmem:s20+$0x40]  }
0x5ca: {  	v6 =	vld [tilespmem:s20+$0x50]  }
0x5cb: {  	v7 =	vld [tilespmem:s20+$0x60]  }
0x5cc: {  	v8 =	vld [tilespmem:s20+$0x70]  }
0x5cd: {  	v9 =	vld [tilespmem:s20+$0x400]  }
0x5ce: {  	v10 =	vld [tilespmem:s20+$0x410]  }
0x5cf: {  	v11 =	vld [tilespmem:s20+$0x420]  }
0x5d0: {  	v12 =	vld [tilespmem:s20+$0x430]  }
0x5d1: {  	(v2sf) =	vpush v0, $0xF;
	v13 =	vld [tilespmem:s20+$0x440]  }
0x5d2: {  	v14 =	vld [tilespmem:s20+$0x450]  }
0x5d3: {  	v63 =	vld [tilespmem:s20+$0x460]  }
0x5d4: {  	v15 =	vld [tilespmem:s20+$0x470];
	[tilespmem:s19+$0x10C00] =	vst v1  }
0x5d5: {  	[tilespmem:s19+$0x10C10] =	vst v2  }
0x5d6: {  	[tilespmem:s19+$0x10C20] =	vst v3  }
0x5d7: {  	[tilespmem:s19+$0x10C30] =	vst v4  }
0x5d8: {  	[tilespmem:s19+$0x10C40] =	vst v5  }
0x5d9: {  	[tilespmem:s19+$0x10C50] =	vst v6  }
0x5da: {  	[tilespmem:s19+$0x10C60] =	vst v7  }
0x5db: {  	[tilespmem:s19+$0x10C70] =	vst v8  }
0x5dc: {  	[tilespmem:s19+$0x11000] =	vst v9  }
0x5dd: {  	[tilespmem:s19+$0x11010] =	vst v10  }
0x5de: {  	[tilespmem:s19+$0x11020] =	vst v11  }
0x5df: {  	[tilespmem:s19+$0x11030] =	vst v12  }
0x5e0: {  	[tilespmem:s19+$0x11040] =	vst v13;
	s30 =	spop (v2sf)  }
0x5e1: {  	[tilespmem:s19+$0x11050] =	vst v14;
	s31 =	sshll.u32 s30, $0x8;
	s20 =	sshll.u32 s30, $0x7  }
0x5e2: {  	[tilespmem:s19+$0x11060] =	vst v63;
	s21 =	sand.u32 $0xFFFFF800, s31;
	s20 =	sand.u32 $0x380, s20  }
0x5e3: {  	[tilespmem:s19+$0x11070] =	vst v15;
	s20 =	sor.u32 s20, s21  }
0x5e4: {  	v0 =	vld [tilespmem:s20+$0x0]  }
0x5e5: {  	v1 =	vld [tilespmem:s20+$0x10]  }
0x5e6: {  	v2 =	vld [tilespmem:s20+$0x20]  }
0x5e7: {  	v3 =	vld [tilespmem:s20+$0x30]  }
0x5e8: {  	v4 =	vld [tilespmem:s20+$0x40]  }
0x5e9: {  	v5 =	vld [tilespmem:s20+$0x50]  }
0x5ea: {  	v6 =	vld [tilespmem:s20+$0x60]  }
0x5eb: {  	v7 =	vld [tilespmem:s20+$0x70]  }
0x5ec: {  	v8 =	vld [tilespmem:s20+$0x400]  }
0x5ed: {  	v9 =	vld [tilespmem:s20+$0x410]  }
0x5ee: {  	v10 =	vld [tilespmem:s20+$0x420]  }
0x5ef: {  	v11 =	vld [tilespmem:s20+$0x430]  }
0x5f0: {  	v12 =	vld [tilespmem:s20+$0x440]  }
0x5f1: {  	v13 =	vld [tilespmem:s20+$0x450]  }
0x5f2: {  	v14 =	vld [tilespmem:s20+$0x460]  }
0x5f3: {  	v15 =	vld [tilespmem:s20+$0x470];
	[tilespmem:s19+$0x10C80] =	vst v0  }
0x5f4: {  	[tilespmem:s19+$0x10C90] =	vst v1  }
0x5f5: {  	[tilespmem:s19+$0x10CA0] =	vst v2  }
0x5f6: {  	[tilespmem:s19+$0x10CB0] =	vst v3  }
0x5f7: {  	[tilespmem:s19+$0x10CC0] =	vst v4  }
0x5f8: {  	[tilespmem:s19+$0x10CD0] =	vst v5  }
0x5f9: {  	[tilespmem:s19+$0x10CE0] =	vst v6  }
0x5fa: {  	[tilespmem:s19+$0x10CF0] =	vst v7  }
0x5fb: {  	[tilespmem:s19+$0x11080] =	vst v8  }
0x5fc: {  	[tilespmem:s19+$0x11090] =	vst v9  }
0x5fd: {  	p0 =	sne.s32 s18, $0x3;
	[tilespmem:s19+$0x110A0] =	vst v10  }
.Ltmp2:
0x5fe: {  	[tilespmem:s19+$0x110B0] =	vst v11;
	(pc) =	sbr.rel @p0 .LBB2_6-.Ltmp2, $4  }
0x5ff: {  	[tilespmem:s19+$0x110C0] =	vst v12  }
0x600: {  	[tilespmem:s19+$0x110D0] =	vst v13  }
0x601: {  	[tilespmem:s19+$0x110E0] =	vst v14  }
0x602: {  	s18 =	sadd.s32 $0x1, s18;
	[tilespmem:s19+$0x110F0] =	vst v15  }
0x603: {  	s18 =	simm.s32 $0x0  }
0x604: {  	[hbm4b:s7+s18] =	stream.linear.scatter [tilespmem:s14], [sflag:$0x1], $0x4000, $0x38;
	[tilespmem:$0x18100] =	vst v63  }
.LBB2_8:
0x605: {  	s19 =	sshll.u32 s18, $0x4  }
0x606: {  	v0 =	vld [tilespmem:s19+$0x80C0];
	_ =	sdelay $0x4  }
0x607: {  	(v2sf) =	vpush v0, $0x0;
	_ =	sdelay $0xe  }
0x608: {  	s28 =	spop (v2sf)  }
0x609: {  	s20 =	sshll.u32 s28, $0x8;
	s19 =	sshll.u32 s28, $0x7  }
0x60a: {  	s20 =	sand.u32 $0xFFFFF800, s20;
	s19 =	sand.u32 $0x380, s19  }
0x60b: {  	s19 =	sor.u32 s19, s20  }
0x60c: {  	v1 =	vld [tilespmem:s19+$0x0]  }
0x60d: {  	v2 =	vld [tilespmem:s19+$0x10]  }
0x60e: {  	v3 =	vld [tilespmem:s19+$0x20]  }
0x60f: {  	v4 =	vld [tilespmem:s19+$0x30]  }
0x610: {  	v5 =	vld [tilespmem:s19+$0x40]  }
0x611: {  	v6 =	vld [tilespmem:s19+$0x50]  }
0x612: {  	v7 =	vld [tilespmem:s19+$0x60]  }
0x613: {  	v8 =	vld [tilespmem:s19+$0x70]  }
0x614: {  	v9 =	vld [tilespmem:s19+$0x400]  }
0x615: {  	v10 =	vld [tilespmem:s19+$0x410]  }
0x616: {  	v11 =	vld [tilespmem:s19+$0x420]  }
0x617: {  	v12 =	vld [tilespmem:s19+$0x430]  }
0x618: {  	s29 =	sshll.u32 s18, $0xC;
	(v2sf) =	vpush v0, $0x1;
	v13 =	vld [tilespmem:s19+$0x440]  }
0x619: {  	s21 =	sadd.s32 $0xC000, s29;
	v14 =	vld [tilespmem:s19+$0x450]  }
0x61a: {  	s30 =	sand.u32 $0x3FFFF000, s21;
	v15 =	vld [tilespmem:s19+$0x460]  }
0x61b: {  	v16 =	vld [tilespmem:s19+$0x470];
	[tilespmem:s30+$0x8100] =	vst v1  }
0x61c: {  	[tilespmem:s30+$0x8110] =	vst v2  }
0x61d: {  	[tilespmem:s30+$0x8120] =	vst v3  }
0x61e: {  	[tilespmem:s30+$0x8130] =	vst v4  }
0x61f: {  	[tilespmem:s30+$0x8140] =	vst v5  }
0x620: {  	[tilespmem:s30+$0x8150] =	vst v6  }
0x621: {  	[tilespmem:s30+$0x8160] =	vst v7  }
0x622: {  	[tilespmem:s30+$0x8170] =	vst v8  }
0x623: {  	[tilespmem:s30+$0x8500] =	vst v9  }
0x624: {  	[tilespmem:s30+$0x8510] =	vst v10  }
0x625: {  	[tilespmem:s30+$0x8520] =	vst v11  }
0x626: {  	[tilespmem:s30+$0x8530] =	vst v12  }
0x627: {  	[tilespmem:s30+$0x8540] =	vst v13;
	s31 =	spop (v2sf)  }
0x628: {  	[tilespmem:s30+$0x8550] =	vst v14;
	s22 =	sshll.u32 s31, $0x8;
	s21 =	sshll.u32 s31, $0x7  }
0x629: {  	[tilespmem:s30+$0x8560] =	vst v15;
	s22 =	sand.u32 $0xFFFFF800, s22;
	s21 =	sand.u32 $0x380, s21  }
0x62a: {  	[tilespmem:s30+$0x8570] =	vst v16;
	s22 =	sor.u32 s21, s22  }
0x62b: {  	v1 =	vld [tilespmem:s22+$0x0]  }
0x62c: {  	v2 =	vld [tilespmem:s22+$0x10]  }
0x62d: {  	v3 =	vld [tilespmem:s22+$0x20]  }
0x62e: {  	v4 =	vld [tilespmem:s22+$0x30]  }
0x62f: {  	v5 =	vld [tilespmem:s22+$0x40]  }
0x630: {  	v6 =	vld [tilespmem:s22+$0x50]  }
0x631: {  	v7 =	vld [tilespmem:s22+$0x60]  }
0x632: {  	v8 =	vld [tilespmem:s22+$0x70]  }
0x633: {  	v9 =	vld [tilespmem:s22+$0x400]  }
0x634: {  	v56 =	vld [tilespmem:s22+$0x410]  }
0x635: {  	v57 =	vld [tilespmem:s22+$0x420]  }
0x636: {  	v58 =	vld [tilespmem:s22+$0x430]  }
0x637: {  	v59 =	vld [tilespmem:s22+$0x440];
	(v2sf) =	vpush v0, $0x2  }
0x638: {  	v60 =	vld [tilespmem:s22+$0x450]  }
0x639: {  	s19 =	sand.u32 $0x3FFFF000, s29;
	v61 =	vld [tilespmem:s22+$0x460]  }
0x63a: {  	v62 =	vld [tilespmem:s22+$0x470];
	[tilespmem:s19+$0x14180] =	vst v1  }
0x63b: {  	[tilespmem:s19+$0x14190] =	vst v2  }
0x63c: {  	[tilespmem:s19+$0x141A0] =	vst v3  }
0x63d: {  	[tilespmem:s19+$0x141B0] =	vst v4  }
0x63e: {  	[tilespmem:s19+$0x141C0] =	vst v5  }
0x63f: {  	[tilespmem:s19+$0x141D0] =	vst v6  }
0x640: {  	[tilespmem:s19+$0x141E0] =	vst v7  }
0x641: {  	[tilespmem:s19+$0x141F0] =	vst v8  }
0x642: {  	[tilespmem:s19+$0x14580] =	vst v9  }
0x643: {  	[tilespmem:s19+$0x14590] =	vst v56  }
0x644: {  	[tilespmem:s19+$0x145A0] =	vst v57  }
0x645: {  	[tilespmem:s19+$0x145B0] =	vst v58  }
0x646: {  	[tilespmem:s19+$0x145C0] =	vst v59;
	s23 =	spop (v2sf)  }
0x647: {  	[tilespmem:s19+$0x145D0] =	vst v60;
	s24 =	sshll.u32 s23, $0x8;
	s20 =	sshll.u32 s23, $0x7  }
0x648: {  	[tilespmem:s19+$0x145E0] =	vst v61;
	s21 =	sand.u32 $0xFFFFF800, s24;
	s20 =	sand.u32 $0x380, s20  }
0x649: {  	[tilespmem:s19+$0x145F0] =	vst v62;
	s20 =	sor.u32 s20, s21  }
0x64a: {  	v1 =	vld [tilespmem:s20+$0x0]  }
0x64b: {  	v2 =	vld [tilespmem:s20+$0x10]  }
0x64c: {  	v3 =	vld [tilespmem:s20+$0x20]  }
0x64d: {  	v4 =	vld [tilespmem:s20+$0x30]  }
0x64e: {  	v5 =	vld [tilespmem:s20+$0x40]  }
0x64f: {  	v6 =	vld [tilespmem:s20+$0x50]  }
0x650: {  	v7 =	vld [tilespmem:s20+$0x60]  }
0x651: {  	v8 =	vld [tilespmem:s20+$0x70]  }
0x652: {  	v9 =	vld [tilespmem:s20+$0x400]  }
0x653: {  	v10 =	vld [tilespmem:s20+$0x410]  }
0x654: {  	v11 =	vld [tilespmem:s20+$0x420]  }
0x655: {  	v12 =	vld [tilespmem:s20+$0x430]  }
0x656: {  	(v2sf) =	vpush v0, $0x3;
	v13 =	vld [tilespmem:s20+$0x440]  }
0x657: {  	v14 =	vld [tilespmem:s20+$0x450]  }
0x658: {  	v15 =	vld [tilespmem:s20+$0x460]  }
0x659: {  	v16 =	vld [tilespmem:s20+$0x470];
	[tilespmem:s19+$0x14200] =	vst v1  }
0x65a: {  	[tilespmem:s19+$0x14210] =	vst v2  }
0x65b: {  	[tilespmem:s19+$0x14220] =	vst v3  }
0x65c: {  	[tilespmem:s19+$0x14230] =	vst v4  }
0x65d: {  	[tilespmem:s19+$0x14240] =	vst v5  }
0x65e: {  	[tilespmem:s19+$0x14250] =	vst v6  }
0x65f: {  	[tilespmem:s19+$0x14260] =	vst v7  }
0x660: {  	[tilespmem:s19+$0x14270] =	vst v8  }
0x661: {  	[tilespmem:s19+$0x14600] =	vst v9  }
0x662: {  	[tilespmem:s19+$0x14610] =	vst v10  }
0x663: {  	[tilespmem:s19+$0x14620] =	vst v11  }
0x664: {  	[tilespmem:s19+$0x14630] =	vst v12  }
0x665: {  	[tilespmem:s19+$0x14640] =	vst v13;
	s25 =	spop (v2sf)  }
0x666: {  	[tilespmem:s19+$0x14650] =	vst v14;
	s26 =	sshll.u32 s25, $0x8;
	s20 =	sshll.u32 s25, $0x7  }
0x667: {  	[tilespmem:s19+$0x14660] =	vst v15;
	s21 =	sand.u32 $0xFFFFF800, s26;
	s20 =	sand.u32 $0x380, s20  }
0x668: {  	[tilespmem:s19+$0x14670] =	vst v16;
	s20 =	sor.u32 s20, s21  }
0x669: {  	v1 =	vld [tilespmem:s20+$0x0]  }
0x66a: {  	v2 =	vld [tilespmem:s20+$0x10]  }
0x66b: {  	v3 =	vld [tilespmem:s20+$0x20]  }
0x66c: {  	v4 =	vld [tilespmem:s20+$0x30]  }
0x66d: {  	v5 =	vld [tilespmem:s20+$0x40]  }
0x66e: {  	v6 =	vld [tilespmem:s20+$0x50]  }
0x66f: {  	v7 =	vld [tilespmem:s20+$0x60]  }
0x670: {  	v8 =	vld [tilespmem:s20+$0x70]  }
0x671: {  	v9 =	vld [tilespmem:s20+$0x400]  }
0x672: {  	v10 =	vld [tilespmem:s20+$0x410]  }
0x673: {  	v11 =	vld [tilespmem:s20+$0x420]  }
0x674: {  	v12 =	vld [tilespmem:s20+$0x430]  }
0x675: {  	(v2sf) =	vpush v0, $0x4;
	v13 =	vld [tilespmem:s20+$0x440]  }
0x676: {  	v14 =	vld [tilespmem:s20+$0x450]  }
0x677: {  	v15 =	vld [tilespmem:s20+$0x460]  }
0x678: {  	v16 =	vld [tilespmem:s20+$0x470];
	[tilespmem:s19+$0x14280] =	vst v1  }
0x679: {  	[tilespmem:s19+$0x14290] =	vst v2  }
0x67a: {  	[tilespmem:s19+$0x142A0] =	vst v3  }
0x67b: {  	[tilespmem:s19+$0x142B0] =	vst v4  }
0x67c: {  	[tilespmem:s19+$0x142C0] =	vst v5  }
0x67d: {  	[tilespmem:s19+$0x142D0] =	vst v6  }
0x67e: {  	[tilespmem:s19+$0x142E0] =	vst v7  }
0x67f: {  	[tilespmem:s19+$0x142F0] =	vst v8  }
0x680: {  	[tilespmem:s19+$0x14680] =	vst v9  }
0x681: {  	[tilespmem:s19+$0x14690] =	vst v10  }
0x682: {  	[tilespmem:s19+$0x146A0] =	vst v11  }
0x683: {  	[tilespmem:s19+$0x146B0] =	vst v12  }
0x684: {  	[tilespmem:s19+$0x146C0] =	vst v13;
	s28 =	spop (v2sf)  }
0x685: {  	[tilespmem:s19+$0x146D0] =	vst v14;
	s29 =	sshll.u32 s28, $0x8;
	s20 =	sshll.u32 s28, $0x7  }
0x686: {  	[tilespmem:s19+$0x146E0] =	vst v15;
	s21 =	sand.u32 $0xFFFFF800, s29;
	s20 =	sand.u32 $0x380, s20  }
0x687: {  	[tilespmem:s19+$0x146F0] =	vst v16;
	s20 =	sor.u32 s20, s21  }
0x688: {  	v1 =	vld [tilespmem:s20+$0x0]  }
0x689: {  	v2 =	vld [tilespmem:s20+$0x10]  }
0x68a: {  	v3 =	vld [tilespmem:s20+$0x20]  }
0x68b: {  	v4 =	vld [tilespmem:s20+$0x30]  }
0x68c: {  	v5 =	vld [tilespmem:s20+$0x40]  }
0x68d: {  	v6 =	vld [tilespmem:s20+$0x50]  }
0x68e: {  	v7 =	vld [tilespmem:s20+$0x60]  }
0x68f: {  	v8 =	vld [tilespmem:s20+$0x70]  }
0x690: {  	v9 =	vld [tilespmem:s20+$0x400]  }
0x691: {  	v10 =	vld [tilespmem:s20+$0x410]  }
0x692: {  	v11 =	vld [tilespmem:s20+$0x420]  }
0x693: {  	v12 =	vld [tilespmem:s20+$0x430]  }
0x694: {  	(v2sf) =	vpush v0, $0x5;
	v13 =	vld [tilespmem:s20+$0x440]  }
0x695: {  	v14 =	vld [tilespmem:s20+$0x450]  }
0x696: {  	v15 =	vld [tilespmem:s20+$0x460]  }
0x697: {  	v16 =	vld [tilespmem:s20+$0x470];
	[tilespmem:s19+$0x14300] =	vst v1  }
0x698: {  	[tilespmem:s19+$0x14310] =	vst v2  }
0x699: {  	[tilespmem:s19+$0x14320] =	vst v3  }
0x69a: {  	[tilespmem:s19+$0x14330] =	vst v4  }
0x69b: {  	[tilespmem:s19+$0x14340] =	vst v5  }
0x69c: {  	[tilespmem:s19+$0x14350] =	vst v6  }
0x69d: {  	[tilespmem:s19+$0x14360] =	vst v7  }
0x69e: {  	[tilespmem:s19+$0x14370] =	vst v8  }
0x69f: {  	[tilespmem:s19+$0x14700] =	vst v9  }
0x6a0: {  	[tilespmem:s19+$0x14710] =	vst v10  }
0x6a1: {  	[tilespmem:s19+$0x14720] =	vst v11  }
0x6a2: {  	[tilespmem:s19+$0x14730] =	vst v12  }
0x6a3: {  	[tilespmem:s19+$0x14740] =	vst v13;
	s30 =	spop (v2sf)  }
0x6a4: {  	[tilespmem:s19+$0x14750] =	vst v14;
	s31 =	sshll.u32 s30, $0x8;
	s20 =	sshll.u32 s30, $0x7  }
0x6a5: {  	[tilespmem:s19+$0x14760] =	vst v15;
	s21 =	sand.u32 $0xFFFFF800, s31;
	s20 =	sand.u32 $0x380, s20  }
0x6a6: {  	[tilespmem:s19+$0x14770] =	vst v16;
	s20 =	sor.u32 s20, s21  }
0x6a7: {  	v1 =	vld [tilespmem:s20+$0x0]  }
0x6a8: {  	v2 =	vld [tilespmem:s20+$0x10]  }
0x6a9: {  	v3 =	vld [tilespmem:s20+$0x20]  }
0x6aa: {  	v4 =	vld [tilespmem:s20+$0x30]  }
0x6ab: {  	v5 =	vld [tilespmem:s20+$0x40]  }
0x6ac: {  	v6 =	vld [tilespmem:s20+$0x50]  }
0x6ad: {  	v7 =	vld [tilespmem:s20+$0x60]  }
0x6ae: {  	v8 =	vld [tilespmem:s20+$0x70]  }
0x6af: {  	v9 =	vld [tilespmem:s20+$0x400]  }
0x6b0: {  	v10 =	vld [tilespmem:s20+$0x410]  }
0x6b1: {  	v11 =	vld [tilespmem:s20+$0x420]  }
0x6b2: {  	v12 =	vld [tilespmem:s20+$0x430]  }
0x6b3: {  	(v2sf) =	vpush v0, $0x6;
	v13 =	vld [tilespmem:s20+$0x440]  }
0x6b4: {  	v14 =	vld [tilespmem:s20+$0x450]  }
0x6b5: {  	v15 =	vld [tilespmem:s20+$0x460]  }
0x6b6: {  	v16 =	vld [tilespmem:s20+$0x470];
	[tilespmem:s19+$0x14380] =	vst v1  }
0x6b7: {  	[tilespmem:s19+$0x14390] =	vst v2  }
0x6b8: {  	[tilespmem:s19+$0x143A0] =	vst v3  }
0x6b9: {  	[tilespmem:s19+$0x143B0] =	vst v4  }
0x6ba: {  	[tilespmem:s19+$0x143C0] =	vst v5  }
0x6bb: {  	[tilespmem:s19+$0x143D0] =	vst v6  }
0x6bc: {  	[tilespmem:s19+$0x143E0] =	vst v7  }
0x6bd: {  	[tilespmem:s19+$0x143F0] =	vst v8  }
0x6be: {  	[tilespmem:s19+$0x14780] =	vst v9  }
0x6bf: {  	[tilespmem:s19+$0x14790] =	vst v10  }
0x6c0: {  	[tilespmem:s19+$0x147A0] =	vst v11  }
0x6c1: {  	[tilespmem:s19+$0x147B0] =	vst v12  }
0x6c2: {  	[tilespmem:s19+$0x147C0] =	vst v13;
	s21 =	spop (v2sf)  }
0x6c3: {  	[tilespmem:s19+$0x147D0] =	vst v14;
	s22 =	sshll.u32 s21, $0x8;
	s20 =	sshll.u32 s21, $0x7  }
0x6c4: {  	[tilespmem:s19+$0x147E0] =	vst v15;
	s21 =	sand.u32 $0xFFFFF800, s22;
	s20 =	sand.u32 $0x380, s20  }
0x6c5: {  	[tilespmem:s19+$0x147F0] =	vst v16;
	s20 =	sor.u32 s20, s21  }
0x6c6: {  	v1 =	vld [tilespmem:s20+$0x0]  }
0x6c7: {  	v2 =	vld [tilespmem:s20+$0x10]  }
0x6c8: {  	v3 =	vld [tilespmem:s20+$0x20]  }
0x6c9: {  	v4 =	vld [tilespmem:s20+$0x30]  }
0x6ca: {  	v5 =	vld [tilespmem:s20+$0x40]  }
0x6cb: {  	v6 =	vld [tilespmem:s20+$0x50]  }
0x6cc: {  	v7 =	vld [tilespmem:s20+$0x60]  }
0x6cd: {  	v8 =	vld [tilespmem:s20+$0x70]  }
0x6ce: {  	v9 =	vld [tilespmem:s20+$0x400]  }
0x6cf: {  	v10 =	vld [tilespmem:s20+$0x410]  }
0x6d0: {  	v11 =	vld [tilespmem:s20+$0x420]  }
0x6d1: {  	v12 =	vld [tilespmem:s20+$0x430]  }
0x6d2: {  	(v2sf) =	vpush v0, $0x7;
	v13 =	vld [tilespmem:s20+$0x440]  }
0x6d3: {  	v14 =	vld [tilespmem:s20+$0x450]  }
0x6d4: {  	v15 =	vld [tilespmem:s20+$0x460]  }
0x6d5: {  	v16 =	vld [tilespmem:s20+$0x470];
	[tilespmem:s19+$0x14400] =	vst v1  }
0x6d6: {  	[tilespmem:s19+$0x14410] =	vst v2  }
0x6d7: {  	[tilespmem:s19+$0x14420] =	vst v3  }
0x6d8: {  	[tilespmem:s19+$0x14430] =	vst v4  }
0x6d9: {  	[tilespmem:s19+$0x14440] =	vst v5  }
0x6da: {  	[tilespmem:s19+$0x14450] =	vst v6  }
0x6db: {  	[tilespmem:s19+$0x14460] =	vst v7  }
0x6dc: {  	[tilespmem:s19+$0x14470] =	vst v8  }
0x6dd: {  	[tilespmem:s19+$0x14800] =	vst v9  }
0x6de: {  	[tilespmem:s19+$0x14810] =	vst v10  }
0x6df: {  	[tilespmem:s19+$0x14820] =	vst v11  }
0x6e0: {  	[tilespmem:s19+$0x14830] =	vst v12  }
0x6e1: {  	[tilespmem:s19+$0x14840] =	vst v13;
	s23 =	spop (v2sf)  }
0x6e2: {  	[tilespmem:s19+$0x14850] =	vst v14;
	s24 =	sshll.u32 s23, $0x8;
	s20 =	sshll.u32 s23, $0x7  }
0x6e3: {  	[tilespmem:s19+$0x14860] =	vst v15;
	s21 =	sand.u32 $0xFFFFF800, s24;
	s20 =	sand.u32 $0x380, s20  }
0x6e4: {  	[tilespmem:s19+$0x14870] =	vst v16;
	s20 =	sor.u32 s20, s21  }
0x6e5: {  	v1 =	vld [tilespmem:s20+$0x0]  }
0x6e6: {  	v2 =	vld [tilespmem:s20+$0x10]  }
0x6e7: {  	v3 =	vld [tilespmem:s20+$0x20]  }
0x6e8: {  	v4 =	vld [tilespmem:s20+$0x30]  }
0x6e9: {  	v5 =	vld [tilespmem:s20+$0x40]  }
0x6ea: {  	v6 =	vld [tilespmem:s20+$0x50]  }
0x6eb: {  	v7 =	vld [tilespmem:s20+$0x60]  }
0x6ec: {  	v8 =	vld [tilespmem:s20+$0x70]  }
0x6ed: {  	v9 =	vld [tilespmem:s20+$0x400]  }
0x6ee: {  	v10 =	vld [tilespmem:s20+$0x410]  }
0x6ef: {  	v11 =	vld [tilespmem:s20+$0x420]  }
0x6f0: {  	v12 =	vld [tilespmem:s20+$0x430]  }
0x6f1: {  	(v2sf) =	vpush v0, $0x8;
	v13 =	vld [tilespmem:s20+$0x440]  }
0x6f2: {  	v14 =	vld [tilespmem:s20+$0x450]  }
0x6f3: {  	v15 =	vld [tilespmem:s20+$0x460]  }
0x6f4: {  	v16 =	vld [tilespmem:s20+$0x470];
	[tilespmem:s19+$0x14480] =	vst v1  }
0x6f5: {  	[tilespmem:s19+$0x14490] =	vst v2  }
0x6f6: {  	[tilespmem:s19+$0x144A0] =	vst v3  }
0x6f7: {  	[tilespmem:s19+$0x144B0] =	vst v4  }
0x6f8: {  	[tilespmem:s19+$0x144C0] =	vst v5  }
0x6f9: {  	[tilespmem:s19+$0x144D0] =	vst v6  }
0x6fa: {  	[tilespmem:s19+$0x144E0] =	vst v7  }
0x6fb: {  	[tilespmem:s19+$0x144F0] =	vst v8  }
0x6fc: {  	[tilespmem:s19+$0x14880] =	vst v9  }
0x6fd: {  	[tilespmem:s19+$0x14890] =	vst v10  }
0x6fe: {  	[tilespmem:s19+$0x148A0] =	vst v11  }
0x6ff: {  	[tilespmem:s19+$0x148B0] =	vst v12  }
0x700: {  	[tilespmem:s19+$0x148C0] =	vst v13;
	s25 =	spop (v2sf)  }
0x701: {  	[tilespmem:s19+$0x148D0] =	vst v14;
	s26 =	sshll.u32 s25, $0x8;
	s20 =	sshll.u32 s25, $0x7  }
0x702: {  	[tilespmem:s19+$0x148E0] =	vst v15;
	s21 =	sand.u32 $0xFFFFF800, s26;
	s20 =	sand.u32 $0x380, s20  }
0x703: {  	[tilespmem:s19+$0x148F0] =	vst v16;
	s20 =	sor.u32 s20, s21  }
0x704: {  	v1 =	vld [tilespmem:s20+$0x0]  }
0x705: {  	v2 =	vld [tilespmem:s20+$0x10]  }
0x706: {  	v3 =	vld [tilespmem:s20+$0x20]  }
0x707: {  	v4 =	vld [tilespmem:s20+$0x30]  }
0x708: {  	v5 =	vld [tilespmem:s20+$0x40]  }
0x709: {  	v6 =	vld [tilespmem:s20+$0x50]  }
0x70a: {  	v7 =	vld [tilespmem:s20+$0x60]  }
0x70b: {  	v8 =	vld [tilespmem:s20+$0x70]  }
0x70c: {  	v9 =	vld [tilespmem:s20+$0x400]  }
0x70d: {  	v10 =	vld [tilespmem:s20+$0x410]  }
0x70e: {  	v11 =	vld [tilespmem:s20+$0x420]  }
0x70f: {  	v12 =	vld [tilespmem:s20+$0x430]  }
0x710: {  	(v2sf) =	vpush v0, $0x9;
	v13 =	vld [tilespmem:s20+$0x440]  }
0x711: {  	v14 =	vld [tilespmem:s20+$0x450]  }
0x712: {  	v15 =	vld [tilespmem:s20+$0x460]  }
0x713: {  	v16 =	vld [tilespmem:s20+$0x470];
	[tilespmem:s19+$0x14900] =	vst v1  }
0x714: {  	[tilespmem:s19+$0x14910] =	vst v2  }
0x715: {  	[tilespmem:s19+$0x14920] =	vst v3  }
0x716: {  	[tilespmem:s19+$0x14930] =	vst v4  }
0x717: {  	[tilespmem:s19+$0x14940] =	vst v5  }
0x718: {  	[tilespmem:s19+$0x14950] =	vst v6  }
0x719: {  	[tilespmem:s19+$0x14960] =	vst v7  }
0x71a: {  	[tilespmem:s19+$0x14970] =	vst v8  }
0x71b: {  	[tilespmem:s19+$0x14D00] =	vst v9  }
0x71c: {  	[tilespmem:s19+$0x14D10] =	vst v10  }
0x71d: {  	[tilespmem:s19+$0x14D20] =	vst v11  }
0x71e: {  	[tilespmem:s19+$0x14D30] =	vst v12  }
0x71f: {  	[tilespmem:s19+$0x14D40] =	vst v13;
	s28 =	spop (v2sf)  }
0x720: {  	[tilespmem:s19+$0x14D50] =	vst v14;
	s29 =	sshll.u32 s28, $0x8;
	s20 =	sshll.u32 s28, $0x7  }
0x721: {  	[tilespmem:s19+$0x14D60] =	vst v15;
	s21 =	sand.u32 $0xFFFFF800, s29;
	s20 =	sand.u32 $0x380, s20  }
0x722: {  	[tilespmem:s19+$0x14D70] =	vst v16;
	s20 =	sor.u32 s20, s21  }
0x723: {  	v1 =	vld [tilespmem:s20+$0x0]  }
0x724: {  	v2 =	vld [tilespmem:s20+$0x10]  }
0x725: {  	v3 =	vld [tilespmem:s20+$0x20]  }
0x726: {  	v4 =	vld [tilespmem:s20+$0x30]  }
0x727: {  	v5 =	vld [tilespmem:s20+$0x40]  }
0x728: {  	v6 =	vld [tilespmem:s20+$0x50]  }
0x729: {  	v7 =	vld [tilespmem:s20+$0x60]  }
0x72a: {  	v8 =	vld [tilespmem:s20+$0x70]  }
0x72b: {  	v9 =	vld [tilespmem:s20+$0x400]  }
0x72c: {  	v10 =	vld [tilespmem:s20+$0x410]  }
0x72d: {  	v11 =	vld [tilespmem:s20+$0x420]  }
0x72e: {  	v12 =	vld [tilespmem:s20+$0x430]  }
0x72f: {  	(v2sf) =	vpush v0, $0xA;
	v13 =	vld [tilespmem:s20+$0x440]  }
0x730: {  	v14 =	vld [tilespmem:s20+$0x450]  }
0x731: {  	v15 =	vld [tilespmem:s20+$0x460]  }
0x732: {  	v16 =	vld [tilespmem:s20+$0x470];
	[tilespmem:s19+$0x14980] =	vst v1  }
0x733: {  	[tilespmem:s19+$0x14990] =	vst v2  }
0x734: {  	[tilespmem:s19+$0x149A0] =	vst v3  }
0x735: {  	[tilespmem:s19+$0x149B0] =	vst v4  }
0x736: {  	[tilespmem:s19+$0x149C0] =	vst v5  }
0x737: {  	[tilespmem:s19+$0x149D0] =	vst v6  }
0x738: {  	[tilespmem:s19+$0x149E0] =	vst v7  }
0x739: {  	[tilespmem:s19+$0x149F0] =	vst v8  }
0x73a: {  	[tilespmem:s19+$0x14D80] =	vst v9  }
0x73b: {  	[tilespmem:s19+$0x14D90] =	vst v10  }
0x73c: {  	[tilespmem:s19+$0x14DA0] =	vst v11  }
0x73d: {  	[tilespmem:s19+$0x14DB0] =	vst v12  }
0x73e: {  	[tilespmem:s19+$0x14DC0] =	vst v13;
	s30 =	spop (v2sf)  }
0x73f: {  	[tilespmem:s19+$0x14DD0] =	vst v14;
	s31 =	sshll.u32 s30, $0x8;
	s20 =	sshll.u32 s30, $0x7  }
0x740: {  	[tilespmem:s19+$0x14DE0] =	vst v15;
	s21 =	sand.u32 $0xFFFFF800, s31;
	s20 =	sand.u32 $0x380, s20  }
0x741: {  	[tilespmem:s19+$0x14DF0] =	vst v16;
	s20 =	sor.u32 s20, s21  }
0x742: {  	v1 =	vld [tilespmem:s20+$0x0]  }
0x743: {  	v2 =	vld [tilespmem:s20+$0x10]  }
0x744: {  	v3 =	vld [tilespmem:s20+$0x20]  }
0x745: {  	v4 =	vld [tilespmem:s20+$0x30]  }
0x746: {  	v5 =	vld [tilespmem:s20+$0x40]  }
0x747: {  	v6 =	vld [tilespmem:s20+$0x50]  }
0x748: {  	v7 =	vld [tilespmem:s20+$0x60]  }
0x749: {  	v8 =	vld [tilespmem:s20+$0x70]  }
0x74a: {  	v9 =	vld [tilespmem:s20+$0x400]  }
0x74b: {  	v10 =	vld [tilespmem:s20+$0x410]  }
0x74c: {  	v11 =	vld [tilespmem:s20+$0x420]  }
0x74d: {  	v12 =	vld [tilespmem:s20+$0x430]  }
0x74e: {  	(v2sf) =	vpush v0, $0xB;
	v13 =	vld [tilespmem:s20+$0x440]  }
0x74f: {  	v14 =	vld [tilespmem:s20+$0x450]  }
0x750: {  	v15 =	vld [tilespmem:s20+$0x460]  }
0x751: {  	v16 =	vld [tilespmem:s20+$0x470];
	[tilespmem:s19+$0x14A00] =	vst v1  }
0x752: {  	[tilespmem:s19+$0x14A10] =	vst v2  }
0x753: {  	[tilespmem:s19+$0x14A20] =	vst v3  }
0x754: {  	[tilespmem:s19+$0x14A30] =	vst v4  }
0x755: {  	[tilespmem:s19+$0x14A40] =	vst v5  }
0x756: {  	[tilespmem:s19+$0x14A50] =	vst v6  }
0x757: {  	[tilespmem:s19+$0x14A60] =	vst v7  }
0x758: {  	[tilespmem:s19+$0x14A70] =	vst v8  }
0x759: {  	[tilespmem:s19+$0x14E00] =	vst v9  }
0x75a: {  	[tilespmem:s19+$0x14E10] =	vst v10  }
0x75b: {  	[tilespmem:s19+$0x14E20] =	vst v11  }
0x75c: {  	[tilespmem:s19+$0x14E30] =	vst v12  }
0x75d: {  	[tilespmem:s19+$0x14E40] =	vst v13;
	s21 =	spop (v2sf)  }
0x75e: {  	[tilespmem:s19+$0x14E50] =	vst v14;
	s22 =	sshll.u32 s21, $0x8;
	s20 =	sshll.u32 s21, $0x7  }
0x75f: {  	[tilespmem:s19+$0x14E60] =	vst v15;
	s21 =	sand.u32 $0xFFFFF800, s22;
	s20 =	sand.u32 $0x380, s20  }
0x760: {  	[tilespmem:s19+$0x14E70] =	vst v16;
	s20 =	sor.u32 s20, s21  }
0x761: {  	v1 =	vld [tilespmem:s20+$0x0]  }
0x762: {  	v2 =	vld [tilespmem:s20+$0x10]  }
0x763: {  	v3 =	vld [tilespmem:s20+$0x20]  }
0x764: {  	v4 =	vld [tilespmem:s20+$0x30]  }
0x765: {  	v5 =	vld [tilespmem:s20+$0x40]  }
0x766: {  	v6 =	vld [tilespmem:s20+$0x50]  }
0x767: {  	v7 =	vld [tilespmem:s20+$0x60]  }
0x768: {  	v8 =	vld [tilespmem:s20+$0x70]  }
0x769: {  	v9 =	vld [tilespmem:s20+$0x400]  }
0x76a: {  	v10 =	vld [tilespmem:s20+$0x410]  }
0x76b: {  	v11 =	vld [tilespmem:s20+$0x420]  }
0x76c: {  	v12 =	vld [tilespmem:s20+$0x430]  }
0x76d: {  	(v2sf) =	vpush v0, $0xC;
	v13 =	vld [tilespmem:s20+$0x440]  }
0x76e: {  	v14 =	vld [tilespmem:s20+$0x450]  }
0x76f: {  	v15 =	vld [tilespmem:s20+$0x460]  }
0x770: {  	v16 =	vld [tilespmem:s20+$0x470];
	[tilespmem:s19+$0x14A80] =	vst v1  }
0x771: {  	[tilespmem:s19+$0x14A90] =	vst v2  }
0x772: {  	[tilespmem:s19+$0x14AA0] =	vst v3  }
0x773: {  	[tilespmem:s19+$0x14AB0] =	vst v4  }
0x774: {  	[tilespmem:s19+$0x14AC0] =	vst v5  }
0x775: {  	[tilespmem:s19+$0x14AD0] =	vst v6  }
0x776: {  	[tilespmem:s19+$0x14AE0] =	vst v7  }
0x777: {  	[tilespmem:s19+$0x14AF0] =	vst v8  }
0x778: {  	[tilespmem:s19+$0x14E80] =	vst v9  }
0x779: {  	[tilespmem:s19+$0x14E90] =	vst v10  }
0x77a: {  	[tilespmem:s19+$0x14EA0] =	vst v11  }
0x77b: {  	[tilespmem:s19+$0x14EB0] =	vst v12  }
0x77c: {  	[tilespmem:s19+$0x14EC0] =	vst v13;
	s23 =	spop (v2sf)  }
0x77d: {  	[tilespmem:s19+$0x14ED0] =	vst v14;
	s24 =	sshll.u32 s23, $0x8;
	s20 =	sshll.u32 s23, $0x7  }
0x77e: {  	[tilespmem:s19+$0x14EE0] =	vst v15;
	s21 =	sand.u32 $0xFFFFF800, s24;
	s20 =	sand.u32 $0x380, s20  }
0x77f: {  	[tilespmem:s19+$0x14EF0] =	vst v16;
	s20 =	sor.u32 s20, s21  }
0x780: {  	v1 =	vld [tilespmem:s20+$0x0]  }
0x781: {  	v2 =	vld [tilespmem:s20+$0x10]  }
0x782: {  	v3 =	vld [tilespmem:s20+$0x20]  }
0x783: {  	v4 =	vld [tilespmem:s20+$0x30]  }
0x784: {  	v5 =	vld [tilespmem:s20+$0x40]  }
0x785: {  	v6 =	vld [tilespmem:s20+$0x50]  }
0x786: {  	v7 =	vld [tilespmem:s20+$0x60]  }
0x787: {  	v8 =	vld [tilespmem:s20+$0x70]  }
0x788: {  	v9 =	vld [tilespmem:s20+$0x400]  }
0x789: {  	v10 =	vld [tilespmem:s20+$0x410]  }
0x78a: {  	v11 =	vld [tilespmem:s20+$0x420]  }
0x78b: {  	v12 =	vld [tilespmem:s20+$0x430]  }
0x78c: {  	(v2sf) =	vpush v0, $0xD;
	v13 =	vld [tilespmem:s20+$0x440]  }
0x78d: {  	v14 =	vld [tilespmem:s20+$0x450]  }
0x78e: {  	v15 =	vld [tilespmem:s20+$0x460]  }
0x78f: {  	v16 =	vld [tilespmem:s20+$0x470];
	[tilespmem:s19+$0x14B00] =	vst v1  }
0x790: {  	[tilespmem:s19+$0x14B10] =	vst v2  }
0x791: {  	[tilespmem:s19+$0x14B20] =	vst v3  }
0x792: {  	[tilespmem:s19+$0x14B30] =	vst v4  }
0x793: {  	[tilespmem:s19+$0x14B40] =	vst v5  }
0x794: {  	[tilespmem:s19+$0x14B50] =	vst v6  }
0x795: {  	[tilespmem:s19+$0x14B60] =	vst v7  }
0x796: {  	[tilespmem:s19+$0x14B70] =	vst v8  }
0x797: {  	[tilespmem:s19+$0x14F00] =	vst v9  }
0x798: {  	[tilespmem:s19+$0x14F10] =	vst v10  }
0x799: {  	[tilespmem:s19+$0x14F20] =	vst v11  }
0x79a: {  	[tilespmem:s19+$0x14F30] =	vst v12  }
0x79b: {  	[tilespmem:s19+$0x14F40] =	vst v13;
	s25 =	spop (v2sf)  }
0x79c: {  	[tilespmem:s19+$0x14F50] =	vst v14;
	s26 =	sshll.u32 s25, $0x8;
	s20 =	sshll.u32 s25, $0x7  }
0x79d: {  	[tilespmem:s19+$0x14F60] =	vst v15;
	s21 =	sand.u32 $0xFFFFF800, s26;
	s20 =	sand.u32 $0x380, s20  }
0x79e: {  	[tilespmem:s19+$0x14F70] =	vst v16;
	s20 =	sor.u32 s20, s21  }
0x79f: {  	v1 =	vld [tilespmem:s20+$0x0]  }
0x7a0: {  	v2 =	vld [tilespmem:s20+$0x10]  }
0x7a1: {  	v3 =	vld [tilespmem:s20+$0x20]  }
0x7a2: {  	v4 =	vld [tilespmem:s20+$0x30]  }
0x7a3: {  	v5 =	vld [tilespmem:s20+$0x40]  }
0x7a4: {  	v6 =	vld [tilespmem:s20+$0x50]  }
0x7a5: {  	v7 =	vld [tilespmem:s20+$0x60]  }
0x7a6: {  	v8 =	vld [tilespmem:s20+$0x70]  }
0x7a7: {  	v9 =	vld [tilespmem:s20+$0x400]  }
0x7a8: {  	v10 =	vld [tilespmem:s20+$0x410]  }
0x7a9: {  	v11 =	vld [tilespmem:s20+$0x420]  }
0x7aa: {  	v12 =	vld [tilespmem:s20+$0x430]  }
0x7ab: {  	(v2sf) =	vpush v0, $0xE;
	v13 =	vld [tilespmem:s20+$0x440]  }
0x7ac: {  	v14 =	vld [tilespmem:s20+$0x450]  }
0x7ad: {  	v15 =	vld [tilespmem:s20+$0x460]  }
0x7ae: {  	v16 =	vld [tilespmem:s20+$0x470];
	[tilespmem:s19+$0x14B80] =	vst v1  }
0x7af: {  	[tilespmem:s19+$0x14B90] =	vst v2  }
0x7b0: {  	[tilespmem:s19+$0x14BA0] =	vst v3  }
0x7b1: {  	[tilespmem:s19+$0x14BB0] =	vst v4  }
0x7b2: {  	[tilespmem:s19+$0x14BC0] =	vst v5  }
0x7b3: {  	[tilespmem:s19+$0x14BD0] =	vst v6  }
0x7b4: {  	[tilespmem:s19+$0x14BE0] =	vst v7  }
0x7b5: {  	[tilespmem:s19+$0x14BF0] =	vst v8  }
0x7b6: {  	[tilespmem:s19+$0x14F80] =	vst v9  }
0x7b7: {  	[tilespmem:s19+$0x14F90] =	vst v10  }
0x7b8: {  	[tilespmem:s19+$0x14FA0] =	vst v11  }
0x7b9: {  	[tilespmem:s19+$0x14FB0] =	vst v12  }
0x7ba: {  	[tilespmem:s19+$0x14FC0] =	vst v13;
	s28 =	spop (v2sf)  }
0x7bb: {  	[tilespmem:s19+$0x14FD0] =	vst v14;
	s29 =	sshll.u32 s28, $0x8;
	s20 =	sshll.u32 s28, $0x7  }
0x7bc: {  	[tilespmem:s19+$0x14FE0] =	vst v15;
	s21 =	sand.u32 $0xFFFFF800, s29;
	s20 =	sand.u32 $0x380, s20  }
0x7bd: {  	[tilespmem:s19+$0x14FF0] =	vst v16;
	s20 =	sor.u32 s20, s21  }
0x7be: {  	v1 =	vld [tilespmem:s20+$0x0]  }
0x7bf: {  	v2 =	vld [tilespmem:s20+$0x10]  }
0x7c0: {  	v3 =	vld [tilespmem:s20+$0x20]  }
0x7c1: {  	v4 =	vld [tilespmem:s20+$0x30]  }
0x7c2: {  	v5 =	vld [tilespmem:s20+$0x40]  }
0x7c3: {  	v6 =	vld [tilespmem:s20+$0x50]  }
0x7c4: {  	v7 =	vld [tilespmem:s20+$0x60]  }
0x7c5: {  	v8 =	vld [tilespmem:s20+$0x70]  }
0x7c6: {  	v9 =	vld [tilespmem:s20+$0x400]  }
0x7c7: {  	v10 =	vld [tilespmem:s20+$0x410]  }
0x7c8: {  	v11 =	vld [tilespmem:s20+$0x420]  }
0x7c9: {  	v12 =	vld [tilespmem:s20+$0x430]  }
0x7ca: {  	(v2sf) =	vpush v0, $0xF;
	v13 =	vld [tilespmem:s20+$0x440]  }
0x7cb: {  	v14 =	vld [tilespmem:s20+$0x450]  }
0x7cc: {  	v63 =	vld [tilespmem:s20+$0x460]  }
0x7cd: {  	v15 =	vld [tilespmem:s20+$0x470];
	[tilespmem:s19+$0x14C00] =	vst v1  }
0x7ce: {  	[tilespmem:s19+$0x14C10] =	vst v2  }
0x7cf: {  	[tilespmem:s19+$0x14C20] =	vst v3  }
0x7d0: {  	[tilespmem:s19+$0x14C30] =	vst v4  }
0x7d1: {  	[tilespmem:s19+$0x14C40] =	vst v5  }
0x7d2: {  	[tilespmem:s19+$0x14C50] =	vst v6  }
0x7d3: {  	[tilespmem:s19+$0x14C60] =	vst v7  }
0x7d4: {  	[tilespmem:s19+$0x14C70] =	vst v8  }
0x7d5: {  	[tilespmem:s19+$0x15000] =	vst v9  }
0x7d6: {  	[tilespmem:s19+$0x15010] =	vst v10  }
0x7d7: {  	[tilespmem:s19+$0x15020] =	vst v11  }
0x7d8: {  	[tilespmem:s19+$0x15030] =	vst v12  }
0x7d9: {  	[tilespmem:s19+$0x15040] =	vst v13;
	s30 =	spop (v2sf)  }
0x7da: {  	[tilespmem:s19+$0x15050] =	vst v14;
	s31 =	sshll.u32 s30, $0x8;
	s20 =	sshll.u32 s30, $0x7  }
0x7db: {  	[tilespmem:s19+$0x15060] =	vst v63;
	s21 =	sand.u32 $0xFFFFF800, s31;
	s20 =	sand.u32 $0x380, s20  }
0x7dc: {  	[tilespmem:s19+$0x15070] =	vst v15;
	s20 =	sor.u32 s20, s21  }
0x7dd: {  	v0 =	vld [tilespmem:s20+$0x0]  }
0x7de: {  	v1 =	vld [tilespmem:s20+$0x10]  }
0x7df: {  	v2 =	vld [tilespmem:s20+$0x20]  }
0x7e0: {  	v3 =	vld [tilespmem:s20+$0x30]  }
0x7e1: {  	v4 =	vld [tilespmem:s20+$0x40]  }
0x7e2: {  	v5 =	vld [tilespmem:s20+$0x50]  }
0x7e3: {  	v6 =	vld [tilespmem:s20+$0x60]  }
0x7e4: {  	v7 =	vld [tilespmem:s20+$0x70]  }
0x7e5: {  	v8 =	vld [tilespmem:s20+$0x400]  }
0x7e6: {  	v9 =	vld [tilespmem:s20+$0x410]  }
0x7e7: {  	v10 =	vld [tilespmem:s20+$0x420]  }
0x7e8: {  	v11 =	vld [tilespmem:s20+$0x430]  }
0x7e9: {  	v12 =	vld [tilespmem:s20+$0x440]  }
0x7ea: {  	v13 =	vld [tilespmem:s20+$0x450]  }
0x7eb: {  	v14 =	vld [tilespmem:s20+$0x460]  }
0x7ec: {  	v15 =	vld [tilespmem:s20+$0x470];
	[tilespmem:s19+$0x14C80] =	vst v0  }
0x7ed: {  	[tilespmem:s19+$0x14C90] =	vst v1  }
0x7ee: {  	[tilespmem:s19+$0x14CA0] =	vst v2  }
0x7ef: {  	[tilespmem:s19+$0x14CB0] =	vst v3  }
0x7f0: {  	[tilespmem:s19+$0x14CC0] =	vst v4  }
0x7f1: {  	[tilespmem:s19+$0x14CD0] =	vst v5  }
0x7f2: {  	[tilespmem:s19+$0x14CE0] =	vst v6  }
0x7f3: {  	[tilespmem:s19+$0x14CF0] =	vst v7  }
0x7f4: {  	[tilespmem:s19+$0x15080] =	vst v8  }
0x7f5: {  	[tilespmem:s19+$0x15090] =	vst v9  }
0x7f6: {  	p0 =	sne.s32 s18, $0x3;
	[tilespmem:s19+$0x150A0] =	vst v10  }
.Ltmp3:
0x7f7: {  	[tilespmem:s19+$0x150B0] =	vst v11;
	(pc) =	sbr.rel @p0 .LBB2_8-.Ltmp3, $4  }
0x7f8: {  	[tilespmem:s19+$0x150C0] =	vst v12  }
0x7f9: {  	[tilespmem:s19+$0x150D0] =	vst v13  }
0x7fa: {  	[tilespmem:s19+$0x150E0] =	vst v14  }
0x7fb: {  	s18 =	sadd.s32 $0x1, s18;
	[tilespmem:s19+$0x150F0] =	vst v15  }
0x7fc: {  	[hbm4b:s8+s3] =	stream.linear.scatter [tilespmem:s15], [sflag:$0x1], $0x4000, $0x38;
	[tilespmem:$0x18100] =	vst v63  }
0x7fd: {  	_ =	swait.ge [sflag:s16], $0x4000  }
0x7fe: {  	[sflag:s16] =	ssyncset.done $0x0  }
0x7ff: {  	[sflag:s16] =	ssyncadd.s32 $0xFFFFC000  }
0x800: {  	_ =	swait.ge [sflag:s16], $0x4000  }
0x801: {  	[sflag:s16] =	ssyncset.done $0x0  }
0x802: {  	s17 =	sadd.s32 $0x1, s17;
	[sflag:s16] =	ssyncadd.s32 $0xFFFFC000  }
0x803: {  	p0 =	sne.s32 s17, s9;
	_ =	swait.ge [sflag:s16], $0x4000  }
.Ltmp4:
0x804: {  	[sflag:s16] =	ssyncset.done $0x0;
	(pc) =	sbr.rel @p0 .LBB2_1-.Ltmp4, $4  }
0x805: {  	[sflag:s16] =	ssyncadd.s32 $0xFFFFC000  }
0x806: {  	_ =	swait.ge [sflag:s16], $0x4000  }
0x807: {  	[sflag:s16] =	ssyncset.done $0x0  }
0x808: {  	[sflag:s16] =	ssyncadd.s32 $0xFFFFC000  }
0x809: {  	_ =	sfence.sel $0x180000  }
0x80a: {  	[bflag:$0x0] =	sbarrier.arrive $0xFFFF  }
0x80b: {  	p0 =	sne.s32 s2, $0x0;
	_ =	strace $0x90000047  }
0x80c: {  	s0 =	sadd.s32 @!p0 $0x100000, s0;
	[bflag:$0x2] =	sbarrier.arrive $0xFFFF  }
0x80d: {  	[sflag:s0] =	ssyncadd.tile.s32 @!p0 $0x1;
	_ =	shalt  }
.Lfunc_end2:
_tile_overlayer_lowered:
.L_overlay_start_2:
0x80e: {  	(tag) =	ssettag $0x2  }
0x80f: {  	s0 =	rddreg [dreg:$0x0];
	s2 =	stileid.u32  }
0x810: {  	s1 =	rddreg [dreg:$0x1];
	p0 =	sne.s32 s2, $0x0  }
0x811: {  	s3 =	rddreg [dreg:$0x2];
	[bflag:$0x3] =	sbarrier.arrive $0xFFFF;
	s2 =	simm.s32 @!p0 $0x1C02  }
0x812: {  	[timem:s3], [sflag:s2] =	dma.local @!p0 [hbm:s0], s1  }
0x813: {  	s0 =	simm.s32 @!p0 $0x2  }
0x814: {  	_ =	swait.ge @!p0 [sflag:s0], s1  }
0x815: {  	s1 =	ssub.s32 @!p0 $0x0, s1;
	[sflag:s0] =	ssyncset.done @!p0 $0x0  }
0x816: {  	[sflag:s0] =	ssyncadd.s32 @!p0 s1  }
0x817: {  	[bflag:$0x3] =	sbarrier.arrive $0xFFFF  }
0x818: {  	_ =	shalt  }

</sc_bundles>
